<compile_context>
chip_gen: v7x
topology: tpu7x:2x2x1
jax: 0.10.2.dev20260603
libtpu: 0.0.44.dev20260713+nightly
codegen_flags: <defaults>
</compile_context>

<pallas_src>
import functools
import jax
import jax.numpy as jnp
from jax import lax
from jax.experimental import pallas as pl
from jax.experimental.pallas import tpu as pltpu
from jax.experimental.pallas import tpu_sc as plsc

NUM_CLASSES = 20
L = 16
KL = NUM_CLASSES * L
NW = 32
CP = 256


def _inv_norm(ss):
    x = jnp.maximum(ss, jnp.full((L,), 1e-24, jnp.float32))
    i = lax.bitcast_convert_type(x, jnp.int32)
    i = jnp.full((L,), 0x5F3759DF, jnp.int32) - lax.shift_right_logical(
        i, jnp.full((L,), 1, jnp.int32))
    y = lax.bitcast_convert_type(i, jnp.float32)
    half = jnp.full((L,), 0.5, jnp.float32) * x
    threehalf = jnp.full((L,), 1.5, jnp.float32)
    for _ in range(3):
        y = y * (threehalf - half * y * y)
    return y


def _sc_partials(feats, lab):
    bs, c, hw = feats.shape
    pix_per_w = bs * hw // NW
    nchunk = pix_per_w // CP
    wpb = hw // pix_per_w

    mesh = plsc.VectorSubcoreMesh(core_axis_name="c", subcore_axis_name="s")

    @functools.partial(
        pl.kernel, mesh=mesh,
        compiler_params=pltpu.CompilerParams(needs_layout_passes=False),
        out_type=jax.ShapeDtypeStruct((NW, c * KL), jnp.float32),
        scratch_types=[
            pltpu.VMEM((2, c, CP), jnp.float32),
            pltpu.VMEM((2, CP), jnp.int32),
            pltpu.VMEM((c * KL,), jnp.float32),
            pltpu.SemaphoreType.DMA((2,)),
            pltpu.SemaphoreType.DMA((2,)),
        ],
    )
    def k(f_hbm, l_hbm, out_hbm, fbuf, lbuf, acc, fsem, lsem):
        wid = lax.axis_index("s") * 2 + lax.axis_index("c")
        b = wid // wpb
        base = (wid % wpb) * pix_per_w

        zero16 = jnp.zeros((L,), jnp.float32)

        def clr(i, _):
            acc[pl.ds(i * L, L)] = zero16
            return 0
        lax.fori_loop(0, c * NUM_CLASSES, clr, 0)

        lane = lax.iota(jnp.int32, L)

        def start(ch, slot):
            off = base + ch * CP
            pltpu.make_async_copy(f_hbm.at[b, :, pl.ds(off, CP)],
                                  fbuf.at[slot], fsem.at[slot]).start()
            pltpu.make_async_copy(l_hbm.at[b, pl.ds(off, CP)],
                                  lbuf.at[slot], lsem.at[slot]).start()

        def wait(ch, slot):
            off = base + ch * CP
            pltpu.make_async_copy(f_hbm.at[b, :, pl.ds(off, CP)],
                                  fbuf.at[slot], fsem.at[slot]).wait()
            pltpu.make_async_copy(l_hbm.at[b, pl.ds(off, CP)],
                                  lbuf.at[slot], lsem.at[slot]).wait()

        start(0, 0)

        def chunk_body(ch, _):
            slot = lax.rem(ch, 2)

            @pl.when(ch + 1 < nchunk)
            def _():
                start(ch + 1, lax.rem(ch + 1, 2))

            wait(ch, slot)

            def group_body(g, _):
                lab16 = lbuf[slot, pl.ds(g * L, L)]

                parts = [zero16, zero16, zero16, zero16]
                for cc in range(c):
                    v = fbuf[slot, cc, pl.ds(g * L, L)]
                    parts[cc % 4] = parts[cc % 4] + v * v
                ss = (parts[0] + parts[1]) + (parts[2] + parts[3])
                inv = _inv_norm(ss)

                idx0 = lab16 * L + lane

                for cb in range(0, c, 8):
                    vs = [fbuf[slot, cb + j, pl.ds(g * L, L)] * inv
                          for j in range(8)]
                    for j in range(8):
                        plsc.addupdate_scatter(
                            acc.at[pl.ds((cb + j) * KL, KL)], [idx0], vs[j])
                return 0

            lax.fori_loop(0, CP // L, group_body, 0)
            return 0

        lax.fori_loop(0, nchunk, chunk_body, 0)

        pltpu.sync_copy(acc, out_hbm.at[wid])

    return k(feats, lab)


def _tc_finish(partials):
    def body(p_ref, o_ref):
        p = jnp.sum(p_ref[...], axis=0)
        r = lax.broadcasted_iota(jnp.int32, (KL, NUM_CLASSES), 0)
        kk = lax.broadcasted_iota(jnp.int32, (KL, NUM_CLASSES), 1)
        m = jnp.where(lax.shift_right_logical(r, 4) == kk, 1.0, 0.0)
        proto = jax.lax.dot_general(
            p, m, (((1,), (0,)), ((), ())),
            preferred_element_type=jnp.float32)
        pn = jnp.sqrt(jnp.sum(proto * proto, axis=0, keepdims=True))
        o_ref[...] = proto / jnp.maximum(pn, 1e-12)

    nw = partials.shape[0]
    c = partials.shape[1] // KL
    return pl.pallas_call(
        body,
        out_shape=jax.ShapeDtypeStruct((c, NUM_CLASSES), jnp.float32),
    )(partials.reshape(nw, c, KL))


def kernel(features, labels):
    bs, c, h, w = features.shape
    hw = h * w
    feats = features.reshape(bs, c, hw)
    lab = labels.astype(jnp.int32).reshape(bs, hw)

    partials = _sc_partials(feats, lab)
    proto = _tc_finish(partials)
    return proto[:, :NUM_CLASSES - 1]

# --- scband reference (transcript-rebuilt; emitter-appended) ---
"""Pipeline reference for scband-extract-hyper-sphere-prototypes-31542239822124 (READ-ONLY COPY).

The authoritative reference and input builder live on the scoring server;
editing this copy changes nothing except your own understanding.
"""

import jax, jax.numpy as jnp
import numpy as np

NUM_KNOWN_CLASSES = 19

def setup_inputs(seed: int = 0) -> dict:
    key = jax.random.key(seed)
    k1, k2 = jax.random.split(key)
    features = jax.random.normal(k1, (16, 128, 128, 128), dtype=jnp.float32)
    labels = jax.random.randint(k2, (16, 128, 128), 0, NUM_KNOWN_CLASSES + 1, dtype=jnp.int64)
    return {"features": features, "labels": labels}

def reference(features, labels):
    bs, feature_length, h, w = features.shape
    # F.normalize(p=2, dim=1): x / max(||x||_2, eps)
    norm = jnp.linalg.norm(features, axis=1, keepdims=True)
    feats = features / jnp.maximum(norm, 1e-12)
    feats = jnp.transpose(feats, (0, 2, 3, 1)).reshape(bs * h * w, feature_length)
    lab = labels.reshape(bs * h * w)
    one_hot_labels = jax.nn.one_hot(lab, NUM_KNOWN_CLASSES + 1, dtype=jnp.float32)
    prototypes = jnp.matmul(feats.T, one_hot_labels)
    prototypes = prototypes[:, :-1]
    pnorm = jnp.linalg.norm(prototypes, axis=0, keepdims=True)
    prototypes = prototypes / jnp.maximum(pnorm, 1e-12)
    return prototypes

if __name__ == "__main__":
    import jax
    _d = setup_inputs()
    print(jax.jit(kernel)(*tuple(_d.values())))

</pallas_src>

<mosaic_0001>
#map = affine_map<(d0, d1) -> (0, 0, 0)>
#map1 = affine_map<(d0, d1) -> (0, 0)>
module attributes {stable_mosaic.version = 14 : i64} {
  func.func @k(%arg0: i32, %arg1: i32, %arg2: memref<16x128x16384xf32, #tpu.memory_space<hbm>>, %arg3: memref<16x16384xi32, #tpu.memory_space<hbm>>, %arg4: memref<32x40960xf32, #tpu.memory_space<hbm>>, %arg5: memref<2x128x256xf32, #tpu.memory_space<vmem>>, %arg6: memref<2x256xi32, #tpu.memory_space<vmem>>, %arg7: memref<40960xf32, #tpu.memory_space<vmem>>, %arg8: memref<2x!tpu.dma_semaphore, #tpu.memory_space<semaphore_mem>>, %arg9: memref<2x!tpu.dma_semaphore, #tpu.memory_space<semaphore_mem>>) attributes {dimension_semantics = [#tpu.dimension_semantics<core_parallel>, #tpu.dimension_semantics<subcore_parallel>], iteration_bounds = array<i64: 2, 16>, scalar_prefetch = 0 : i64, scratch_operands = 5 : i64, tpu.core_type = #tpu.core_type<sc_vector_subcore>, window_params = [{transform_indices = #map}, {transform_indices = #map1}, {transform_indices = #map1}]} {
    %mul3A = arith.constant 2 : i32
    %mul3A_0 = arith.muli %arg1, %mul3A : i32
    %add3A = arith.addi %mul3A_0, %arg0 : i32
    %jit3A = arith.constant 2 : i32
    %div3A = arith.divsi %add3A, %jit3A : i32
    %sign3A = arith.constant 0 : i32
    %sign3A_1 = arith.cmpi sgt, %add3A, %sign3A : i32
    %sign3A_2 = arith.extui %sign3A_1 : i1 to i32
    %sign3A_3 = arith.constant 0 : i32
    %sign3A_4 = arith.cmpi slt, %add3A, %sign3A_3 : i32
    %sign3A_5 = arith.extui %sign3A_4 : i1 to i32
    %sign3A_6 = arith.subi %sign3A_2, %sign3A_5 : i32
    %sign3A_7 = arith.constant 0 : i32
    %sign3A_8 = arith.cmpi sgt, %jit3A, %sign3A_7 : i32
    %sign3A_9 = arith.extui %sign3A_8 : i1 to i32
    %sign3A_10 = arith.constant 0 : i32
    %sign3A_11 = arith.cmpi slt, %jit3A, %sign3A_10 : i32
    %sign3A_12 = arith.extui %sign3A_11 : i1 to i32
    %sign3A_13 = arith.subi %sign3A_9, %sign3A_12 : i32
    %ne3A = arith.cmpi ne, %sign3A_6, %sign3A_13 : i32
    %rem3A = arith.remsi %add3A, %jit3A : i32
    %ne3A_14 = arith.constant 0 : i32
    %ne3A_15 = arith.cmpi ne, %rem3A, %ne3A_14 : i32
    %and3A = arith.andi %ne3A, %ne3A_15 : i1
    %sub3A = arith.constant 1 : i32
    %sub3A_16 = arith.subi %div3A, %sub3A : i32
    %select_n3A = arith.select %and3A, %sub3A_16, %div3A : i32
    %jit3A_17 = arith.constant 2 : i32
    %eq3A = arith.constant 0 : i32
    %eq3A_18 = arith.cmpi eq, %jit3A_17, %eq3A : i32
    %jit3A_19 = arith.constant 1 : i32
    %select_n3A_20 = arith.select %eq3A_18, %jit3A_19, %jit3A_17 : i32
    %rem3A_21 = arith.remsi %add3A, %select_n3A_20 : i32
    %ne3A_22 = arith.constant 0 : i32
    %ne3A_23 = arith.cmpi ne, %rem3A_21, %ne3A_22 : i32
    %lt3A = arith.constant 0 : i32
    %lt3A_24 = arith.cmpi slt, %rem3A_21, %lt3A : i32
    %lt3A_25 = arith.constant 0 : i32
    %lt3A_26 = arith.cmpi slt, %select_n3A_20, %lt3A_25 : i32
    %ne3A_27 = arith.xori %lt3A_24, %lt3A_26 : i1
    %and3A_28 = arith.andi %ne3A_27, %ne3A_23 : i1
    %add3A_29 = arith.addi %rem3A_21, %select_n3A_20 : i32
    %select_n3A_30 = arith.select %and3A_28, %add3A_29, %rem3A_21 : i32
    %mul3A_31 = arith.constant 8192 : i32
    %mul3A_32 = arith.muli %select_n3A_30, %mul3A_31 : i32
    %broadcast_in_dim3A = arith.constant 0.000000e+00 : f32
    %broadcast_in_dim3A_33 = vector.broadcast %broadcast_in_dim3A : f32 to vector<16xf32>
    %scan3A = arith.constant 0 : i32
    %scan3A_34 = arith.constant 0 : i32
    %scan3A_35 = arith.constant 2560 : i32
    %scan3A_36 = arith.addi %scan3A_34, %scan3A_35 : i32
    %scan3A_37 = arith.constant 1 : i32
    %scan3A_38 = scf.for %scan3A_80 = %scan3A_34 to %scan3A_36 step %scan3A_37 iter_args(%scan3A_81 = %scan3A) -> (i32)  : i32 {
      %mul3A_82 = arith.constant 16 : i32
      %mul3A_83 = arith.muli %scan3A_80, %mul3A_82 : i32
      %swap3A = arith.index_cast %mul3A_83 : i32 to index
      %swap3A_84 = tpu.vector_load %arg7[%swap3A] {strides = array<i32>} : memref<40960xf32, #tpu.memory_space<vmem>>, vector<16xf32>,
      tpu.vector_store %arg7[%swap3A], %broadcast_in_dim3A_33 {strides = array<i32>} : memref<40960xf32, #tpu.memory_space<vmem>>, vector<16xf32>,
      %scan3A_85 = arith.constant 0 : i32
      scf.yield %scan3A_85 : i32
    }
    %scan3A_39 = arith.constant 2560 : i32
    %iota3A = tpu.iota {dimensions = array<i32: 0>} : vector<16xi32>
    %add3A_40 = arith.constant 0 : i32
    %add3A_41 = arith.addi %mul3A_32, %add3A_40 : i32
    %dma_start3A = arith.constant 0 : i32
    %dma_start3A_42 = arith.constant 0 : i32
    %dma_start3A_43 = arith.constant 0 : i32
    %dma_start3A_44 = arith.constant 0 : i32
    %dma_start3A_45 = tpu.memref_slice %arg5[%dma_start3A, %dma_start3A_43, %dma_start3A_44] : memref<2x128x256xf32, #tpu.memory_space<vmem>> -> memref<1x128x256xf32, #tpu.memory_space<vmem>>
    %dma_start3A_46 = tpu.memref_squeeze %dma_start3A_45 : memref<1x128x256xf32, #tpu.memory_space<vmem>> -> memref<128x256xf32, #tpu.memory_space<vmem>>
    %dma_start3A_47 = arith.constant 0 : i32
    %dma_start3A_48 = tpu.memref_slice %arg2[%select_n3A, %dma_start3A_47, %add3A_41] : memref<16x128x16384xf32, #tpu.memory_space<hbm>> -> memref<1x128x256xf32, #tpu.memory_space<hbm>>
    %dma_start3A_49 = tpu.memref_squeeze %dma_start3A_48 : memref<1x128x256xf32, #tpu.memory_space<hbm>> -> memref<128x256xf32, #tpu.memory_space<hbm>>
    %dma_start3A_50 = tpu.memref_slice %arg8[%dma_start3A_42] : memref<2x!tpu.dma_semaphore, #tpu.memory_space<semaphore_mem>> -> memref<1x!tpu.dma_semaphore, #tpu.memory_space<semaphore_mem>>
    %dma_start3A_51 = tpu.memref_squeeze %dma_start3A_50 : memref<1x!tpu.dma_semaphore, #tpu.memory_space<semaphore_mem>> -> memref<!tpu.dma_semaphore, #tpu.memory_space<semaphore_mem>>
    %dma_start3A_52 = arith.constant 0 : i32
    %dma_start3A_53 = arith.constant 0 : i32
    %dma_start3A_54 = tpu.memref_slice %arg5[%dma_start3A, %dma_start3A_52, %dma_start3A_53] : memref<2x128x256xf32, #tpu.memory_space<vmem>> -> memref<1x128x256xf32, #tpu.memory_space<vmem>>
    %dma_start3A_55 = tpu.memref_squeeze %dma_start3A_54 : memref<1x128x256xf32, #tpu.memory_space<vmem>> -> memref<128x256xf32, #tpu.memory_space<vmem>>
    %dma_start3A_56 = arith.constant 0 : i32
    %dma_start3A_57 = tpu.memref_slice %arg2[%select_n3A, %dma_start3A_56, %add3A_41] : memref<16x128x16384xf32, #tpu.memory_space<hbm>> -> memref<1x128x256xf32, #tpu.memory_space<hbm>>
    %dma_start3A_58 = tpu.memref_squeeze %dma_start3A_57 : memref<1x128x256xf32, #tpu.memory_space<hbm>> -> memref<128x256xf32, #tpu.memory_space<hbm>>
    tpu.enqueue_dma source(%dma_start3A_58 : memref<128x256xf32, #tpu.memory_space<hbm>>) target(%dma_start3A_55 : memref<128x256xf32, #tpu.memory_space<vmem>>) target_semaphore(%dma_start3A_51 : memref<!tpu.dma_semaphore, #tpu.memory_space<semaphore_mem>>)
    %dma_start3A_59 = arith.constant 0 : i32
    %dma_start3A_60 = arith.constant 0 : i32
    %dma_start3A_61 = arith.constant 0 : i32
    %dma_start3A_62 = tpu.memref_slice %arg6[%dma_start3A_59, %dma_start3A_61] : memref<2x256xi32, #tpu.memory_space<vmem>> -> memref<1x256xi32, #tpu.memory_space<vmem>>
    %dma_start3A_63 = tpu.memref_squeeze %dma_start3A_62 : memref<1x256xi32, #tpu.memory_space<vmem>> -> memref<256xi32, #tpu.memory_space<vmem>>
    %dma_start3A_64 = tpu.memref_slice %arg3[%select_n3A, %add3A_41] : memref<16x16384xi32, #tpu.memory_space<hbm>> -> memref<1x256xi32, #tpu.memory_space<hbm>>
    %dma_start3A_65 = tpu.memref_squeeze %dma_start3A_64 : memref<1x256xi32, #tpu.memory_space<hbm>> -> memref<256xi32, #tpu.memory_space<hbm>>
    %dma_start3A_66 = tpu.memref_slice %arg9[%dma_start3A_60] : memref<2x!tpu.dma_semaphore, #tpu.memory_space<semaphore_mem>> -> memref<1x!tpu.dma_semaphore, #tpu.memory_space<semaphore_mem>>
    %dma_start3A_67 = tpu.memref_squeeze %dma_start3A_66 : memref<1x!tpu.dma_semaphore, #tpu.memory_space<semaphore_mem>> -> memref<!tpu.dma_semaphore, #tpu.memory_space<semaphore_mem>>
    %dma_start3A_68 = arith.constant 0 : i32
    %dma_start3A_69 = tpu.memref_slice %arg6[%dma_start3A_59, %dma_start3A_68] : memref<2x256xi32, #tpu.memory_space<vmem>> -> memref<1x256xi32, #tpu.memory_space<vmem>>
    %dma_start3A_70 = tpu.memref_squeeze %dma_start3A_69 : memref<1x256xi32, #tpu.memory_space<vmem>> -> memref<256xi32, #tpu.memory_space<vmem>>
    %dma_start3A_71 = tpu.memref_slice %arg3[%select_n3A, %add3A_41] : memref<16x16384xi32, #tpu.memory_space<hbm>> -> memref<1x256xi32, #tpu.memory_space<hbm>>
    %dma_start3A_72 = tpu.memref_squeeze %dma_start3A_71 : memref<1x256xi32, #tpu.memory_space<hbm>> -> memref<256xi32, #tpu.memory_space<hbm>>
    tpu.enqueue_dma source(%dma_start3A_72 : memref<256xi32, #tpu.memory_space<hbm>>) target(%dma_start3A_70 : memref<256xi32, #tpu.memory_space<vmem>>) target_semaphore(%dma_start3A_67 : memref<!tpu.dma_semaphore, #tpu.memory_space<semaphore_mem>>)
    %scan3A_73 = arith.constant 0 : i32
    %scan3A_74 = arith.constant 0 : i32
    %scan3A_75 = arith.constant 32 : i32
    %scan3A_76 = arith.addi %scan3A_74, %scan3A_75 : i32
    %scan3A_77 = arith.constant 1 : i32
    %scan3A_78 = scf.for %scan3A_80 = %scan3A_74 to %scan3A_76 step %scan3A_77 iter_args(%scan3A_81 = %scan3A_73) -> (i32)  : i32 {
      %rem3A_82 = arith.constant 2 : i32
      %rem3A_83 = arith.remsi %scan3A_80, %rem3A_82 : i32
      %add3A_84 = arith.constant 1 : i32
      %add3A_85 = arith.addi %scan3A_80, %add3A_84 : i32
      %lt3A_86 = arith.constant 32 : i32
      %lt3A_87 = arith.cmpi slt, %add3A_85, %lt3A_86 : i32
      %convert_element_type3A = arith.extui %lt3A_87 : i1 to i32
      %cond3A = arith.constant 0 : i32
      %cond3A_88 = arith.cmpi ne, %convert_element_type3A, %cond3A : i32
      scf.if %cond3A_88 {
        %add3A_127 = arith.constant 1 : i32
        %add3A_128 = arith.addi %scan3A_80, %add3A_127 : i32
        %add3A_129 = arith.constant 1 : i32
        %add3A_130 = arith.addi %scan3A_80, %add3A_129 : i32
        %rem3A_131 = arith.constant 2 : i32
        %rem3A_132 = arith.remsi %add3A_130, %rem3A_131 : i32
        %mul3A_133 = arith.constant 256 : i32
        %mul3A_134 = arith.muli %add3A_128, %mul3A_133 : i32
        %add3A_135 = arith.addi %mul3A_32, %mul3A_134 : i32
        %dma_start3A_136 = arith.constant 0 : i32
        %dma_start3A_137 = arith.constant 0 : i32
        %dma_start3A_138 = tpu.memref_slice %arg5[%rem3A_132, %dma_start3A_136, %dma_start3A_137] : memref<2x128x256xf32, #tpu.memory_space<vmem>> -> memref<1x128x256xf32, #tpu.memory_space<vmem>>
        %dma_start3A_139 = tpu.memref_squeeze %dma_start3A_138 : memref<1x128x256xf32, #tpu.memory_space<vmem>> -> memref<128x256xf32, #tpu.memory_space<vmem>>
        %dma_start3A_140 = arith.constant 0 : i32
        %dma_start3A_141 = tpu.memref_slice %arg2[%select_n3A, %dma_start3A_140, %add3A_135] : memref<16x128x16384xf32, #tpu.memory_space<hbm>> -> memref<1x128x256xf32, #tpu.memory_space<hbm>>
        %dma_start3A_142 = tpu.memref_squeeze %dma_start3A_141 : memref<1x128x256xf32, #tpu.memory_space<hbm>> -> memref<128x256xf32, #tpu.memory_space<hbm>>
        %dma_start3A_143 = tpu.memref_slice %arg8[%rem3A_132] : memref<2x!tpu.dma_semaphore, #tpu.memory_space<semaphore_mem>> -> memref<1x!tpu.dma_semaphore, #tpu.memory_space<semaphore_mem>>
        %dma_start3A_144 = tpu.memref_squeeze %dma_start3A_143 : memref<1x!tpu.dma_semaphore, #tpu.memory_space<semaphore_mem>> -> memref<!tpu.dma_semaphore, #tpu.memory_space<semaphore_mem>>
        %dma_start3A_145 = arith.constant 0 : i32
        %dma_start3A_146 = arith.constant 0 : i32
        %dma_start3A_147 = tpu.memref_slice %arg5[%rem3A_132, %dma_start3A_145, %dma_start3A_146] : memref<2x128x256xf32, #tpu.memory_space<vmem>> -> memref<1x128x256xf32, #tpu.memory_space<vmem>>
        %dma_start3A_148 = tpu.memref_squeeze %dma_start3A_147 : memref<1x128x256xf32, #tpu.memory_space<vmem>> -> memref<128x256xf32, #tpu.memory_space<vmem>>
        %dma_start3A_149 = arith.constant 0 : i32
        %dma_start3A_150 = tpu.memref_slice %arg2[%select_n3A, %dma_start3A_149, %add3A_135] : memref<16x128x16384xf32, #tpu.memory_space<hbm>> -> memref<1x128x256xf32, #tpu.memory_space<hbm>>
        %dma_start3A_151 = tpu.memref_squeeze %dma_start3A_150 : memref<1x128x256xf32, #tpu.memory_space<hbm>> -> memref<128x256xf32, #tpu.memory_space<hbm>>
        tpu.enqueue_dma source(%dma_start3A_151 : memref<128x256xf32, #tpu.memory_space<hbm>>) target(%dma_start3A_148 : memref<128x256xf32, #tpu.memory_space<vmem>>) target_semaphore(%dma_start3A_144 : memref<!tpu.dma_semaphore, #tpu.memory_space<semaphore_mem>>)
        %dma_start3A_152 = arith.constant 0 : i32
        %dma_start3A_153 = tpu.memref_slice %arg6[%rem3A_132, %dma_start3A_152] : memref<2x256xi32, #tpu.memory_space<vmem>> -> memref<1x256xi32, #tpu.memory_space<vmem>>
        %dma_start3A_154 = tpu.memref_squeeze %dma_start3A_153 : memref<1x256xi32, #tpu.memory_space<vmem>> -> memref<256xi32, #tpu.memory_space<vmem>>
        %dma_start3A_155 = tpu.memref_slice %arg3[%select_n3A, %add3A_135] : memref<16x16384xi32, #tpu.memory_space<hbm>> -> memref<1x256xi32, #tpu.memory_space<hbm>>
        %dma_start3A_156 = tpu.memref_squeeze %dma_start3A_155 : memref<1x256xi32, #tpu.memory_space<hbm>> -> memref<256xi32, #tpu.memory_space<hbm>>
        %dma_start3A_157 = tpu.memref_slice %arg9[%rem3A_132] : memref<2x!tpu.dma_semaphore, #tpu.memory_space<semaphore_mem>> -> memref<1x!tpu.dma_semaphore, #tpu.memory_space<semaphore_mem>>
        %dma_start3A_158 = tpu.memref_squeeze %dma_start3A_157 : memref<1x!tpu.dma_semaphore, #tpu.memory_space<semaphore_mem>> -> memref<!tpu.dma_semaphore, #tpu.memory_space<semaphore_mem>>
        %dma_start3A_159 = arith.constant 0 : i32
        %dma_start3A_160 = tpu.memref_slice %arg6[%rem3A_132, %dma_start3A_159] : memref<2x256xi32, #tpu.memory_space<vmem>> -> memref<1x256xi32, #tpu.memory_space<vmem>>
        %dma_start3A_161 = tpu.memref_squeeze %dma_start3A_160 : memref<1x256xi32, #tpu.memory_space<vmem>> -> memref<256xi32, #tpu.memory_space<vmem>>
        %dma_start3A_162 = tpu.memref_slice %arg3[%select_n3A, %add3A_135] : memref<16x16384xi32, #tpu.memory_space<hbm>> -> memref<1x256xi32, #tpu.memory_space<hbm>>
        %dma_start3A_163 = tpu.memref_squeeze %dma_start3A_162 : memref<1x256xi32, #tpu.memory_space<hbm>> -> memref<256xi32, #tpu.memory_space<hbm>>
        tpu.enqueue_dma source(%dma_start3A_163 : memref<256xi32, #tpu.memory_space<hbm>>) target(%dma_start3A_161 : memref<256xi32, #tpu.memory_space<vmem>>) target_semaphore(%dma_start3A_158 : memref<!tpu.dma_semaphore, #tpu.memory_space<semaphore_mem>>)
      } else {
      }
      %mul3A_89 = arith.constant 256 : i32
      %mul3A_90 = arith.muli %scan3A_80, %mul3A_89 : i32
      %add3A_91 = arith.addi %mul3A_32, %mul3A_90 : i32
      %dma_wait3A = arith.constant 0 : i32
      %dma_wait3A_92 = arith.constant 0 : i32
      %dma_wait3A_93 = tpu.memref_slice %arg5[%rem3A_83, %dma_wait3A, %dma_wait3A_92] : memref<2x128x256xf32, #tpu.memory_space<vmem>> -> memref<1x128x256xf32, #tpu.memory_space<vmem>>
      %dma_wait3A_94 = tpu.memref_squeeze %dma_wait3A_93 : memref<1x128x256xf32, #tpu.memory_space<vmem>> -> memref<128x256xf32, #tpu.memory_space<vmem>>
      %dma_wait3A_95 = arith.constant 0 : i32
      %dma_wait3A_96 = tpu.memref_slice %arg2[%select_n3A, %dma_wait3A_95, %add3A_91] : memref<16x128x16384xf32, #tpu.memory_space<hbm>> -> memref<1x128x256xf32, #tpu.memory_space<hbm>>
      %dma_wait3A_97 = tpu.memref_squeeze %dma_wait3A_96 : memref<1x128x256xf32, #tpu.memory_space<hbm>> -> memref<128x256xf32, #tpu.memory_space<hbm>>
      %dma_wait3A_98 = tpu.memref_slice %arg8[%rem3A_83] : memref<2x!tpu.dma_semaphore, #tpu.memory_space<semaphore_mem>> -> memref<1x!tpu.dma_semaphore, #tpu.memory_space<semaphore_mem>>
      %dma_wait3A_99 = tpu.memref_squeeze %dma_wait3A_98 : memref<1x!tpu.dma_semaphore, #tpu.memory_space<semaphore_mem>> -> memref<!tpu.dma_semaphore, #tpu.memory_space<semaphore_mem>>
      %dma_wait3A_100 = arith.constant 0 : i32
      %dma_wait3A_101 = arith.constant 0 : i32
      %dma_wait3A_102 = tpu.memref_slice %arg5[%rem3A_83, %dma_wait3A_100, %dma_wait3A_101] : memref<2x128x256xf32, #tpu.memory_space<vmem>> -> memref<1x128x256xf32, #tpu.memory_space<vmem>>
      %dma_wait3A_103 = tpu.memref_squeeze %dma_wait3A_102 : memref<1x128x256xf32, #tpu.memory_space<vmem>> -> memref<128x256xf32, #tpu.memory_space<vmem>>
      %dma_wait3A_104 = arith.constant 0 : i32
      %dma_wait3A_105 = tpu.memref_slice %arg2[%select_n3A, %dma_wait3A_104, %add3A_91] : memref<16x128x16384xf32, #tpu.memory_space<hbm>> -> memref<1x128x256xf32, #tpu.memory_space<hbm>>
      %dma_wait3A_106 = tpu.memref_squeeze %dma_wait3A_105 : memref<1x128x256xf32, #tpu.memory_space<hbm>> -> memref<128x256xf32, #tpu.memory_space<hbm>>
      tpu.wait_dma2 semaphore(%dma_wait3A_99 : memref<!tpu.dma_semaphore, #tpu.memory_space<semaphore_mem>>) src(%dma_wait3A_106 : memref<128x256xf32, #tpu.memory_space<hbm>>) dst(%dma_wait3A_103 : memref<128x256xf32, #tpu.memory_space<vmem>>)
      %dma_wait3A_107 = arith.constant 0 : i32
      %dma_wait3A_108 = tpu.memref_slice %arg6[%rem3A_83, %dma_wait3A_107] : memref<2x256xi32, #tpu.memory_space<vmem>> -> memref<1x256xi32, #tpu.memory_space<vmem>>
      %dma_wait3A_109 = tpu.memref_squeeze %dma_wait3A_108 : memref<1x256xi32, #tpu.memory_space<vmem>> -> memref<256xi32, #tpu.memory_space<vmem>>
      %dma_wait3A_110 = tpu.memref_slice %arg3[%select_n3A, %add3A_91] : memref<16x16384xi32, #tpu.memory_space<hbm>> -> memref<1x256xi32, #tpu.memory_space<hbm>>
      %dma_wait3A_111 = tpu.memref_squeeze %dma_wait3A_110 : memref<1x256xi32, #tpu.memory_space<hbm>> -> memref<256xi32, #tpu.memory_space<hbm>>
      %dma_wait3A_112 = tpu.memref_slice %arg9[%rem3A_83] : memref<2x!tpu.dma_semaphore, #tpu.memory_space<semaphore_mem>> -> memref<1x!tpu.dma_semaphore, #tpu.memory_space<semaphore_mem>>
      %dma_wait3A_113 = tpu.memref_squeeze %dma_wait3A_112 : memref<1x!tpu.dma_semaphore, #tpu.memory_space<semaphore_mem>> -> memref<!tpu.dma_semaphore, #tpu.memory_space<semaphore_mem>>
      %dma_wait3A_114 = arith.constant 0 : i32
      %dma_wait3A_115 = tpu.memref_slice %arg6[%rem3A_83, %dma_wait3A_114] : memref<2x256xi32, #tpu.memory_space<vmem>> -> memref<1x256xi32, #tpu.memory_space<vmem>>
      %dma_wait3A_116 = tpu.memref_squeeze %dma_wait3A_115 : memref<1x256xi32, #tpu.memory_space<vmem>> -> memref<256xi32, #tpu.memory_space<vmem>>
      %dma_wait3A_117 = tpu.memref_slice %arg3[%select_n3A, %add3A_91] : memref<16x16384xi32, #tpu.memory_space<hbm>> -> memref<1x256xi32, #tpu.memory_space<hbm>>
      %dma_wait3A_118 = tpu.memref_squeeze %dma_wait3A_117 : memref<1x256xi32, #tpu.memory_space<hbm>> -> memref<256xi32, #tpu.memory_space<hbm>>
      tpu.wait_dma2 semaphore(%dma_wait3A_113 : memref<!tpu.dma_semaphore, #tpu.memory_space<semaphore_mem>>) src(%dma_wait3A_118 : memref<256xi32, #tpu.memory_space<hbm>>) dst(%dma_wait3A_116 : memref<256xi32, #tpu.memory_space<vmem>>)
      %scan3A_119 = arith.constant 0 : i32
      %scan3A_120 = arith.constant 0 : i32
      %scan3A_121 = arith.constant 16 : i32
      %scan3A_122 = arith.addi %scan3A_120, %scan3A_121 : i32
      %scan3A_123 = arith.constant 1 : i32
      %scan3A_124 = scf.for %scan3A_127 = %scan3A_120 to %scan3A_122 step %scan3A_123 iter_args(%scan3A_128 = %scan3A_119) -> (i32)  : i32 {
        %mul3A_129 = arith.constant 16 : i32
        %mul3A_130 = arith.muli %scan3A_127, %mul3A_129 : i32
        %get3A = arith.index_cast %rem3A_83 : i32 to index
        %get3A_131 = arith.index_cast %mul3A_130 : i32 to index
        %get3A_132 = tpu.vector_load %arg6[%get3A, %get3A_131] {strides = array<i32>} : memref<2x256xi32, #tpu.memory_space<vmem>>, vector<16xi32>,
        %mul3A_133 = arith.constant 16 : i32
        %mul3A_134 = arith.muli %scan3A_127, %mul3A_133 : i32
        %get3A_135 = arith.constant 0 : i32
        %get3A_136 = arith.index_cast %rem3A_83 : i32 to index
        %get3A_137 = arith.index_cast %get3A_135 : i32 to index
        %get3A_138 = arith.index_cast %mul3A_134 : i32 to index
        %get3A_139 = tpu.vector_load %arg5[%get3A_136, %get3A_137, %get3A_138] {strides = array<i32>} : memref<2x128x256xf32, #tpu.memory_space<vmem>>, vector<16xf32>,
        %mul3A_140 = arith.mulf %get3A_139, %get3A_139 : vector<16xf32>
        %add3A_141 = arith.addf %broadcast_in_dim3A_33, %mul3A_140 : vector<16xf32>
        %mul3A_142 = arith.constant 16 : i32
        %mul3A_143 = arith.muli %scan3A_127, %mul3A_142 : i32
        %get3A_144 = arith.constant 1 : i32
        %get3A_145 = arith.index_cast %rem3A_83 : i32 to index
        %get3A_146 = arith.index_cast %get3A_144 : i32 to index
        %get3A_147 = arith.index_cast %mul3A_143 : i32 to index
        %get3A_148 = tpu.vector_load %arg5[%get3A_145, %get3A_146, %get3A_147] {strides = array<i32>} : memref<2x128x256xf32, #tpu.memory_space<vmem>>, vector<16xf32>,
        %mul3A_149 = arith.mulf %get3A_148, %get3A_148 : vector<16xf32>
        %add3A_150 = arith.addf %broadcast_in_dim3A_33, %mul3A_149 : vector<16xf32>
        %mul3A_151 = arith.constant 16 : i32
        %mul3A_152 = arith.muli %scan3A_127, %mul3A_151 : i32
        %get3A_153 = arith.constant 2 : i32
        %get3A_154 = arith.index_cast %rem3A_83 : i32 to index
        %get3A_155 = arith.index_cast %get3A_153 : i32 to index
        %get3A_156 = arith.index_cast %mul3A_152 : i32 to index
        %get3A_157 = tpu.vector_load %arg5[%get3A_154, %get3A_155, %get3A_156] {strides = array<i32>} : memref<2x128x256xf32, #tpu.memory_space<vmem>>, vector<16xf32>,
        %mul3A_158 = arith.mulf %get3A_157, %get3A_157 : vector<16xf32>
        %add3A_159 = arith.addf %broadcast_in_dim3A_33, %mul3A_158 : vector<16xf32>
        %mul3A_160 = arith.constant 16 : i32
        %mul3A_161 = arith.muli %scan3A_127, %mul3A_160 : i32
        %get3A_162 = arith.constant 3 : i32
        %get3A_163 = arith.index_cast %rem3A_83 : i32 to index
        %get3A_164 = arith.index_cast %get3A_162 : i32 to index
        %get3A_165 = arith.index_cast %mul3A_161 : i32 to index
        %get3A_166 = tpu.vector_load %arg5[%get3A_163, %get3A_164, %get3A_165] {strides = array<i32>} : memref<2x128x256xf32, #tpu.memory_space<vmem>>, vector<16xf32>,
        %mul3A_167 = arith.mulf %get3A_166, %get3A_166 : vector<16xf32>
        %add3A_168 = arith.addf %broadcast_in_dim3A_33, %mul3A_167 : vector<16xf32>
        %mul3A_169 = arith.constant 16 : i32
        %mul3A_170 = arith.muli %scan3A_127, %mul3A_169 : i32
        %get3A_171 = arith.constant 4 : i32
        %get3A_172 = arith.index_cast %rem3A_83 : i32 to index
        %get3A_173 = arith.index_cast %get3A_171 : i32 to index
        %get3A_174 = arith.index_cast %mul3A_170 : i32 to index
        %get3A_175 = tpu.vector_load %arg5[%get3A_172, %get3A_173, %get3A_174] {strides = array<i32>} : memref<2x128x256xf32, #tpu.memory_space<vmem>>, vector<16xf32>,
        %mul3A_176 = arith.mulf %get3A_175, %get3A_175 : vector<16xf32>
        %add3A_177 = arith.addf %add3A_141, %mul3A_176 : vector<16xf32>
        %mul3A_178 = arith.constant 16 : i32
        %mul3A_179 = arith.muli %scan3A_127, %mul3A_178 : i32
        %get3A_180 = arith.constant 5 : i32
        %get3A_181 = arith.index_cast %rem3A_83 : i32 to index
        %get3A_182 = arith.index_cast %get3A_180 : i32 to index
        %get3A_183 = arith.index_cast %mul3A_179 : i32 to index
        %get3A_184 = tpu.vector_load %arg5[%get3A_181, %get3A_182, %get3A_183] {strides = array<i32>} : memref<2x128x256xf32, #tpu.memory_space<vmem>>, vector<16xf32>,
        %mul3A_185 = arith.mulf %get3A_184, %get3A_184 : vector<16xf32>
        %add3A_186 = arith.addf %add3A_150, %mul3A_185 : vector<16xf32>
        %mul3A_187 = arith.constant 16 : i32
        %mul3A_188 = arith.muli %scan3A_127, %mul3A_187 : i32
        %get3A_189 = arith.constant 6 : i32
        %get3A_190 = arith.index_cast %rem3A_83 : i32 to index
        %get3A_191 = arith.index_cast %get3A_189 : i32 to index
        %get3A_192 = arith.index_cast %mul3A_188 : i32 to index
        %get3A_193 = tpu.vector_load %arg5[%get3A_190, %get3A_191, %get3A_192] {strides = array<i32>} : memref<2x128x256xf32, #tpu.memory_space<vmem>>, vector<16xf32>,
        %mul3A_194 = arith.mulf %get3A_193, %get3A_193 : vector<16xf32>
        %add3A_195 = arith.addf %add3A_159, %mul3A_194 : vector<16xf32>
        %mul3A_196 = arith.constant 16 : i32
        %mul3A_197 = arith.muli %scan3A_127, %mul3A_196 : i32
        %get3A_198 = arith.constant 7 : i32
        %get3A_199 = arith.index_cast %rem3A_83 : i32 to index
        %get3A_200 = arith.index_cast %get3A_198 : i32 to index
        %get3A_201 = arith.index_cast %mul3A_197 : i32 to index
        %get3A_202 = tpu.vector_load %arg5[%get3A_199, %get3A_200, %get3A_201] {strides = array<i32>} : memref<2x128x256xf32, #tpu.memory_space<vmem>>, vector<16xf32>,
        %mul3A_203 = arith.mulf %get3A_202, %get3A_202 : vector<16xf32>
        %add3A_204 = arith.addf %add3A_168, %mul3A_203 : vector<16xf32>
        %mul3A_205 = arith.constant 16 : i32
        %mul3A_206 = arith.muli %scan3A_127, %mul3A_205 : i32
        %get3A_207 = arith.constant 8 : i32
        %get3A_208 = arith.index_cast %rem3A_83 : i32 to index
        %get3A_209 = arith.index_cast %get3A_207 : i32 to index
        %get3A_210 = arith.index_cast %mul3A_206 : i32 to index
        %get3A_211 = tpu.vector_load %arg5[%get3A_208, %get3A_209, %get3A_210] {strides = array<i32>} : memref<2x128x256xf32, #tpu.memory_space<vmem>>, vector<16xf32>,
        %mul3A_212 = arith.mulf %get3A_211, %get3A_211 : vector<16xf32>
        %add3A_213 = arith.addf %add3A_177, %mul3A_212 : vector<16xf32>
        %mul3A_214 = arith.constant 16 : i32
        %mul3A_215 = arith.muli %scan3A_127, %mul3A_214 : i32
        %get3A_216 = arith.constant 9 : i32
        %get3A_217 = arith.index_cast %rem3A_83 : i32 to index
        %get3A_218 = arith.index_cast %get3A_216 : i32 to index
        %get3A_219 = arith.index_cast %mul3A_215 : i32 to index
        %get3A_220 = tpu.vector_load %arg5[%get3A_217, %get3A_218, %get3A_219] {strides = array<i32>} : memref<2x128x256xf32, #tpu.memory_space<vmem>>, vector<16xf32>,
        %mul3A_221 = arith.mulf %get3A_220, %get3A_220 : vector<16xf32>
        %add3A_222 = arith.addf %add3A_186, %mul3A_221 : vector<16xf32>
        %mul3A_223 = arith.constant 16 : i32
        %mul3A_224 = arith.muli %scan3A_127, %mul3A_223 : i32
        %get3A_225 = arith.constant 10 : i32
        %get3A_226 = arith.index_cast %rem3A_83 : i32 to index
        %get3A_227 = arith.index_cast %get3A_225 : i32 to index
        %get3A_228 = arith.index_cast %mul3A_224 : i32 to index
        %get3A_229 = tpu.vector_load %arg5[%get3A_226, %get3A_227, %get3A_228] {strides = array<i32>} : memref<2x128x256xf32, #tpu.memory_space<vmem>>, vector<16xf32>,
        %mul3A_230 = arith.mulf %get3A_229, %get3A_229 : vector<16xf32>
        %add3A_231 = arith.addf %add3A_195, %mul3A_230 : vector<16xf32>
        %mul3A_232 = arith.constant 16 : i32
        %mul3A_233 = arith.muli %scan3A_127, %mul3A_232 : i32
        %get3A_234 = arith.constant 11 : i32
        %get3A_235 = arith.index_cast %rem3A_83 : i32 to index
        %get3A_236 = arith.index_cast %get3A_234 : i32 to index
        %get3A_237 = arith.index_cast %mul3A_233 : i32 to index
        %get3A_238 = tpu.vector_load %arg5[%get3A_235, %get3A_236, %get3A_237] {strides = array<i32>} : memref<2x128x256xf32, #tpu.memory_space<vmem>>, vector<16xf32>,
        %mul3A_239 = arith.mulf %get3A_238, %get3A_238 : vector<16xf32>
        %add3A_240 = arith.addf %add3A_204, %mul3A_239 : vector<16xf32>
        %mul3A_241 = arith.constant 16 : i32
        %mul3A_242 = arith.muli %scan3A_127, %mul3A_241 : i32
        %get3A_243 = arith.constant 12 : i32
        %get3A_244 = arith.index_cast %rem3A_83 : i32 to index
        %get3A_245 = arith.index_cast %get3A_243 : i32 to index
        %get3A_246 = arith.index_cast %mul3A_242 : i32 to index
        %get3A_247 = tpu.vector_load %arg5[%get3A_244, %get3A_245, %get3A_246] {strides = array<i32>} : memref<2x128x256xf32, #tpu.memory_space<vmem>>, vector<16xf32>,
        %mul3A_248 = arith.mulf %get3A_247, %get3A_247 : vector<16xf32>
        %add3A_249 = arith.addf %add3A_213, %mul3A_248 : vector<16xf32>
        %mul3A_250 = arith.constant 16 : i32
        %mul3A_251 = arith.muli %scan3A_127, %mul3A_250 : i32
        %get3A_252 = arith.constant 13 : i32
        %get3A_253 = arith.index_cast %rem3A_83 : i32 to index
        %get3A_254 = arith.index_cast %get3A_252 : i32 to index
        %get3A_255 = arith.index_cast %mul3A_251 : i32 to index
        %get3A_256 = tpu.vector_load %arg5[%get3A_253, %get3A_254, %get3A_255] {strides = array<i32>} : memref<2x128x256xf32, #tpu.memory_space<vmem>>, vector<16xf32>,
        %mul3A_257 = arith.mulf %get3A_256, %get3A_256 : vector<16xf32>
        %add3A_258 = arith.addf %add3A_222, %mul3A_257 : vector<16xf32>
        %mul3A_259 = arith.constant 16 : i32
        %mul3A_260 = arith.muli %scan3A_127, %mul3A_259 : i32
        %get3A_261 = arith.constant 14 : i32
        %get3A_262 = arith.index_cast %rem3A_83 : i32 to index
        %get3A_263 = arith.index_cast %get3A_261 : i32 to index
        %get3A_264 = arith.index_cast %mul3A_260 : i32 to index
        %get3A_265 = tpu.vector_load %arg5[%get3A_262, %get3A_263, %get3A_264] {strides = array<i32>} : memref<2x128x256xf32, #tpu.memory_space<vmem>>, vector<16xf32>,
        %mul3A_266 = arith.mulf %get3A_265, %get3A_265 : vector<16xf32>
        %add3A_267 = arith.addf %add3A_231, %mul3A_266 : vector<16xf32>
        %mul3A_268 = arith.constant 16 : i32
        %mul3A_269 = arith.muli %scan3A_127, %mul3A_268 : i32
        %get3A_270 = arith.constant 15 : i32
        %get3A_271 = arith.index_cast %rem3A_83 : i32 to index
        %get3A_272 = arith.index_cast %get3A_270 : i32 to index
        %get3A_273 = arith.index_cast %mul3A_269 : i32 to index
        %get3A_274 = tpu.vector_load %arg5[%get3A_271, %get3A_272, %get3A_273] {strides = array<i32>} : memref<2x128x256xf32, #tpu.memory_space<vmem>>, vector<16xf32>,
        %mul3A_275 = arith.mulf %get3A_274, %get3A_274 : vector<16xf32>
        %add3A_276 = arith.addf %add3A_240, %mul3A_275 : vector<16xf32>
        %mul3A_277 = arith.constant 16 : i32
        %mul3A_278 = arith.muli %scan3A_127, %mul3A_277 : i32
        %get3A_279 = arith.constant 16 : i32
        %get3A_280 = arith.index_cast %rem3A_83 : i32 to index
        %get3A_281 = arith.index_cast %get3A_279 : i32 to index
        %get3A_282 = arith.index_cast %mul3A_278 : i32 to index
        %get3A_283 = tpu.vector_load %arg5[%get3A_280, %get3A_281, %get3A_282] {strides = array<i32>} : memref<2x128x256xf32, #tpu.memory_space<vmem>>, vector<16xf32>,
        %mul3A_284 = arith.mulf %get3A_283, %get3A_283 : vector<16xf32>
        %add3A_285 = arith.addf %add3A_249, %mul3A_284 : vector<16xf32>
        %mul3A_286 = arith.constant 16 : i32
        %mul3A_287 = arith.muli %scan3A_127, %mul3A_286 : i32
        %get3A_288 = arith.constant 17 : i32
        %get3A_289 = arith.index_cast %rem3A_83 : i32 to index
        %get3A_290 = arith.index_cast %get3A_288 : i32 to index
        %get3A_291 = arith.index_cast %mul3A_287 : i32 to index
        %get3A_292 = tpu.vector_load %arg5[%get3A_289, %get3A_290, %get3A_291] {strides = array<i32>} : memref<2x128x256xf32, #tpu.memory_space<vmem>>, vector<16xf32>,
        %mul3A_293 = arith.mulf %get3A_292, %get3A_292 : vector<16xf32>
        %add3A_294 = arith.addf %add3A_258, %mul3A_293 : vector<16xf32>
        %mul3A_295 = arith.constant 16 : i32
        %mul3A_296 = arith.muli %scan3A_127, %mul3A_295 : i32
        %get3A_297 = arith.constant 18 : i32
        %get3A_298 = arith.index_cast %rem3A_83 : i32 to index
        %get3A_299 = arith.index_cast %get3A_297 : i32 to index
        %get3A_300 = arith.index_cast %mul3A_296 : i32 to index
        %get3A_301 = tpu.vector_load %arg5[%get3A_298, %get3A_299, %get3A_300] {strides = array<i32>} : memref<2x128x256xf32, #tpu.memory_space<vmem>>, vector<16xf32>,
        %mul3A_302 = arith.mulf %get3A_301, %get3A_301 : vector<16xf32>
        %add3A_303 = arith.addf %add3A_267, %mul3A_302 : vector<16xf32>
        %mul3A_304 = arith.constant 16 : i32
        %mul3A_305 = arith.muli %scan3A_127, %mul3A_304 : i32
        %get3A_306 = arith.constant 19 : i32
        %get3A_307 = arith.index_cast %rem3A_83 : i32 to index
        %get3A_308 = arith.index_cast %get3A_306 : i32 to index
        %get3A_309 = arith.index_cast %mul3A_305 : i32 to index
        %get3A_310 = tpu.vector_load %arg5[%get3A_307, %get3A_308, %get3A_309] {strides = array<i32>} : memref<2x128x256xf32, #tpu.memory_space<vmem>>, vector<16xf32>,
        %mul3A_311 = arith.mulf %get3A_310, %get3A_310 : vector<16xf32>
        %add3A_312 = arith.addf %add3A_276, %mul3A_311 : vector<16xf32>
        %mul3A_313 = arith.constant 16 : i32
        %mul3A_314 = arith.muli %scan3A_127, %mul3A_313 : i32
        %get3A_315 = arith.constant 20 : i32
        %get3A_316 = arith.index_cast %rem3A_83 : i32 to index
        %get3A_317 = arith.index_cast %get3A_315 : i32 to index
        %get3A_318 = arith.index_cast %mul3A_314 : i32 to index
        %get3A_319 = tpu.vector_load %arg5[%get3A_316, %get3A_317, %get3A_318] {strides = array<i32>} : memref<2x128x256xf32, #tpu.memory_space<vmem>>, vector<16xf32>,
        %mul3A_320 = arith.mulf %get3A_319, %get3A_319 : vector<16xf32>
        %add3A_321 = arith.addf %add3A_285, %mul3A_320 : vector<16xf32>
        %mul3A_322 = arith.constant 16 : i32
        %mul3A_323 = arith.muli %scan3A_127, %mul3A_322 : i32
        %get3A_324 = arith.constant 21 : i32
        %get3A_325 = arith.index_cast %rem3A_83 : i32 to index
        %get3A_326 = arith.index_cast %get3A_324 : i32 to index
        %get3A_327 = arith.index_cast %mul3A_323 : i32 to index
        %get3A_328 = tpu.vector_load %arg5[%get3A_325, %get3A_326, %get3A_327] {strides = array<i32>} : memref<2x128x256xf32, #tpu.memory_space<vmem>>, vector<16xf32>,
        %mul3A_329 = arith.mulf %get3A_328, %get3A_328 : vector<16xf32>
        %add3A_330 = arith.addf %add3A_294, %mul3A_329 : vector<16xf32>
        %mul3A_331 = arith.constant 16 : i32
        %mul3A_332 = arith.muli %scan3A_127, %mul3A_331 : i32
        %get3A_333 = arith.constant 22 : i32
        %get3A_334 = arith.index_cast %rem3A_83 : i32 to index
        %get3A_335 = arith.index_cast %get3A_333 : i32 to index
        %get3A_336 = arith.index_cast %mul3A_332 : i32 to index
        %get3A_337 = tpu.vector_load %arg5[%get3A_334, %get3A_335, %get3A_336] {strides = array<i32>} : memref<2x128x256xf32, #tpu.memory_space<vmem>>, vector<16xf32>,
        %mul3A_338 = arith.mulf %get3A_337, %get3A_337 : vector<16xf32>
        %add3A_339 = arith.addf %add3A_303, %mul3A_338 : vector<16xf32>
        %mul3A_340 = arith.constant 16 : i32
        %mul3A_341 = arith.muli %scan3A_127, %mul3A_340 : i32
        %get3A_342 = arith.constant 23 : i32
        %get3A_343 = arith.index_cast %rem3A_83 : i32 to index
        %get3A_344 = arith.index_cast %get3A_342 : i32 to index
        %get3A_345 = arith.index_cast %mul3A_341 : i32 to index
        %get3A_346 = tpu.vector_load %arg5[%get3A_343, %get3A_344, %get3A_345] {strides = array<i32>} : memref<2x128x256xf32, #tpu.memory_space<vmem>>, vector<16xf32>,
        %mul3A_347 = arith.mulf %get3A_346, %get3A_346 : vector<16xf32>
        %add3A_348 = arith.addf %add3A_312, %mul3A_347 : vector<16xf32>
        %mul3A_349 = arith.constant 16 : i32
        %mul3A_350 = arith.muli %scan3A_127, %mul3A_349 : i32
        %get3A_351 = arith.constant 24 : i32
        %get3A_352 = arith.index_cast %rem3A_83 : i32 to index
        %get3A_353 = arith.index_cast %get3A_351 : i32 to index
        %get3A_354 = arith.index_cast %mul3A_350 : i32 to index
        %get3A_355 = tpu.vector_load %arg5[%get3A_352, %get3A_353, %get3A_354] {strides = array<i32>} : memref<2x128x256xf32, #tpu.memory_space<vmem>>, vector<16xf32>,
        %mul3A_356 = arith.mulf %get3A_355, %get3A_355 : vector<16xf32>
        %add3A_357 = arith.addf %add3A_321, %mul3A_356 : vector<16xf32>
        %mul3A_358 = arith.constant 16 : i32
        %mul3A_359 = arith.muli %scan3A_127, %mul3A_358 : i32
        %get3A_360 = arith.constant 25 : i32
        %get3A_361 = arith.index_cast %rem3A_83 : i32 to index
        %get3A_362 = arith.index_cast %get3A_360 : i32 to index
        %get3A_363 = arith.index_cast %mul3A_359 : i32 to index
        %get3A_364 = tpu.vector_load %arg5[%get3A_361, %get3A_362, %get3A_363] {strides = array<i32>} : memref<2x128x256xf32, #tpu.memory_space<vmem>>, vector<16xf32>,
        %mul3A_365 = arith.mulf %get3A_364, %get3A_364 : vector<16xf32>
        %add3A_366 = arith.addf %add3A_330, %mul3A_365 : vector<16xf32>
        %mul3A_367 = arith.constant 16 : i32
        %mul3A_368 = arith.muli %scan3A_127, %mul3A_367 : i32
        %get3A_369 = arith.constant 26 : i32
        %get3A_370 = arith.index_cast %rem3A_83 : i32 to index
        %get3A_371 = arith.index_cast %get3A_369 : i32 to index
        %get3A_372 = arith.index_cast %mul3A_368 : i32 to index
        %get3A_373 = tpu.vector_load %arg5[%get3A_370, %get3A_371, %get3A_372] {strides = array<i32>} : memref<2x128x256xf32, #tpu.memory_space<vmem>>, vector<16xf32>,
        %mul3A_374 = arith.mulf %get3A_373, %get3A_373 : vector<16xf32>
        %add3A_375 = arith.addf %add3A_339, %mul3A_374 : vector<16xf32>
        %mul3A_376 = arith.constant 16 : i32
        %mul3A_377 = arith.muli %scan3A_127, %mul3A_376 : i32
        %get3A_378 = arith.constant 27 : i32
        %get3A_379 = arith.index_cast %rem3A_83 : i32 to index
        %get3A_380 = arith.index_cast %get3A_378 : i32 to index
        %get3A_381 = arith.index_cast %mul3A_377 : i32 to index
        %get3A_382 = tpu.vector_load %arg5[%get3A_379, %get3A_380, %get3A_381] {strides = array<i32>} : memref<2x128x256xf32, #tpu.memory_space<vmem>>, vector<16xf32>,
        %mul3A_383 = arith.mulf %get3A_382, %get3A_382 : vector<16xf32>
        %add3A_384 = arith.addf %add3A_348, %mul3A_383 : vector<16xf32>
        %mul3A_385 = arith.constant 16 : i32
        %mul3A_386 = arith.muli %scan3A_127, %mul3A_385 : i32
        %get3A_387 = arith.constant 28 : i32
        %get3A_388 = arith.index_cast %rem3A_83 : i32 to index
        %get3A_389 = arith.index_cast %get3A_387 : i32 to index
        %get3A_390 = arith.index_cast %mul3A_386 : i32 to index
        %get3A_391 = tpu.vector_load %arg5[%get3A_388, %get3A_389, %get3A_390] {strides = array<i32>} : memref<2x128x256xf32, #tpu.memory_space<vmem>>, vector<16xf32>,
        %mul3A_392 = arith.mulf %get3A_391, %get3A_391 : vector<16xf32>
        %add3A_393 = arith.addf %add3A_357, %mul3A_392 : vector<16xf32>
        %mul3A_394 = arith.constant 16 : i32
        %mul3A_395 = arith.muli %scan3A_127, %mul3A_394 : i32
        %get3A_396 = arith.constant 29 : i32
        %get3A_397 = arith.index_cast %rem3A_83 : i32 to index
        %get3A_398 = arith.index_cast %get3A_396 : i32 to index
        %get3A_399 = arith.index_cast %mul3A_395 : i32 to index
        %get3A_400 = tpu.vector_load %arg5[%get3A_397, %get3A_398, %get3A_399] {strides = array<i32>} : memref<2x128x256xf32, #tpu.memory_space<vmem>>, vector<16xf32>,
        %mul3A_401 = arith.mulf %get3A_400, %get3A_400 : vector<16xf32>
        %add3A_402 = arith.addf %add3A_366, %mul3A_401 : vector<16xf32>
        %mul3A_403 = arith.constant 16 : i32
        %mul3A_404 = arith.muli %scan3A_127, %mul3A_403 : i32
        %get3A_405 = arith.constant 30 : i32
        %get3A_406 = arith.index_cast %rem3A_83 : i32 to index
        %get3A_407 = arith.index_cast %get3A_405 : i32 to index
        %get3A_408 = arith.index_cast %mul3A_404 : i32 to index
        %get3A_409 = tpu.vector_load %arg5[%get3A_406, %get3A_407, %get3A_408] {strides = array<i32>} : memref<2x128x256xf32, #tpu.memory_space<vmem>>, vector<16xf32>,
        %mul3A_410 = arith.mulf %get3A_409, %get3A_409 : vector<16xf32>
        %add3A_411 = arith.addf %add3A_375, %mul3A_410 : vector<16xf32>
        %mul3A_412 = arith.constant 16 : i32
        %mul3A_413 = arith.muli %scan3A_127, %mul3A_412 : i32
        %get3A_414 = arith.constant 31 : i32
        %get3A_415 = arith.index_cast %rem3A_83 : i32 to index
        %get3A_416 = arith.index_cast %get3A_414 : i32 to index
        %get3A_417 = arith.index_cast %mul3A_413 : i32 to index
        %get3A_418 = tpu.vector_load %arg5[%get3A_415, %get3A_416, %get3A_417] {strides = array<i32>} : memref<2x128x256xf32, #tpu.memory_space<vmem>>, vector<16xf32>,
        %mul3A_419 = arith.mulf %get3A_418, %get3A_418 : vector<16xf32>
        %add3A_420 = arith.addf %add3A_384, %mul3A_419 : vector<16xf32>
        %mul3A_421 = arith.constant 16 : i32
        %mul3A_422 = arith.muli %scan3A_127, %mul3A_421 : i32
        %get3A_423 = arith.constant 32 : i32
        %get3A_424 = arith.index_cast %rem3A_83 : i32 to index
        %get3A_425 = arith.index_cast %get3A_423 : i32 to index
        %get3A_426 = arith.index_cast %mul3A_422 : i32 to index
        %get3A_427 = tpu.vector_load %arg5[%get3A_424, %get3A_425, %get3A_426] {strides = array<i32>} : memref<2x128x256xf32, #tpu.memory_space<vmem>>, vector<16xf32>,
        %mul3A_428 = arith.mulf %get3A_427, %get3A_427 : vector<16xf32>
        %add3A_429 = arith.addf %add3A_393, %mul3A_428 : vector<16xf32>
        %mul3A_430 = arith.constant 16 : i32
        %mul3A_431 = arith.muli %scan3A_127, %mul3A_430 : i32
        %get3A_432 = arith.constant 33 : i32
        %get3A_433 = arith.index_cast %rem3A_83 : i32 to index
        %get3A_434 = arith.index_cast %get3A_432 : i32 to index
        %get3A_435 = arith.index_cast %mul3A_431 : i32 to index
        %get3A_436 = tpu.vector_load %arg5[%get3A_433, %get3A_434, %get3A_435] {strides = array<i32>} : memref<2x128x256xf32, #tpu.memory_space<vmem>>, vector<16xf32>,
        %mul3A_437 = arith.mulf %get3A_436, %get3A_436 : vector<16xf32>
        %add3A_438 = arith.addf %add3A_402, %mul3A_437 : vector<16xf32>
        %mul3A_439 = arith.constant 16 : i32
        %mul3A_440 = arith.muli %scan3A_127, %mul3A_439 : i32
        %get3A_441 = arith.constant 34 : i32
        %get3A_442 = arith.index_cast %rem3A_83 : i32 to index
        %get3A_443 = arith.index_cast %get3A_441 : i32 to index
        %get3A_444 = arith.index_cast %mul3A_440 : i32 to index
        %get3A_445 = tpu.vector_load %arg5[%get3A_442, %get3A_443, %get3A_444] {strides = array<i32>} : memref<2x128x256xf32, #tpu.memory_space<vmem>>, vector<16xf32>,
        %mul3A_446 = arith.mulf %get3A_445, %get3A_445 : vector<16xf32>
        %add3A_447 = arith.addf %add3A_411, %mul3A_446 : vector<16xf32>
        %mul3A_448 = arith.constant 16 : i32
        %mul3A_449 = arith.muli %scan3A_127, %mul3A_448 : i32
        %get3A_450 = arith.constant 35 : i32
        %get3A_451 = arith.index_cast %rem3A_83 : i32 to index
        %get3A_452 = arith.index_cast %get3A_450 : i32 to index
        %get3A_453 = arith.index_cast %mul3A_449 : i32 to index
        %get3A_454 = tpu.vector_load %arg5[%get3A_451, %get3A_452, %get3A_453] {strides = array<i32>} : memref<2x128x256xf32, #tpu.memory_space<vmem>>, vector<16xf32>,
        %mul3A_455 = arith.mulf %get3A_454, %get3A_454 : vector<16xf32>
        %add3A_456 = arith.addf %add3A_420, %mul3A_455 : vector<16xf32>
        %mul3A_457 = arith.constant 16 : i32
        %mul3A_458 = arith.muli %scan3A_127, %mul3A_457 : i32
        %get3A_459 = arith.constant 36 : i32
        %get3A_460 = arith.index_cast %rem3A_83 : i32 to index
        %get3A_461 = arith.index_cast %get3A_459 : i32 to index
        %get3A_462 = arith.index_cast %mul3A_458 : i32 to index
        %get3A_463 = tpu.vector_load %arg5[%get3A_460, %get3A_461, %get3A_462] {strides = array<i32>} : memref<2x128x256xf32, #tpu.memory_space<vmem>>, vector<16xf32>,
        %mul3A_464 = arith.mulf %get3A_463, %get3A_463 : vector<16xf32>
        %add3A_465 = arith.addf %add3A_429, %mul3A_464 : vector<16xf32>
        %mul3A_466 = arith.constant 16 : i32
        %mul3A_467 = arith.muli %scan3A_127, %mul3A_466 : i32
        %get3A_468 = arith.constant 37 : i32
        %get3A_469 = arith.index_cast %rem3A_83 : i32 to index
        %get3A_470 = arith.index_cast %get3A_468 : i32 to index
        %get3A_471 = arith.index_cast %mul3A_467 : i32 to index
        %get3A_472 = tpu.vector_load %arg5[%get3A_469, %get3A_470, %get3A_471] {strides = array<i32>} : memref<2x128x256xf32, #tpu.memory_space<vmem>>, vector<16xf32>,
        %mul3A_473 = arith.mulf %get3A_472, %get3A_472 : vector<16xf32>
        %add3A_474 = arith.addf %add3A_438, %mul3A_473 : vector<16xf32>
        %mul3A_475 = arith.constant 16 : i32
        %mul3A_476 = arith.muli %scan3A_127, %mul3A_475 : i32
        %get3A_477 = arith.constant 38 : i32
        %get3A_478 = arith.index_cast %rem3A_83 : i32 to index
        %get3A_479 = arith.index_cast %get3A_477 : i32 to index
        %get3A_480 = arith.index_cast %mul3A_476 : i32 to index
        %get3A_481 = tpu.vector_load %arg5[%get3A_478, %get3A_479, %get3A_480] {strides = array<i32>} : memref<2x128x256xf32, #tpu.memory_space<vmem>>, vector<16xf32>,
        %mul3A_482 = arith.mulf %get3A_481, %get3A_481 : vector<16xf32>
        %add3A_483 = arith.addf %add3A_447, %mul3A_482 : vector<16xf32>
        %mul3A_484 = arith.constant 16 : i32
        %mul3A_485 = arith.muli %scan3A_127, %mul3A_484 : i32
        %get3A_486 = arith.constant 39 : i32
        %get3A_487 = arith.index_cast %rem3A_83 : i32 to index
        %get3A_488 = arith.index_cast %get3A_486 : i32 to index
        %get3A_489 = arith.index_cast %mul3A_485 : i32 to index
        %get3A_490 = tpu.vector_load %arg5[%get3A_487, %get3A_488, %get3A_489] {strides = array<i32>} : memref<2x128x256xf32, #tpu.memory_space<vmem>>, vector<16xf32>,
        %mul3A_491 = arith.mulf %get3A_490, %get3A_490 : vector<16xf32>
        %add3A_492 = arith.addf %add3A_456, %mul3A_491 : vector<16xf32>
        %mul3A_493 = arith.constant 16 : i32
        %mul3A_494 = arith.muli %scan3A_127, %mul3A_493 : i32
        %get3A_495 = arith.constant 40 : i32
        %get3A_496 = arith.index_cast %rem3A_83 : i32 to index
        %get3A_497 = arith.index_cast %get3A_495 : i32 to index
        %get3A_498 = arith.index_cast %mul3A_494 : i32 to index
        %get3A_499 = tpu.vector_load %arg5[%get3A_496, %get3A_497, %get3A_498] {strides = array<i32>} : memref<2x128x256xf32, #tpu.memory_space<vmem>>, vector<16xf32>,
        %mul3A_500 = arith.mulf %get3A_499, %get3A_499 : vector<16xf32>
        %add3A_501 = arith.addf %add3A_465, %mul3A_500 : vector<16xf32>
        %mul3A_502 = arith.constant 16 : i32
        %mul3A_503 = arith.muli %scan3A_127, %mul3A_502 : i32
        %get3A_504 = arith.constant 41 : i32
        %get3A_505 = arith.index_cast %rem3A_83 : i32 to index
        %get3A_506 = arith.index_cast %get3A_504 : i32 to index
        %get3A_507 = arith.index_cast %mul3A_503 : i32 to index
        %get3A_508 = tpu.vector_load %arg5[%get3A_505, %get3A_506, %get3A_507] {strides = array<i32>} : memref<2x128x256xf32, #tpu.memory_space<vmem>>, vector<16xf32>,
        %mul3A_509 = arith.mulf %get3A_508, %get3A_508 : vector<16xf32>
        %add3A_510 = arith.addf %add3A_474, %mul3A_509 : vector<16xf32>
        %mul3A_511 = arith.constant 16 : i32
        %mul3A_512 = arith.muli %scan3A_127, %mul3A_511 : i32
        %get3A_513 = arith.constant 42 : i32
        %get3A_514 = arith.index_cast %rem3A_83 : i32 to index
        %get3A_515 = arith.index_cast %get3A_513 : i32 to index
        %get3A_516 = arith.index_cast %mul3A_512 : i32 to index
        %get3A_517 = tpu.vector_load %arg5[%get3A_514, %get3A_515, %get3A_516] {strides = array<i32>} : memref<2x128x256xf32, #tpu.memory_space<vmem>>, vector<16xf32>,
        %mul3A_518 = arith.mulf %get3A_517, %get3A_517 : vector<16xf32>
        %add3A_519 = arith.addf %add3A_483, %mul3A_518 : vector<16xf32>
        %mul3A_520 = arith.constant 16 : i32
        %mul3A_521 = arith.muli %scan3A_127, %mul3A_520 : i32
        %get3A_522 = arith.constant 43 : i32
        %get3A_523 = arith.index_cast %rem3A_83 : i32 to index
        %get3A_524 = arith.index_cast %get3A_522 : i32 to index
        %get3A_525 = arith.index_cast %mul3A_521 : i32 to index
        %get3A_526 = tpu.vector_load %arg5[%get3A_523, %get3A_524, %get3A_525] {strides = array<i32>} : memref<2x128x256xf32, #tpu.memory_space<vmem>>, vector<16xf32>,
        %mul3A_527 = arith.mulf %get3A_526, %get3A_526 : vector<16xf32>
        %add3A_528 = arith.addf %add3A_492, %mul3A_527 : vector<16xf32>
        %mul3A_529 = arith.constant 16 : i32
        %mul3A_530 = arith.muli %scan3A_127, %mul3A_529 : i32
        %get3A_531 = arith.constant 44 : i32
        %get3A_532 = arith.index_cast %rem3A_83 : i32 to index
        %get3A_533 = arith.index_cast %get3A_531 : i32 to index
        %get3A_534 = arith.index_cast %mul3A_530 : i32 to index
        %get3A_535 = tpu.vector_load %arg5[%get3A_532, %get3A_533, %get3A_534] {strides = array<i32>} : memref<2x128x256xf32, #tpu.memory_space<vmem>>, vector<16xf32>,
        %mul3A_536 = arith.mulf %get3A_535, %get3A_535 : vector<16xf32>
        %add3A_537 = arith.addf %add3A_501, %mul3A_536 : vector<16xf32>
        %mul3A_538 = arith.constant 16 : i32
        %mul3A_539 = arith.muli %scan3A_127, %mul3A_538 : i32
        %get3A_540 = arith.constant 45 : i32
        %get3A_541 = arith.index_cast %rem3A_83 : i32 to index
        %get3A_542 = arith.index_cast %get3A_540 : i32 to index
        %get3A_543 = arith.index_cast %mul3A_539 : i32 to index
        %get3A_544 = tpu.vector_load %arg5[%get3A_541, %get3A_542, %get3A_543] {strides = array<i32>} : memref<2x128x256xf32, #tpu.memory_space<vmem>>, vector<16xf32>,
        %mul3A_545 = arith.mulf %get3A_544, %get3A_544 : vector<16xf32>
        %add3A_546 = arith.addf %add3A_510, %mul3A_545 : vector<16xf32>
        %mul3A_547 = arith.constant 16 : i32
        %mul3A_548 = arith.muli %scan3A_127, %mul3A_547 : i32
        %get3A_549 = arith.constant 46 : i32
        %get3A_550 = arith.index_cast %rem3A_83 : i32 to index
        %get3A_551 = arith.index_cast %get3A_549 : i32 to index
        %get3A_552 = arith.index_cast %mul3A_548 : i32 to index
        %get3A_553 = tpu.vector_load %arg5[%get3A_550, %get3A_551, %get3A_552] {strides = array<i32>} : memref<2x128x256xf32, #tpu.memory_space<vmem>>, vector<16xf32>,
        %mul3A_554 = arith.mulf %get3A_553, %get3A_553 : vector<16xf32>
        %add3A_555 = arith.addf %add3A_519, %mul3A_554 : vector<16xf32>
        %mul3A_556 = arith.constant 16 : i32
        %mul3A_557 = arith.muli %scan3A_127, %mul3A_556 : i32
        %get3A_558 = arith.constant 47 : i32
        %get3A_559 = arith.index_cast %rem3A_83 : i32 to index
        %get3A_560 = arith.index_cast %get3A_558 : i32 to index
        %get3A_561 = arith.index_cast %mul3A_557 : i32 to index
        %get3A_562 = tpu.vector_load %arg5[%get3A_559, %get3A_560, %get3A_561] {strides = array<i32>} : memref<2x128x256xf32, #tpu.memory_space<vmem>>, vector<16xf32>,
        %mul3A_563 = arith.mulf %get3A_562, %get3A_562 : vector<16xf32>
        %add3A_564 = arith.addf %add3A_528, %mul3A_563 : vector<16xf32>
        %mul3A_565 = arith.constant 16 : i32
        %mul3A_566 = arith.muli %scan3A_127, %mul3A_565 : i32
        %get3A_567 = arith.constant 48 : i32
        %get3A_568 = arith.index_cast %rem3A_83 : i32 to index
        %get3A_569 = arith.index_cast %get3A_567 : i32 to index
        %get3A_570 = arith.index_cast %mul3A_566 : i32 to index
        %get3A_571 = tpu.vector_load %arg5[%get3A_568, %get3A_569, %get3A_570] {strides = array<i32>} : memref<2x128x256xf32, #tpu.memory_space<vmem>>, vector<16xf32>,
        %mul3A_572 = arith.mulf %get3A_571, %get3A_571 : vector<16xf32>
        %add3A_573 = arith.addf %add3A_537, %mul3A_572 : vector<16xf32>
        %mul3A_574 = arith.constant 16 : i32
        %mul3A_575 = arith.muli %scan3A_127, %mul3A_574 : i32
        %get3A_576 = arith.constant 49 : i32
        %get3A_577 = arith.index_cast %rem3A_83 : i32 to index
        %get3A_578 = arith.index_cast %get3A_576 : i32 to index
        %get3A_579 = arith.index_cast %mul3A_575 : i32 to index
        %get3A_580 = tpu.vector_load %arg5[%get3A_577, %get3A_578, %get3A_579] {strides = array<i32>} : memref<2x128x256xf32, #tpu.memory_space<vmem>>, vector<16xf32>,
        %mul3A_581 = arith.mulf %get3A_580, %get3A_580 : vector<16xf32>
        %add3A_582 = arith.addf %add3A_546, %mul3A_581 : vector<16xf32>
        %mul3A_583 = arith.constant 16 : i32
        %mul3A_584 = arith.muli %scan3A_127, %mul3A_583 : i32
        %get3A_585 = arith.constant 50 : i32
        %get3A_586 = arith.index_cast %rem3A_83 : i32 to index
        %get3A_587 = arith.index_cast %get3A_585 : i32 to index
        %get3A_588 = arith.index_cast %mul3A_584 : i32 to index
        %get3A_589 = tpu.vector_load %arg5[%get3A_586, %get3A_587, %get3A_588] {strides = array<i32>} : memref<2x128x256xf32, #tpu.memory_space<vmem>>, vector<16xf32>,
        %mul3A_590 = arith.mulf %get3A_589, %get3A_589 : vector<16xf32>
        %add3A_591 = arith.addf %add3A_555, %mul3A_590 : vector<16xf32>
        %mul3A_592 = arith.constant 16 : i32
        %mul3A_593 = arith.muli %scan3A_127, %mul3A_592 : i32
        %get3A_594 = arith.constant 51 : i32
        %get3A_595 = arith.index_cast %rem3A_83 : i32 to index
        %get3A_596 = arith.index_cast %get3A_594 : i32 to index
        %get3A_597 = arith.index_cast %mul3A_593 : i32 to index
        %get3A_598 = tpu.vector_load %arg5[%get3A_595, %get3A_596, %get3A_597] {strides = array<i32>} : memref<2x128x256xf32, #tpu.memory_space<vmem>>, vector<16xf32>,
        %mul3A_599 = arith.mulf %get3A_598, %get3A_598 : vector<16xf32>
        %add3A_600 = arith.addf %add3A_564, %mul3A_599 : vector<16xf32>
        %mul3A_601 = arith.constant 16 : i32
        %mul3A_602 = arith.muli %scan3A_127, %mul3A_601 : i32
        %get3A_603 = arith.constant 52 : i32
        %get3A_604 = arith.index_cast %rem3A_83 : i32 to index
        %get3A_605 = arith.index_cast %get3A_603 : i32 to index
        %get3A_606 = arith.index_cast %mul3A_602 : i32 to index
        %get3A_607 = tpu.vector_load %arg5[%get3A_604, %get3A_605, %get3A_606] {strides = array<i32>} : memref<2x128x256xf32, #tpu.memory_space<vmem>>, vector<16xf32>,
        %mul3A_608 = arith.mulf %get3A_607, %get3A_607 : vector<16xf32>
        %add3A_609 = arith.addf %add3A_573, %mul3A_608 : vector<16xf32>
        %mul3A_610 = arith.constant 16 : i32
        %mul3A_611 = arith.muli %scan3A_127, %mul3A_610 : i32
        %get3A_612 = arith.constant 53 : i32
        %get3A_613 = arith.index_cast %rem3A_83 : i32 to index
        %get3A_614 = arith.index_cast %get3A_612 : i32 to index
        %get3A_615 = arith.index_cast %mul3A_611 : i32 to index
        %get3A_616 = tpu.vector_load %arg5[%get3A_613, %get3A_614, %get3A_615] {strides = array<i32>} : memref<2x128x256xf32, #tpu.memory_space<vmem>>, vector<16xf32>,
        %mul3A_617 = arith.mulf %get3A_616, %get3A_616 : vector<16xf32>
        %add3A_618 = arith.addf %add3A_582, %mul3A_617 : vector<16xf32>
        %mul3A_619 = arith.constant 16 : i32
        %mul3A_620 = arith.muli %scan3A_127, %mul3A_619 : i32
        %get3A_621 = arith.constant 54 : i32
        %get3A_622 = arith.index_cast %rem3A_83 : i32 to index
        %get3A_623 = arith.index_cast %get3A_621 : i32 to index
        %get3A_624 = arith.index_cast %mul3A_620 : i32 to index
        %get3A_625 = tpu.vector_load %arg5[%get3A_622, %get3A_623, %get3A_624] {strides = array<i32>} : memref<2x128x256xf32, #tpu.memory_space<vmem>>, vector<16xf32>,
        %mul3A_626 = arith.mulf %get3A_625, %get3A_625 : vector<16xf32>
        %add3A_627 = arith.addf %add3A_591, %mul3A_626 : vector<16xf32>
        %mul3A_628 = arith.constant 16 : i32
        %mul3A_629 = arith.muli %scan3A_127, %mul3A_628 : i32
        %get3A_630 = arith.constant 55 : i32
        %get3A_631 = arith.index_cast %rem3A_83 : i32 to index
        %get3A_632 = arith.index_cast %get3A_630 : i32 to index
        %get3A_633 = arith.index_cast %mul3A_629 : i32 to index
        %get3A_634 = tpu.vector_load %arg5[%get3A_631, %get3A_632, %get3A_633] {strides = array<i32>} : memref<2x128x256xf32, #tpu.memory_space<vmem>>, vector<16xf32>,
        %mul3A_635 = arith.mulf %get3A_634, %get3A_634 : vector<16xf32>
        %add3A_636 = arith.addf %add3A_600, %mul3A_635 : vector<16xf32>
        %mul3A_637 = arith.constant 16 : i32
        %mul3A_638 = arith.muli %scan3A_127, %mul3A_637 : i32
        %get3A_639 = arith.constant 56 : i32
        %get3A_640 = arith.index_cast %rem3A_83 : i32 to index
        %get3A_641 = arith.index_cast %get3A_639 : i32 to index
        %get3A_642 = arith.index_cast %mul3A_638 : i32 to index
        %get3A_643 = tpu.vector_load %arg5[%get3A_640, %get3A_641, %get3A_642] {strides = array<i32>} : memref<2x128x256xf32, #tpu.memory_space<vmem>>, vector<16xf32>,
        %mul3A_644 = arith.mulf %get3A_643, %get3A_643 : vector<16xf32>
        %add3A_645 = arith.addf %add3A_609, %mul3A_644 : vector<16xf32>
        %mul3A_646 = arith.constant 16 : i32
        %mul3A_647 = arith.muli %scan3A_127, %mul3A_646 : i32
        %get3A_648 = arith.constant 57 : i32
        %get3A_649 = arith.index_cast %rem3A_83 : i32 to index
        %get3A_650 = arith.index_cast %get3A_648 : i32 to index
        %get3A_651 = arith.index_cast %mul3A_647 : i32 to index
        %get3A_652 = tpu.vector_load %arg5[%get3A_649, %get3A_650, %get3A_651] {strides = array<i32>} : memref<2x128x256xf32, #tpu.memory_space<vmem>>, vector<16xf32>,
        %mul3A_653 = arith.mulf %get3A_652, %get3A_652 : vector<16xf32>
        %add3A_654 = arith.addf %add3A_618, %mul3A_653 : vector<16xf32>
        %mul3A_655 = arith.constant 16 : i32
        %mul3A_656 = arith.muli %scan3A_127, %mul3A_655 : i32
        %get3A_657 = arith.constant 58 : i32
        %get3A_658 = arith.index_cast %rem3A_83 : i32 to index
        %get3A_659 = arith.index_cast %get3A_657 : i32 to index
        %get3A_660 = arith.index_cast %mul3A_656 : i32 to index
        %get3A_661 = tpu.vector_load %arg5[%get3A_658, %get3A_659, %get3A_660] {strides = array<i32>} : memref<2x128x256xf32, #tpu.memory_space<vmem>>, vector<16xf32>,
        %mul3A_662 = arith.mulf %get3A_661, %get3A_661 : vector<16xf32>
        %add3A_663 = arith.addf %add3A_627, %mul3A_662 : vector<16xf32>
        %mul3A_664 = arith.constant 16 : i32
        %mul3A_665 = arith.muli %scan3A_127, %mul3A_664 : i32
        %get3A_666 = arith.constant 59 : i32
        %get3A_667 = arith.index_cast %rem3A_83 : i32 to index
        %get3A_668 = arith.index_cast %get3A_666 : i32 to index
        %get3A_669 = arith.index_cast %mul3A_665 : i32 to index
        %get3A_670 = tpu.vector_load %arg5[%get3A_667, %get3A_668, %get3A_669] {strides = array<i32>} : memref<2x128x256xf32, #tpu.memory_space<vmem>>, vector<16xf32>,
        %mul3A_671 = arith.mulf %get3A_670, %get3A_670 : vector<16xf32>
        %add3A_672 = arith.addf %add3A_636, %mul3A_671 : vector<16xf32>
        %mul3A_673 = arith.constant 16 : i32
        %mul3A_674 = arith.muli %scan3A_127, %mul3A_673 : i32
        %get3A_675 = arith.constant 60 : i32
        %get3A_676 = arith.index_cast %rem3A_83 : i32 to index
        %get3A_677 = arith.index_cast %get3A_675 : i32 to index
        %get3A_678 = arith.index_cast %mul3A_674 : i32 to index
        %get3A_679 = tpu.vector_load %arg5[%get3A_676, %get3A_677, %get3A_678] {strides = array<i32>} : memref<2x128x256xf32, #tpu.memory_space<vmem>>, vector<16xf32>,
        %mul3A_680 = arith.mulf %get3A_679, %get3A_679 : vector<16xf32>
        %add3A_681 = arith.addf %add3A_645, %mul3A_680 : vector<16xf32>
        %mul3A_682 = arith.constant 16 : i32
        %mul3A_683 = arith.muli %scan3A_127, %mul3A_682 : i32
        %get3A_684 = arith.constant 61 : i32
        %get3A_685 = arith.index_cast %rem3A_83 : i32 to index
        %get3A_686 = arith.index_cast %get3A_684 : i32 to index
        %get3A_687 = arith.index_cast %mul3A_683 : i32 to index
        %get3A_688 = tpu.vector_load %arg5[%get3A_685, %get3A_686, %get3A_687] {strides = array<i32>} : memref<2x128x256xf32, #tpu.memory_space<vmem>>, vector<16xf32>,
        %mul3A_689 = arith.mulf %get3A_688, %get3A_688 : vector<16xf32>
        %add3A_690 = arith.addf %add3A_654, %mul3A_689 : vector<16xf32>
        %mul3A_691 = arith.constant 16 : i32
        %mul3A_692 = arith.muli %scan3A_127, %mul3A_691 : i32
        %get3A_693 = arith.constant 62 : i32
        %get3A_694 = arith.index_cast %rem3A_83 : i32 to index
        %get3A_695 = arith.index_cast %get3A_693 : i32 to index
        %get3A_696 = arith.index_cast %mul3A_692 : i32 to index
        %get3A_697 = tpu.vector_load %arg5[%get3A_694, %get3A_695, %get3A_696] {strides = array<i32>} : memref<2x128x256xf32, #tpu.memory_space<vmem>>, vector<16xf32>,
        %mul3A_698 = arith.mulf %get3A_697, %get3A_697 : vector<16xf32>
        %add3A_699 = arith.addf %add3A_663, %mul3A_698 : vector<16xf32>
        %mul3A_700 = arith.constant 16 : i32
        %mul3A_701 = arith.muli %scan3A_127, %mul3A_700 : i32
        %get3A_702 = arith.constant 63 : i32
        %get3A_703 = arith.index_cast %rem3A_83 : i32 to index
        %get3A_704 = arith.index_cast %get3A_702 : i32 to index
        %get3A_705 = arith.index_cast %mul3A_701 : i32 to index
        %get3A_706 = tpu.vector_load %arg5[%get3A_703, %get3A_704, %get3A_705] {strides = array<i32>} : memref<2x128x256xf32, #tpu.memory_space<vmem>>, vector<16xf32>,
        %mul3A_707 = arith.mulf %get3A_706, %get3A_706 : vector<16xf32>
        %add3A_708 = arith.addf %add3A_672, %mul3A_707 : vector<16xf32>
        %mul3A_709 = arith.constant 16 : i32
        %mul3A_710 = arith.muli %scan3A_127, %mul3A_709 : i32
        %get3A_711 = arith.constant 64 : i32
        %get3A_712 = arith.index_cast %rem3A_83 : i32 to index
        %get3A_713 = arith.index_cast %get3A_711 : i32 to index
        %get3A_714 = arith.index_cast %mul3A_710 : i32 to index
        %get3A_715 = tpu.vector_load %arg5[%get3A_712, %get3A_713, %get3A_714] {strides = array<i32>} : memref<2x128x256xf32, #tpu.memory_space<vmem>>, vector<16xf32>,
        %mul3A_716 = arith.mulf %get3A_715, %get3A_715 : vector<16xf32>
        %add3A_717 = arith.addf %add3A_681, %mul3A_716 : vector<16xf32>
        %mul3A_718 = arith.constant 16 : i32
        %mul3A_719 = arith.muli %scan3A_127, %mul3A_718 : i32
        %get3A_720 = arith.constant 65 : i32
        %get3A_721 = arith.index_cast %rem3A_83 : i32 to index
        %get3A_722 = arith.index_cast %get3A_720 : i32 to index
        %get3A_723 = arith.index_cast %mul3A_719 : i32 to index
        %get3A_724 = tpu.vector_load %arg5[%get3A_721, %get3A_722, %get3A_723] {strides = array<i32>} : memref<2x128x256xf32, #tpu.memory_space<vmem>>, vector<16xf32>,
        %mul3A_725 = arith.mulf %get3A_724, %get3A_724 : vector<16xf32>
        %add3A_726 = arith.addf %add3A_690, %mul3A_725 : vector<16xf32>
        %mul3A_727 = arith.constant 16 : i32
        %mul3A_728 = arith.muli %scan3A_127, %mul3A_727 : i32
        %get3A_729 = arith.constant 66 : i32
        %get3A_730 = arith.index_cast %rem3A_83 : i32 to index
        %get3A_731 = arith.index_cast %get3A_729 : i32 to index
        %get3A_732 = arith.index_cast %mul3A_728 : i32 to index
        %get3A_733 = tpu.vector_load %arg5[%get3A_730, %get3A_731, %get3A_732] {strides = array<i32>} : memref<2x128x256xf32, #tpu.memory_space<vmem>>, vector<16xf32>,
        %mul3A_734 = arith.mulf %get3A_733, %get3A_733 : vector<16xf32>
        %add3A_735 = arith.addf %add3A_699, %mul3A_734 : vector<16xf32>
        %mul3A_736 = arith.constant 16 : i32
        %mul3A_737 = arith.muli %scan3A_127, %mul3A_736 : i32
        %get3A_738 = arith.constant 67 : i32
        %get3A_739 = arith.index_cast %rem3A_83 : i32 to index
        %get3A_740 = arith.index_cast %get3A_738 : i32 to index
        %get3A_741 = arith.index_cast %mul3A_737 : i32 to index
        %get3A_742 = tpu.vector_load %arg5[%get3A_739, %get3A_740, %get3A_741] {strides = array<i32>} : memref<2x128x256xf32, #tpu.memory_space<vmem>>, vector<16xf32>,
        %mul3A_743 = arith.mulf %get3A_742, %get3A_742 : vector<16xf32>
        %add3A_744 = arith.addf %add3A_708, %mul3A_743 : vector<16xf32>
        %mul3A_745 = arith.constant 16 : i32
        %mul3A_746 = arith.muli %scan3A_127, %mul3A_745 : i32
        %get3A_747 = arith.constant 68 : i32
        %get3A_748 = arith.index_cast %rem3A_83 : i32 to index
        %get3A_749 = arith.index_cast %get3A_747 : i32 to index
        %get3A_750 = arith.index_cast %mul3A_746 : i32 to index
        %get3A_751 = tpu.vector_load %arg5[%get3A_748, %get3A_749, %get3A_750] {strides = array<i32>} : memref<2x128x256xf32, #tpu.memory_space<vmem>>, vector<16xf32>,
        %mul3A_752 = arith.mulf %get3A_751, %get3A_751 : vector<16xf32>
        %add3A_753 = arith.addf %add3A_717, %mul3A_752 : vector<16xf32>
        %mul3A_754 = arith.constant 16 : i32
        %mul3A_755 = arith.muli %scan3A_127, %mul3A_754 : i32
        %get3A_756 = arith.constant 69 : i32
        %get3A_757 = arith.index_cast %rem3A_83 : i32 to index
        %get3A_758 = arith.index_cast %get3A_756 : i32 to index
        %get3A_759 = arith.index_cast %mul3A_755 : i32 to index
        %get3A_760 = tpu.vector_load %arg5[%get3A_757, %get3A_758, %get3A_759] {strides = array<i32>} : memref<2x128x256xf32, #tpu.memory_space<vmem>>, vector<16xf32>,
        %mul3A_761 = arith.mulf %get3A_760, %get3A_760 : vector<16xf32>
        %add3A_762 = arith.addf %add3A_726, %mul3A_761 : vector<16xf32>
        %mul3A_763 = arith.constant 16 : i32
        %mul3A_764 = arith.muli %scan3A_127, %mul3A_763 : i32
        %get3A_765 = arith.constant 70 : i32
        %get3A_766 = arith.index_cast %rem3A_83 : i32 to index
        %get3A_767 = arith.index_cast %get3A_765 : i32 to index
        %get3A_768 = arith.index_cast %mul3A_764 : i32 to index
        %get3A_769 = tpu.vector_load %arg5[%get3A_766, %get3A_767, %get3A_768] {strides = array<i32>} : memref<2x128x256xf32, #tpu.memory_space<vmem>>, vector<16xf32>,
        %mul3A_770 = arith.mulf %get3A_769, %get3A_769 : vector<16xf32>
        %add3A_771 = arith.addf %add3A_735, %mul3A_770 : vector<16xf32>
        %mul3A_772 = arith.constant 16 : i32
        %mul3A_773 = arith.muli %scan3A_127, %mul3A_772 : i32
        %get3A_774 = arith.constant 71 : i32
        %get3A_775 = arith.index_cast %rem3A_83 : i32 to index
        %get3A_776 = arith.index_cast %get3A_774 : i32 to index
        %get3A_777 = arith.index_cast %mul3A_773 : i32 to index
        %get3A_778 = tpu.vector_load %arg5[%get3A_775, %get3A_776, %get3A_777] {strides = array<i32>} : memref<2x128x256xf32, #tpu.memory_space<vmem>>, vector<16xf32>,
        %mul3A_779 = arith.mulf %get3A_778, %get3A_778 : vector<16xf32>
        %add3A_780 = arith.addf %add3A_744, %mul3A_779 : vector<16xf32>
        %mul3A_781 = arith.constant 16 : i32
        %mul3A_782 = arith.muli %scan3A_127, %mul3A_781 : i32
        %get3A_783 = arith.constant 72 : i32
        %get3A_784 = arith.index_cast %rem3A_83 : i32 to index
        %get3A_785 = arith.index_cast %get3A_783 : i32 to index
        %get3A_786 = arith.index_cast %mul3A_782 : i32 to index
        %get3A_787 = tpu.vector_load %arg5[%get3A_784, %get3A_785, %get3A_786] {strides = array<i32>} : memref<2x128x256xf32, #tpu.memory_space<vmem>>, vector<16xf32>,
        %mul3A_788 = arith.mulf %get3A_787, %get3A_787 : vector<16xf32>
        %add3A_789 = arith.addf %add3A_753, %mul3A_788 : vector<16xf32>
        %mul3A_790 = arith.constant 16 : i32
        %mul3A_791 = arith.muli %scan3A_127, %mul3A_790 : i32
        %get3A_792 = arith.constant 73 : i32
        %get3A_793 = arith.index_cast %rem3A_83 : i32 to index
        %get3A_794 = arith.index_cast %get3A_792 : i32 to index
        %get3A_795 = arith.index_cast %mul3A_791 : i32 to index
        %get3A_796 = tpu.vector_load %arg5[%get3A_793, %get3A_794, %get3A_795] {strides = array<i32>} : memref<2x128x256xf32, #tpu.memory_space<vmem>>, vector<16xf32>,
        %mul3A_797 = arith.mulf %get3A_796, %get3A_796 : vector<16xf32>
        %add3A_798 = arith.addf %add3A_762, %mul3A_797 : vector<16xf32>
        %mul3A_799 = arith.constant 16 : i32
        %mul3A_800 = arith.muli %scan3A_127, %mul3A_799 : i32
        %get3A_801 = arith.constant 74 : i32
        %get3A_802 = arith.index_cast %rem3A_83 : i32 to index
        %get3A_803 = arith.index_cast %get3A_801 : i32 to index
        %get3A_804 = arith.index_cast %mul3A_800 : i32 to index
        %get3A_805 = tpu.vector_load %arg5[%get3A_802, %get3A_803, %get3A_804] {strides = array<i32>} : memref<2x128x256xf32, #tpu.memory_space<vmem>>, vector<16xf32>,
        %mul3A_806 = arith.mulf %get3A_805, %get3A_805 : vector<16xf32>
        %add3A_807 = arith.addf %add3A_771, %mul3A_806 : vector<16xf32>
        %mul3A_808 = arith.constant 16 : i32
        %mul3A_809 = arith.muli %scan3A_127, %mul3A_808 : i32
        %get3A_810 = arith.constant 75 : i32
        %get3A_811 = arith.index_cast %rem3A_83 : i32 to index
        %get3A_812 = arith.index_cast %get3A_810 : i32 to index
        %get3A_813 = arith.index_cast %mul3A_809 : i32 to index
        %get3A_814 = tpu.vector_load %arg5[%get3A_811, %get3A_812, %get3A_813] {strides = array<i32>} : memref<2x128x256xf32, #tpu.memory_space<vmem>>, vector<16xf32>,
        %mul3A_815 = arith.mulf %get3A_814, %get3A_814 : vector<16xf32>
        %add3A_816 = arith.addf %add3A_780, %mul3A_815 : vector<16xf32>
        %mul3A_817 = arith.constant 16 : i32
        %mul3A_818 = arith.muli %scan3A_127, %mul3A_817 : i32
        %get3A_819 = arith.constant 76 : i32
        %get3A_820 = arith.index_cast %rem3A_83 : i32 to index
        %get3A_821 = arith.index_cast %get3A_819 : i32 to index
        %get3A_822 = arith.index_cast %mul3A_818 : i32 to index
        %get3A_823 = tpu.vector_load %arg5[%get3A_820, %get3A_821, %get3A_822] {strides = array<i32>} : memref<2x128x256xf32, #tpu.memory_space<vmem>>, vector<16xf32>,
        %mul3A_824 = arith.mulf %get3A_823, %get3A_823 : vector<16xf32>
        %add3A_825 = arith.addf %add3A_789, %mul3A_824 : vector<16xf32>
        %mul3A_826 = arith.constant 16 : i32
        %mul3A_827 = arith.muli %scan3A_127, %mul3A_826 : i32
        %get3A_828 = arith.constant 77 : i32
        %get3A_829 = arith.index_cast %rem3A_83 : i32 to index
        %get3A_830 = arith.index_cast %get3A_828 : i32 to index
        %get3A_831 = arith.index_cast %mul3A_827 : i32 to index
        %get3A_832 = tpu.vector_load %arg5[%get3A_829, %get3A_830, %get3A_831] {strides = array<i32>} : memref<2x128x256xf32, #tpu.memory_space<vmem>>, vector<16xf32>,
        %mul3A_833 = arith.mulf %get3A_832, %get3A_832 : vector<16xf32>
        %add3A_834 = arith.addf %add3A_798, %mul3A_833 : vector<16xf32>
        %mul3A_835 = arith.constant 16 : i32
        %mul3A_836 = arith.muli %scan3A_127, %mul3A_835 : i32
        %get3A_837 = arith.constant 78 : i32
        %get3A_838 = arith.index_cast %rem3A_83 : i32 to index
        %get3A_839 = arith.index_cast %get3A_837 : i32 to index
        %get3A_840 = arith.index_cast %mul3A_836 : i32 to index
        %get3A_841 = tpu.vector_load %arg5[%get3A_838, %get3A_839, %get3A_840] {strides = array<i32>} : memref<2x128x256xf32, #tpu.memory_space<vmem>>, vector<16xf32>,
        %mul3A_842 = arith.mulf %get3A_841, %get3A_841 : vector<16xf32>
        %add3A_843 = arith.addf %add3A_807, %mul3A_842 : vector<16xf32>
        %mul3A_844 = arith.constant 16 : i32
        %mul3A_845 = arith.muli %scan3A_127, %mul3A_844 : i32
        %get3A_846 = arith.constant 79 : i32
        %get3A_847 = arith.index_cast %rem3A_83 : i32 to index
        %get3A_848 = arith.index_cast %get3A_846 : i32 to index
        %get3A_849 = arith.index_cast %mul3A_845 : i32 to index
        %get3A_850 = tpu.vector_load %arg5[%get3A_847, %get3A_848, %get3A_849] {strides = array<i32>} : memref<2x128x256xf32, #tpu.memory_space<vmem>>, vector<16xf32>,
        %mul3A_851 = arith.mulf %get3A_850, %get3A_850 : vector<16xf32>
        %add3A_852 = arith.addf %add3A_816, %mul3A_851 : vector<16xf32>
        %mul3A_853 = arith.constant 16 : i32
        %mul3A_854 = arith.muli %scan3A_127, %mul3A_853 : i32
        %get3A_855 = arith.constant 80 : i32
        %get3A_856 = arith.index_cast %rem3A_83 : i32 to index
        %get3A_857 = arith.index_cast %get3A_855 : i32 to index
        %get3A_858 = arith.index_cast %mul3A_854 : i32 to index
        %get3A_859 = tpu.vector_load %arg5[%get3A_856, %get3A_857, %get3A_858] {strides = array<i32>} : memref<2x128x256xf32, #tpu.memory_space<vmem>>, vector<16xf32>,
        %mul3A_860 = arith.mulf %get3A_859, %get3A_859 : vector<16xf32>
        %add3A_861 = arith.addf %add3A_825, %mul3A_860 : vector<16xf32>
        %mul3A_862 = arith.constant 16 : i32
        %mul3A_863 = arith.muli %scan3A_127, %mul3A_862 : i32
        %get3A_864 = arith.constant 81 : i32
        %get3A_865 = arith.index_cast %rem3A_83 : i32 to index
        %get3A_866 = arith.index_cast %get3A_864 : i32 to index
        %get3A_867 = arith.index_cast %mul3A_863 : i32 to index
        %get3A_868 = tpu.vector_load %arg5[%get3A_865, %get3A_866, %get3A_867] {strides = array<i32>} : memref<2x128x256xf32, #tpu.memory_space<vmem>>, vector<16xf32>,
        %mul3A_869 = arith.mulf %get3A_868, %get3A_868 : vector<16xf32>
        %add3A_870 = arith.addf %add3A_834, %mul3A_869 : vector<16xf32>
        %mul3A_871 = arith.constant 16 : i32
        %mul3A_872 = arith.muli %scan3A_127, %mul3A_871 : i32
        %get3A_873 = arith.constant 82 : i32
        %get3A_874 = arith.index_cast %rem3A_83 : i32 to index
        %get3A_875 = arith.index_cast %get3A_873 : i32 to index
        %get3A_876 = arith.index_cast %mul3A_872 : i32 to index
        %get3A_877 = tpu.vector_load %arg5[%get3A_874, %get3A_875, %get3A_876] {strides = array<i32>} : memref<2x128x256xf32, #tpu.memory_space<vmem>>, vector<16xf32>,
        %mul3A_878 = arith.mulf %get3A_877, %get3A_877 : vector<16xf32>
        %add3A_879 = arith.addf %add3A_843, %mul3A_878 : vector<16xf32>
        %mul3A_880 = arith.constant 16 : i32
        %mul3A_881 = arith.muli %scan3A_127, %mul3A_880 : i32
        %get3A_882 = arith.constant 83 : i32
        %get3A_883 = arith.index_cast %rem3A_83 : i32 to index
        %get3A_884 = arith.index_cast %get3A_882 : i32 to index
        %get3A_885 = arith.index_cast %mul3A_881 : i32 to index
        %get3A_886 = tpu.vector_load %arg5[%get3A_883, %get3A_884, %get3A_885] {strides = array<i32>} : memref<2x128x256xf32, #tpu.memory_space<vmem>>, vector<16xf32>,
        %mul3A_887 = arith.mulf %get3A_886, %get3A_886 : vector<16xf32>
        %add3A_888 = arith.addf %add3A_852, %mul3A_887 : vector<16xf32>
        %mul3A_889 = arith.constant 16 : i32
        %mul3A_890 = arith.muli %scan3A_127, %mul3A_889 : i32
        %get3A_891 = arith.constant 84 : i32
        %get3A_892 = arith.index_cast %rem3A_83 : i32 to index
        %get3A_893 = arith.index_cast %get3A_891 : i32 to index
        %get3A_894 = arith.index_cast %mul3A_890 : i32 to index
        %get3A_895 = tpu.vector_load %arg5[%get3A_892, %get3A_893, %get3A_894] {strides = array<i32>} : memref<2x128x256xf32, #tpu.memory_space<vmem>>, vector<16xf32>,
        %mul3A_896 = arith.mulf %get3A_895, %get3A_895 : vector<16xf32>
        %add3A_897 = arith.addf %add3A_861, %mul3A_896 : vector<16xf32>
        %mul3A_898 = arith.constant 16 : i32
        %mul3A_899 = arith.muli %scan3A_127, %mul3A_898 : i32
        %get3A_900 = arith.constant 85 : i32
        %get3A_901 = arith.index_cast %rem3A_83 : i32 to index
        %get3A_902 = arith.index_cast %get3A_900 : i32 to index
        %get3A_903 = arith.index_cast %mul3A_899 : i32 to index
        %get3A_904 = tpu.vector_load %arg5[%get3A_901, %get3A_902, %get3A_903] {strides = array<i32>} : memref<2x128x256xf32, #tpu.memory_space<vmem>>, vector<16xf32>,
        %mul3A_905 = arith.mulf %get3A_904, %get3A_904 : vector<16xf32>
        %add3A_906 = arith.addf %add3A_870, %mul3A_905 : vector<16xf32>
        %mul3A_907 = arith.constant 16 : i32
        %mul3A_908 = arith.muli %scan3A_127, %mul3A_907 : i32
        %get3A_909 = arith.constant 86 : i32
        %get3A_910 = arith.index_cast %rem3A_83 : i32 to index
        %get3A_911 = arith.index_cast %get3A_909 : i32 to index
        %get3A_912 = arith.index_cast %mul3A_908 : i32 to index
        %get3A_913 = tpu.vector_load %arg5[%get3A_910, %get3A_911, %get3A_912] {strides = array<i32>} : memref<2x128x256xf32, #tpu.memory_space<vmem>>, vector<16xf32>,
        %mul3A_914 = arith.mulf %get3A_913, %get3A_913 : vector<16xf32>
        %add3A_915 = arith.addf %add3A_879, %mul3A_914 : vector<16xf32>
        %mul3A_916 = arith.constant 16 : i32
        %mul3A_917 = arith.muli %scan3A_127, %mul3A_916 : i32
        %get3A_918 = arith.constant 87 : i32
        %get3A_919 = arith.index_cast %rem3A_83 : i32 to index
        %get3A_920 = arith.index_cast %get3A_918 : i32 to index
        %get3A_921 = arith.index_cast %mul3A_917 : i32 to index
        %get3A_922 = tpu.vector_load %arg5[%get3A_919, %get3A_920, %get3A_921] {strides = array<i32>} : memref<2x128x256xf32, #tpu.memory_space<vmem>>, vector<16xf32>,
        %mul3A_923 = arith.mulf %get3A_922, %get3A_922 : vector<16xf32>
        %add3A_924 = arith.addf %add3A_888, %mul3A_923 : vector<16xf32>
        %mul3A_925 = arith.constant 16 : i32
        %mul3A_926 = arith.muli %scan3A_127, %mul3A_925 : i32
        %get3A_927 = arith.constant 88 : i32
        %get3A_928 = arith.index_cast %rem3A_83 : i32 to index
        %get3A_929 = arith.index_cast %get3A_927 : i32 to index
        %get3A_930 = arith.index_cast %mul3A_926 : i32 to index
        %get3A_931 = tpu.vector_load %arg5[%get3A_928, %get3A_929, %get3A_930] {strides = array<i32>} : memref<2x128x256xf32, #tpu.memory_space<vmem>>, vector<16xf32>,
        %mul3A_932 = arith.mulf %get3A_931, %get3A_931 : vector<16xf32>
        %add3A_933 = arith.addf %add3A_897, %mul3A_932 : vector<16xf32>
        %mul3A_934 = arith.constant 16 : i32
        %mul3A_935 = arith.muli %scan3A_127, %mul3A_934 : i32
        %get3A_936 = arith.constant 89 : i32
        %get3A_937 = arith.index_cast %rem3A_83 : i32 to index
        %get3A_938 = arith.index_cast %get3A_936 : i32 to index
        %get3A_939 = arith.index_cast %mul3A_935 : i32 to index
        %get3A_940 = tpu.vector_load %arg5[%get3A_937, %get3A_938, %get3A_939] {strides = array<i32>} : memref<2x128x256xf32, #tpu.memory_space<vmem>>, vector<16xf32>,
        %mul3A_941 = arith.mulf %get3A_940, %get3A_940 : vector<16xf32>
        %add3A_942 = arith.addf %add3A_906, %mul3A_941 : vector<16xf32>
        %mul3A_943 = arith.constant 16 : i32
        %mul3A_944 = arith.muli %scan3A_127, %mul3A_943 : i32
        %get3A_945 = arith.constant 90 : i32
        %get3A_946 = arith.index_cast %rem3A_83 : i32 to index
        %get3A_947 = arith.index_cast %get3A_945 : i32 to index
        %get3A_948 = arith.index_cast %mul3A_944 : i32 to index
        %get3A_949 = tpu.vector_load %arg5[%get3A_946, %get3A_947, %get3A_948] {strides = array<i32>} : memref<2x128x256xf32, #tpu.memory_space<vmem>>, vector<16xf32>,
        %mul3A_950 = arith.mulf %get3A_949, %get3A_949 : vector<16xf32>
        %add3A_951 = arith.addf %add3A_915, %mul3A_950 : vector<16xf32>
        %mul3A_952 = arith.constant 16 : i32
        %mul3A_953 = arith.muli %scan3A_127, %mul3A_952 : i32
        %get3A_954 = arith.constant 91 : i32
        %get3A_955 = arith.index_cast %rem3A_83 : i32 to index
        %get3A_956 = arith.index_cast %get3A_954 : i32 to index
        %get3A_957 = arith.index_cast %mul3A_953 : i32 to index
        %get3A_958 = tpu.vector_load %arg5[%get3A_955, %get3A_956, %get3A_957] {strides = array<i32>} : memref<2x128x256xf32, #tpu.memory_space<vmem>>, vector<16xf32>,
        %mul3A_959 = arith.mulf %get3A_958, %get3A_958 : vector<16xf32>
        %add3A_960 = arith.addf %add3A_924, %mul3A_959 : vector<16xf32>
        %mul3A_961 = arith.constant 16 : i32
        %mul3A_962 = arith.muli %scan3A_127, %mul3A_961 : i32
        %get3A_963 = arith.constant 92 : i32
        %get3A_964 = arith.index_cast %rem3A_83 : i32 to index
        %get3A_965 = arith.index_cast %get3A_963 : i32 to index
        %get3A_966 = arith.index_cast %mul3A_962 : i32 to index
        %get3A_967 = tpu.vector_load %arg5[%get3A_964, %get3A_965, %get3A_966] {strides = array<i32>} : memref<2x128x256xf32, #tpu.memory_space<vmem>>, vector<16xf32>,
        %mul3A_968 = arith.mulf %get3A_967, %get3A_967 : vector<16xf32>
        %add3A_969 = arith.addf %add3A_933, %mul3A_968 : vector<16xf32>
        %mul3A_970 = arith.constant 16 : i32
        %mul3A_971 = arith.muli %scan3A_127, %mul3A_970 : i32
        %get3A_972 = arith.constant 93 : i32
        %get3A_973 = arith.index_cast %rem3A_83 : i32 to index
        %get3A_974 = arith.index_cast %get3A_972 : i32 to index
        %get3A_975 = arith.index_cast %mul3A_971 : i32 to index
        %get3A_976 = tpu.vector_load %arg5[%get3A_973, %get3A_974, %get3A_975] {strides = array<i32>} : memref<2x128x256xf32, #tpu.memory_space<vmem>>, vector<16xf32>,
        %mul3A_977 = arith.mulf %get3A_976, %get3A_976 : vector<16xf32>
        %add3A_978 = arith.addf %add3A_942, %mul3A_977 : vector<16xf32>
        %mul3A_979 = arith.constant 16 : i32
        %mul3A_980 = arith.muli %scan3A_127, %mul3A_979 : i32
        %get3A_981 = arith.constant 94 : i32
        %get3A_982 = arith.index_cast %rem3A_83 : i32 to index
        %get3A_983 = arith.index_cast %get3A_981 : i32 to index
        %get3A_984 = arith.index_cast %mul3A_980 : i32 to index
        %get3A_985 = tpu.vector_load %arg5[%get3A_982, %get3A_983, %get3A_984] {strides = array<i32>} : memref<2x128x256xf32, #tpu.memory_space<vmem>>, vector<16xf32>,
        %mul3A_986 = arith.mulf %get3A_985, %get3A_985 : vector<16xf32>
        %add3A_987 = arith.addf %add3A_951, %mul3A_986 : vector<16xf32>
        %mul3A_988 = arith.constant 16 : i32
        %mul3A_989 = arith.muli %scan3A_127, %mul3A_988 : i32
        %get3A_990 = arith.constant 95 : i32
        %get3A_991 = arith.index_cast %rem3A_83 : i32 to index
        %get3A_992 = arith.index_cast %get3A_990 : i32 to index
        %get3A_993 = arith.index_cast %mul3A_989 : i32 to index
        %get3A_994 = tpu.vector_load %arg5[%get3A_991, %get3A_992, %get3A_993] {strides = array<i32>} : memref<2x128x256xf32, #tpu.memory_space<vmem>>, vector<16xf32>,
        %mul3A_995 = arith.mulf %get3A_994, %get3A_994 : vector<16xf32>
        %add3A_996 = arith.addf %add3A_960, %mul3A_995 : vector<16xf32>
        %mul3A_997 = arith.constant 16 : i32
        %mul3A_998 = arith.muli %scan3A_127, %mul3A_997 : i32
        %get3A_999 = arith.constant 96 : i32
        %get3A_1000 = arith.index_cast %rem3A_83 : i32 to index
        %get3A_1001 = arith.index_cast %get3A_999 : i32 to index
        %get3A_1002 = arith.index_cast %mul3A_998 : i32 to index
        %get3A_1003 = tpu.vector_load %arg5[%get3A_1000, %get3A_1001, %get3A_1002] {strides = array<i32>} : memref<2x128x256xf32, #tpu.memory_space<vmem>>, vector<16xf32>,
        %mul3A_1004 = arith.mulf %get3A_1003, %get3A_1003 : vector<16xf32>
        %add3A_1005 = arith.addf %add3A_969, %mul3A_1004 : vector<16xf32>
        %mul3A_1006 = arith.constant 16 : i32
        %mul3A_1007 = arith.muli %scan3A_127, %mul3A_1006 : i32
        %get3A_1008 = arith.constant 97 : i32
        %get3A_1009 = arith.index_cast %rem3A_83 : i32 to index
        %get3A_1010 = arith.index_cast %get3A_1008 : i32 to index
        %get3A_1011 = arith.index_cast %mul3A_1007 : i32 to index
        %get3A_1012 = tpu.vector_load %arg5[%get3A_1009, %get3A_1010, %get3A_1011] {strides = array<i32>} : memref<2x128x256xf32, #tpu.memory_space<vmem>>, vector<16xf32>,
        %mul3A_1013 = arith.mulf %get3A_1012, %get3A_1012 : vector<16xf32>
        %add3A_1014 = arith.addf %add3A_978, %mul3A_1013 : vector<16xf32>
        %mul3A_1015 = arith.constant 16 : i32
        %mul3A_1016 = arith.muli %scan3A_127, %mul3A_1015 : i32
        %get3A_1017 = arith.constant 98 : i32
        %get3A_1018 = arith.index_cast %rem3A_83 : i32 to index
        %get3A_1019 = arith.index_cast %get3A_1017 : i32 to index
        %get3A_1020 = arith.index_cast %mul3A_1016 : i32 to index
        %get3A_1021 = tpu.vector_load %arg5[%get3A_1018, %get3A_1019, %get3A_1020] {strides = array<i32>} : memref<2x128x256xf32, #tpu.memory_space<vmem>>, vector<16xf32>,
        %mul3A_1022 = arith.mulf %get3A_1021, %get3A_1021 : vector<16xf32>
        %add3A_1023 = arith.addf %add3A_987, %mul3A_1022 : vector<16xf32>
        %mul3A_1024 = arith.constant 16 : i32
        %mul3A_1025 = arith.muli %scan3A_127, %mul3A_1024 : i32
        %get3A_1026 = arith.constant 99 : i32
        %get3A_1027 = arith.index_cast %rem3A_83 : i32 to index
        %get3A_1028 = arith.index_cast %get3A_1026 : i32 to index
        %get3A_1029 = arith.index_cast %mul3A_1025 : i32 to index
        %get3A_1030 = tpu.vector_load %arg5[%get3A_1027, %get3A_1028, %get3A_1029] {strides = array<i32>} : memref<2x128x256xf32, #tpu.memory_space<vmem>>, vector<16xf32>,
        %mul3A_1031 = arith.mulf %get3A_1030, %get3A_1030 : vector<16xf32>
        %add3A_1032 = arith.addf %add3A_996, %mul3A_1031 : vector<16xf32>
        %mul3A_1033 = arith.constant 16 : i32
        %mul3A_1034 = arith.muli %scan3A_127, %mul3A_1033 : i32
        %get3A_1035 = arith.constant 100 : i32
        %get3A_1036 = arith.index_cast %rem3A_83 : i32 to index
        %get3A_1037 = arith.index_cast %get3A_1035 : i32 to index
        %get3A_1038 = arith.index_cast %mul3A_1034 : i32 to index
        %get3A_1039 = tpu.vector_load %arg5[%get3A_1036, %get3A_1037, %get3A_1038] {strides = array<i32>} : memref<2x128x256xf32, #tpu.memory_space<vmem>>, vector<16xf32>,
        %mul3A_1040 = arith.mulf %get3A_1039, %get3A_1039 : vector<16xf32>
        %add3A_1041 = arith.addf %add3A_1005, %mul3A_1040 : vector<16xf32>
        %mul3A_1042 = arith.constant 16 : i32
        %mul3A_1043 = arith.muli %scan3A_127, %mul3A_1042 : i32
        %get3A_1044 = arith.constant 101 : i32
        %get3A_1045 = arith.index_cast %rem3A_83 : i32 to index
        %get3A_1046 = arith.index_cast %get3A_1044 : i32 to index
        %get3A_1047 = arith.index_cast %mul3A_1043 : i32 to index
        %get3A_1048 = tpu.vector_load %arg5[%get3A_1045, %get3A_1046, %get3A_1047] {strides = array<i32>} : memref<2x128x256xf32, #tpu.memory_space<vmem>>, vector<16xf32>,
        %mul3A_1049 = arith.mulf %get3A_1048, %get3A_1048 : vector<16xf32>
        %add3A_1050 = arith.addf %add3A_1014, %mul3A_1049 : vector<16xf32>
        %mul3A_1051 = arith.constant 16 : i32
        %mul3A_1052 = arith.muli %scan3A_127, %mul3A_1051 : i32
        %get3A_1053 = arith.constant 102 : i32
        %get3A_1054 = arith.index_cast %rem3A_83 : i32 to index
        %get3A_1055 = arith.index_cast %get3A_1053 : i32 to index
        %get3A_1056 = arith.index_cast %mul3A_1052 : i32 to index
        %get3A_1057 = tpu.vector_load %arg5[%get3A_1054, %get3A_1055, %get3A_1056] {strides = array<i32>} : memref<2x128x256xf32, #tpu.memory_space<vmem>>, vector<16xf32>,
        %mul3A_1058 = arith.mulf %get3A_1057, %get3A_1057 : vector<16xf32>
        %add3A_1059 = arith.addf %add3A_1023, %mul3A_1058 : vector<16xf32>
        %mul3A_1060 = arith.constant 16 : i32
        %mul3A_1061 = arith.muli %scan3A_127, %mul3A_1060 : i32
        %get3A_1062 = arith.constant 103 : i32
        %get3A_1063 = arith.index_cast %rem3A_83 : i32 to index
        %get3A_1064 = arith.index_cast %get3A_1062 : i32 to index
        %get3A_1065 = arith.index_cast %mul3A_1061 : i32 to index
        %get3A_1066 = tpu.vector_load %arg5[%get3A_1063, %get3A_1064, %get3A_1065] {strides = array<i32>} : memref<2x128x256xf32, #tpu.memory_space<vmem>>, vector<16xf32>,
        %mul3A_1067 = arith.mulf %get3A_1066, %get3A_1066 : vector<16xf32>
        %add3A_1068 = arith.addf %add3A_1032, %mul3A_1067 : vector<16xf32>
        %mul3A_1069 = arith.constant 16 : i32
        %mul3A_1070 = arith.muli %scan3A_127, %mul3A_1069 : i32
        %get3A_1071 = arith.constant 104 : i32
        %get3A_1072 = arith.index_cast %rem3A_83 : i32 to index
        %get3A_1073 = arith.index_cast %get3A_1071 : i32 to index
        %get3A_1074 = arith.index_cast %mul3A_1070 : i32 to index
        %get3A_1075 = tpu.vector_load %arg5[%get3A_1072, %get3A_1073, %get3A_1074] {strides = array<i32>} : memref<2x128x256xf32, #tpu.memory_space<vmem>>, vector<16xf32>,
        %mul3A_1076 = arith.mulf %get3A_1075, %get3A_1075 : vector<16xf32>
        %add3A_1077 = arith.addf %add3A_1041, %mul3A_1076 : vector<16xf32>
        %mul3A_1078 = arith.constant 16 : i32
        %mul3A_1079 = arith.muli %scan3A_127, %mul3A_1078 : i32
        %get3A_1080 = arith.constant 105 : i32
        %get3A_1081 = arith.index_cast %rem3A_83 : i32 to index
        %get3A_1082 = arith.index_cast %get3A_1080 : i32 to index
        %get3A_1083 = arith.index_cast %mul3A_1079 : i32 to index
        %get3A_1084 = tpu.vector_load %arg5[%get3A_1081, %get3A_1082, %get3A_1083] {strides = array<i32>} : memref<2x128x256xf32, #tpu.memory_space<vmem>>, vector<16xf32>,
        %mul3A_1085 = arith.mulf %get3A_1084, %get3A_1084 : vector<16xf32>
        %add3A_1086 = arith.addf %add3A_1050, %mul3A_1085 : vector<16xf32>
        %mul3A_1087 = arith.constant 16 : i32
        %mul3A_1088 = arith.muli %scan3A_127, %mul3A_1087 : i32
        %get3A_1089 = arith.constant 106 : i32
        %get3A_1090 = arith.index_cast %rem3A_83 : i32 to index
        %get3A_1091 = arith.index_cast %get3A_1089 : i32 to index
        %get3A_1092 = arith.index_cast %mul3A_1088 : i32 to index
        %get3A_1093 = tpu.vector_load %arg5[%get3A_1090, %get3A_1091, %get3A_1092] {strides = array<i32>} : memref<2x128x256xf32, #tpu.memory_space<vmem>>, vector<16xf32>,
        %mul3A_1094 = arith.mulf %get3A_1093, %get3A_1093 : vector<16xf32>
        %add3A_1095 = arith.addf %add3A_1059, %mul3A_1094 : vector<16xf32>
        %mul3A_1096 = arith.constant 16 : i32
        %mul3A_1097 = arith.muli %scan3A_127, %mul3A_1096 : i32
        %get3A_1098 = arith.constant 107 : i32
        %get3A_1099 = arith.index_cast %rem3A_83 : i32 to index
        %get3A_1100 = arith.index_cast %get3A_1098 : i32 to index
        %get3A_1101 = arith.index_cast %mul3A_1097 : i32 to index
        %get3A_1102 = tpu.vector_load %arg5[%get3A_1099, %get3A_1100, %get3A_1101] {strides = array<i32>} : memref<2x128x256xf32, #tpu.memory_space<vmem>>, vector<16xf32>,
        %mul3A_1103 = arith.mulf %get3A_1102, %get3A_1102 : vector<16xf32>
        %add3A_1104 = arith.addf %add3A_1068, %mul3A_1103 : vector<16xf32>
        %mul3A_1105 = arith.constant 16 : i32
        %mul3A_1106 = arith.muli %scan3A_127, %mul3A_1105 : i32
        %get3A_1107 = arith.constant 108 : i32
        %get3A_1108 = arith.index_cast %rem3A_83 : i32 to index
        %get3A_1109 = arith.index_cast %get3A_1107 : i32 to index
        %get3A_1110 = arith.index_cast %mul3A_1106 : i32 to index
        %get3A_1111 = tpu.vector_load %arg5[%get3A_1108, %get3A_1109, %get3A_1110] {strides = array<i32>} : memref<2x128x256xf32, #tpu.memory_space<vmem>>, vector<16xf32>,
        %mul3A_1112 = arith.mulf %get3A_1111, %get3A_1111 : vector<16xf32>
        %add3A_1113 = arith.addf %add3A_1077, %mul3A_1112 : vector<16xf32>
        %mul3A_1114 = arith.constant 16 : i32
        %mul3A_1115 = arith.muli %scan3A_127, %mul3A_1114 : i32
        %get3A_1116 = arith.constant 109 : i32
        %get3A_1117 = arith.index_cast %rem3A_83 : i32 to index
        %get3A_1118 = arith.index_cast %get3A_1116 : i32 to index
        %get3A_1119 = arith.index_cast %mul3A_1115 : i32 to index
        %get3A_1120 = tpu.vector_load %arg5[%get3A_1117, %get3A_1118, %get3A_1119] {strides = array<i32>} : memref<2x128x256xf32, #tpu.memory_space<vmem>>, vector<16xf32>,
        %mul3A_1121 = arith.mulf %get3A_1120, %get3A_1120 : vector<16xf32>
        %add3A_1122 = arith.addf %add3A_1086, %mul3A_1121 : vector<16xf32>
        %mul3A_1123 = arith.constant 16 : i32
        %mul3A_1124 = arith.muli %scan3A_127, %mul3A_1123 : i32
        %get3A_1125 = arith.constant 110 : i32
        %get3A_1126 = arith.index_cast %rem3A_83 : i32 to index
        %get3A_1127 = arith.index_cast %get3A_1125 : i32 to index
        %get3A_1128 = arith.index_cast %mul3A_1124 : i32 to index
        %get3A_1129 = tpu.vector_load %arg5[%get3A_1126, %get3A_1127, %get3A_1128] {strides = array<i32>} : memref<2x128x256xf32, #tpu.memory_space<vmem>>, vector<16xf32>,
        %mul3A_1130 = arith.mulf %get3A_1129, %get3A_1129 : vector<16xf32>
        %add3A_1131 = arith.addf %add3A_1095, %mul3A_1130 : vector<16xf32>
        %mul3A_1132 = arith.constant 16 : i32
        %mul3A_1133 = arith.muli %scan3A_127, %mul3A_1132 : i32
        %get3A_1134 = arith.constant 111 : i32
        %get3A_1135 = arith.index_cast %rem3A_83 : i32 to index
        %get3A_1136 = arith.index_cast %get3A_1134 : i32 to index
        %get3A_1137 = arith.index_cast %mul3A_1133 : i32 to index
        %get3A_1138 = tpu.vector_load %arg5[%get3A_1135, %get3A_1136, %get3A_1137] {strides = array<i32>} : memref<2x128x256xf32, #tpu.memory_space<vmem>>, vector<16xf32>,
        %mul3A_1139 = arith.mulf %get3A_1138, %get3A_1138 : vector<16xf32>
        %add3A_1140 = arith.addf %add3A_1104, %mul3A_1139 : vector<16xf32>
        %mul3A_1141 = arith.constant 16 : i32
        %mul3A_1142 = arith.muli %scan3A_127, %mul3A_1141 : i32
        %get3A_1143 = arith.constant 112 : i32
        %get3A_1144 = arith.index_cast %rem3A_83 : i32 to index
        %get3A_1145 = arith.index_cast %get3A_1143 : i32 to index
        %get3A_1146 = arith.index_cast %mul3A_1142 : i32 to index
        %get3A_1147 = tpu.vector_load %arg5[%get3A_1144, %get3A_1145, %get3A_1146] {strides = array<i32>} : memref<2x128x256xf32, #tpu.memory_space<vmem>>, vector<16xf32>,
        %mul3A_1148 = arith.mulf %get3A_1147, %get3A_1147 : vector<16xf32>
        %add3A_1149 = arith.addf %add3A_1113, %mul3A_1148 : vector<16xf32>
        %mul3A_1150 = arith.constant 16 : i32
        %mul3A_1151 = arith.muli %scan3A_127, %mul3A_1150 : i32
        %get3A_1152 = arith.constant 113 : i32
        %get3A_1153 = arith.index_cast %rem3A_83 : i32 to index
        %get3A_1154 = arith.index_cast %get3A_1152 : i32 to index
        %get3A_1155 = arith.index_cast %mul3A_1151 : i32 to index
        %get3A_1156 = tpu.vector_load %arg5[%get3A_1153, %get3A_1154, %get3A_1155] {strides = array<i32>} : memref<2x128x256xf32, #tpu.memory_space<vmem>>, vector<16xf32>,
        %mul3A_1157 = arith.mulf %get3A_1156, %get3A_1156 : vector<16xf32>
        %add3A_1158 = arith.addf %add3A_1122, %mul3A_1157 : vector<16xf32>
        %mul3A_1159 = arith.constant 16 : i32
        %mul3A_1160 = arith.muli %scan3A_127, %mul3A_1159 : i32
        %get3A_1161 = arith.constant 114 : i32
        %get3A_1162 = arith.index_cast %rem3A_83 : i32 to index
        %get3A_1163 = arith.index_cast %get3A_1161 : i32 to index
        %get3A_1164 = arith.index_cast %mul3A_1160 : i32 to index
        %get3A_1165 = tpu.vector_load %arg5[%get3A_1162, %get3A_1163, %get3A_1164] {strides = array<i32>} : memref<2x128x256xf32, #tpu.memory_space<vmem>>, vector<16xf32>,
        %mul3A_1166 = arith.mulf %get3A_1165, %get3A_1165 : vector<16xf32>
        %add3A_1167 = arith.addf %add3A_1131, %mul3A_1166 : vector<16xf32>
        %mul3A_1168 = arith.constant 16 : i32
        %mul3A_1169 = arith.muli %scan3A_127, %mul3A_1168 : i32
        %get3A_1170 = arith.constant 115 : i32
        %get3A_1171 = arith.index_cast %rem3A_83 : i32 to index
        %get3A_1172 = arith.index_cast %get3A_1170 : i32 to index
        %get3A_1173 = arith.index_cast %mul3A_1169 : i32 to index
        %get3A_1174 = tpu.vector_load %arg5[%get3A_1171, %get3A_1172, %get3A_1173] {strides = array<i32>} : memref<2x128x256xf32, #tpu.memory_space<vmem>>, vector<16xf32>,
        %mul3A_1175 = arith.mulf %get3A_1174, %get3A_1174 : vector<16xf32>
        %add3A_1176 = arith.addf %add3A_1140, %mul3A_1175 : vector<16xf32>
        %mul3A_1177 = arith.constant 16 : i32
        %mul3A_1178 = arith.muli %scan3A_127, %mul3A_1177 : i32
        %get3A_1179 = arith.constant 116 : i32
        %get3A_1180 = arith.index_cast %rem3A_83 : i32 to index
        %get3A_1181 = arith.index_cast %get3A_1179 : i32 to index
        %get3A_1182 = arith.index_cast %mul3A_1178 : i32 to index
        %get3A_1183 = tpu.vector_load %arg5[%get3A_1180, %get3A_1181, %get3A_1182] {strides = array<i32>} : memref<2x128x256xf32, #tpu.memory_space<vmem>>, vector<16xf32>,
        %mul3A_1184 = arith.mulf %get3A_1183, %get3A_1183 : vector<16xf32>
        %add3A_1185 = arith.addf %add3A_1149, %mul3A_1184 : vector<16xf32>
        %mul3A_1186 = arith.constant 16 : i32
        %mul3A_1187 = arith.muli %scan3A_127, %mul3A_1186 : i32
        %get3A_1188 = arith.constant 117 : i32
        %get3A_1189 = arith.index_cast %rem3A_83 : i32 to index
        %get3A_1190 = arith.index_cast %get3A_1188 : i32 to index
        %get3A_1191 = arith.index_cast %mul3A_1187 : i32 to index
        %get3A_1192 = tpu.vector_load %arg5[%get3A_1189, %get3A_1190, %get3A_1191] {strides = array<i32>} : memref<2x128x256xf32, #tpu.memory_space<vmem>>, vector<16xf32>,
        %mul3A_1193 = arith.mulf %get3A_1192, %get3A_1192 : vector<16xf32>
        %add3A_1194 = arith.addf %add3A_1158, %mul3A_1193 : vector<16xf32>
        %mul3A_1195 = arith.constant 16 : i32
        %mul3A_1196 = arith.muli %scan3A_127, %mul3A_1195 : i32
        %get3A_1197 = arith.constant 118 : i32
        %get3A_1198 = arith.index_cast %rem3A_83 : i32 to index
        %get3A_1199 = arith.index_cast %get3A_1197 : i32 to index
        %get3A_1200 = arith.index_cast %mul3A_1196 : i32 to index
        %get3A_1201 = tpu.vector_load %arg5[%get3A_1198, %get3A_1199, %get3A_1200] {strides = array<i32>} : memref<2x128x256xf32, #tpu.memory_space<vmem>>, vector<16xf32>,
        %mul3A_1202 = arith.mulf %get3A_1201, %get3A_1201 : vector<16xf32>
        %add3A_1203 = arith.addf %add3A_1167, %mul3A_1202 : vector<16xf32>
        %mul3A_1204 = arith.constant 16 : i32
        %mul3A_1205 = arith.muli %scan3A_127, %mul3A_1204 : i32
        %get3A_1206 = arith.constant 119 : i32
        %get3A_1207 = arith.index_cast %rem3A_83 : i32 to index
        %get3A_1208 = arith.index_cast %get3A_1206 : i32 to index
        %get3A_1209 = arith.index_cast %mul3A_1205 : i32 to index
        %get3A_1210 = tpu.vector_load %arg5[%get3A_1207, %get3A_1208, %get3A_1209] {strides = array<i32>} : memref<2x128x256xf32, #tpu.memory_space<vmem>>, vector<16xf32>,
        %mul3A_1211 = arith.mulf %get3A_1210, %get3A_1210 : vector<16xf32>
        %add3A_1212 = arith.addf %add3A_1176, %mul3A_1211 : vector<16xf32>
        %mul3A_1213 = arith.constant 16 : i32
        %mul3A_1214 = arith.muli %scan3A_127, %mul3A_1213 : i32
        %get3A_1215 = arith.constant 120 : i32
        %get3A_1216 = arith.index_cast %rem3A_83 : i32 to index
        %get3A_1217 = arith.index_cast %get3A_1215 : i32 to index
        %get3A_1218 = arith.index_cast %mul3A_1214 : i32 to index
        %get3A_1219 = tpu.vector_load %arg5[%get3A_1216, %get3A_1217, %get3A_1218] {strides = array<i32>} : memref<2x128x256xf32, #tpu.memory_space<vmem>>, vector<16xf32>,
        %mul3A_1220 = arith.mulf %get3A_1219, %get3A_1219 : vector<16xf32>
        %add3A_1221 = arith.addf %add3A_1185, %mul3A_1220 : vector<16xf32>
        %mul3A_1222 = arith.constant 16 : i32
        %mul3A_1223 = arith.muli %scan3A_127, %mul3A_1222 : i32
        %get3A_1224 = arith.constant 121 : i32
        %get3A_1225 = arith.index_cast %rem3A_83 : i32 to index
        %get3A_1226 = arith.index_cast %get3A_1224 : i32 to index
        %get3A_1227 = arith.index_cast %mul3A_1223 : i32 to index
        %get3A_1228 = tpu.vector_load %arg5[%get3A_1225, %get3A_1226, %get3A_1227] {strides = array<i32>} : memref<2x128x256xf32, #tpu.memory_space<vmem>>, vector<16xf32>,
        %mul3A_1229 = arith.mulf %get3A_1228, %get3A_1228 : vector<16xf32>
        %add3A_1230 = arith.addf %add3A_1194, %mul3A_1229 : vector<16xf32>
        %mul3A_1231 = arith.constant 16 : i32
        %mul3A_1232 = arith.muli %scan3A_127, %mul3A_1231 : i32
        %get3A_1233 = arith.constant 122 : i32
        %get3A_1234 = arith.index_cast %rem3A_83 : i32 to index
        %get3A_1235 = arith.index_cast %get3A_1233 : i32 to index
        %get3A_1236 = arith.index_cast %mul3A_1232 : i32 to index
        %get3A_1237 = tpu.vector_load %arg5[%get3A_1234, %get3A_1235, %get3A_1236] {strides = array<i32>} : memref<2x128x256xf32, #tpu.memory_space<vmem>>, vector<16xf32>,
        %mul3A_1238 = arith.mulf %get3A_1237, %get3A_1237 : vector<16xf32>
        %add3A_1239 = arith.addf %add3A_1203, %mul3A_1238 : vector<16xf32>
        %mul3A_1240 = arith.constant 16 : i32
        %mul3A_1241 = arith.muli %scan3A_127, %mul3A_1240 : i32
        %get3A_1242 = arith.constant 123 : i32
        %get3A_1243 = arith.index_cast %rem3A_83 : i32 to index
        %get3A_1244 = arith.index_cast %get3A_1242 : i32 to index
        %get3A_1245 = arith.index_cast %mul3A_1241 : i32 to index
        %get3A_1246 = tpu.vector_load %arg5[%get3A_1243, %get3A_1244, %get3A_1245] {strides = array<i32>} : memref<2x128x256xf32, #tpu.memory_space<vmem>>, vector<16xf32>,
        %mul3A_1247 = arith.mulf %get3A_1246, %get3A_1246 : vector<16xf32>
        %add3A_1248 = arith.addf %add3A_1212, %mul3A_1247 : vector<16xf32>
        %mul3A_1249 = arith.constant 16 : i32
        %mul3A_1250 = arith.muli %scan3A_127, %mul3A_1249 : i32
        %get3A_1251 = arith.constant 124 : i32
        %get3A_1252 = arith.index_cast %rem3A_83 : i32 to index
        %get3A_1253 = arith.index_cast %get3A_1251 : i32 to index
        %get3A_1254 = arith.index_cast %mul3A_1250 : i32 to index
        %get3A_1255 = tpu.vector_load %arg5[%get3A_1252, %get3A_1253, %get3A_1254] {strides = array<i32>} : memref<2x128x256xf32, #tpu.memory_space<vmem>>, vector<16xf32>,
        %mul3A_1256 = arith.mulf %get3A_1255, %get3A_1255 : vector<16xf32>
        %add3A_1257 = arith.addf %add3A_1221, %mul3A_1256 : vector<16xf32>
        %mul3A_1258 = arith.constant 16 : i32
        %mul3A_1259 = arith.muli %scan3A_127, %mul3A_1258 : i32
        %get3A_1260 = arith.constant 125 : i32
        %get3A_1261 = arith.index_cast %rem3A_83 : i32 to index
        %get3A_1262 = arith.index_cast %get3A_1260 : i32 to index
        %get3A_1263 = arith.index_cast %mul3A_1259 : i32 to index
        %get3A_1264 = tpu.vector_load %arg5[%get3A_1261, %get3A_1262, %get3A_1263] {strides = array<i32>} : memref<2x128x256xf32, #tpu.memory_space<vmem>>, vector<16xf32>,
        %mul3A_1265 = arith.mulf %get3A_1264, %get3A_1264 : vector<16xf32>
        %add3A_1266 = arith.addf %add3A_1230, %mul3A_1265 : vector<16xf32>
        %mul3A_1267 = arith.constant 16 : i32
        %mul3A_1268 = arith.muli %scan3A_127, %mul3A_1267 : i32
        %get3A_1269 = arith.constant 126 : i32
        %get3A_1270 = arith.index_cast %rem3A_83 : i32 to index
        %get3A_1271 = arith.index_cast %get3A_1269 : i32 to index
        %get3A_1272 = arith.index_cast %mul3A_1268 : i32 to index
        %get3A_1273 = tpu.vector_load %arg5[%get3A_1270, %get3A_1271, %get3A_1272] {strides = array<i32>} : memref<2x128x256xf32, #tpu.memory_space<vmem>>, vector<16xf32>,
        %mul3A_1274 = arith.mulf %get3A_1273, %get3A_1273 : vector<16xf32>
        %add3A_1275 = arith.addf %add3A_1239, %mul3A_1274 : vector<16xf32>
        %mul3A_1276 = arith.constant 16 : i32
        %mul3A_1277 = arith.muli %scan3A_127, %mul3A_1276 : i32
        %get3A_1278 = arith.constant 127 : i32
        %get3A_1279 = arith.index_cast %rem3A_83 : i32 to index
        %get3A_1280 = arith.index_cast %get3A_1278 : i32 to index
        %get3A_1281 = arith.index_cast %mul3A_1277 : i32 to index
        %get3A_1282 = tpu.vector_load %arg5[%get3A_1279, %get3A_1280, %get3A_1281] {strides = array<i32>} : memref<2x128x256xf32, #tpu.memory_space<vmem>>, vector<16xf32>,
        %mul3A_1283 = arith.mulf %get3A_1282, %get3A_1282 : vector<16xf32>
        %add3A_1284 = arith.addf %add3A_1248, %mul3A_1283 : vector<16xf32>
        %add3A_1285 = arith.addf %add3A_1257, %add3A_1266 : vector<16xf32>
        %add3A_1286 = arith.addf %add3A_1275, %add3A_1284 : vector<16xf32>
        %add3A_1287 = arith.addf %add3A_1285, %add3A_1286 : vector<16xf32>
        %broadcast_in_dim3A_1288 = arith.constant 1.000000e-24 : f32
        %broadcast_in_dim3A_1289 = vector.broadcast %broadcast_in_dim3A_1288 : f32 to vector<16xf32>
        %max3A = arith.maximumf %add3A_1287, %broadcast_in_dim3A_1289 : vector<16xf32>
        %bitcast_convert_type3A = tpu.bitcast %max3A : vector<16xf32> -> vector<16xi32>
        %broadcast_in_dim3A_1290 = arith.constant 1597463007 : i32
        %broadcast_in_dim3A_1291 = vector.broadcast %broadcast_in_dim3A_1290 : i32 to vector<16xi32>
        %broadcast_in_dim3A_1292 = arith.constant 1 : i32
        %broadcast_in_dim3A_1293 = vector.broadcast %broadcast_in_dim3A_1292 : i32 to vector<16xi32>
        %shift_right_logical3A = arith.shrui %bitcast_convert_type3A, %broadcast_in_dim3A_1293 : vector<16xi32>
        %sub3A_1294 = arith.subi %broadcast_in_dim3A_1291, %shift_right_logical3A : vector<16xi32>
        %bitcast_convert_type3A_1295 = tpu.bitcast %sub3A_1294 : vector<16xi32> -> vector<16xf32>
        %broadcast_in_dim3A_1296 = arith.constant 5.000000e-01 : f32
        %broadcast_in_dim3A_1297 = vector.broadcast %broadcast_in_dim3A_1296 : f32 to vector<16xf32>
        %mul3A_1298 = arith.mulf %broadcast_in_dim3A_1297, %max3A : vector<16xf32>
        %broadcast_in_dim3A_1299 = arith.constant 1.500000e+00 : f32
        %broadcast_in_dim3A_1300 = vector.broadcast %broadcast_in_dim3A_1299 : f32 to vector<16xf32>
        %mul3A_1301 = arith.mulf %mul3A_1298, %bitcast_convert_type3A_1295 : vector<16xf32>
        %mul3A_1302 = arith.mulf %mul3A_1301, %bitcast_convert_type3A_1295 : vector<16xf32>
        %sub3A_1303 = arith.subf %broadcast_in_dim3A_1300, %mul3A_1302 : vector<16xf32>
        %mul3A_1304 = arith.mulf %bitcast_convert_type3A_1295, %sub3A_1303 : vector<16xf32>
        %mul3A_1305 = arith.mulf %mul3A_1298, %mul3A_1304 : vector<16xf32>
        %mul3A_1306 = arith.mulf %mul3A_1305, %mul3A_1304 : vector<16xf32>
        %sub3A_1307 = arith.subf %broadcast_in_dim3A_1300, %mul3A_1306 : vector<16xf32>
        %mul3A_1308 = arith.mulf %mul3A_1304, %sub3A_1307 : vector<16xf32>
        %mul3A_1309 = arith.mulf %mul3A_1298, %mul3A_1308 : vector<16xf32>
        %mul3A_1310 = arith.mulf %mul3A_1309, %mul3A_1308 : vector<16xf32>
        %sub3A_1311 = arith.subf %broadcast_in_dim3A_1300, %mul3A_1310 : vector<16xf32>
        %mul3A_1312 = arith.mulf %mul3A_1308, %sub3A_1311 : vector<16xf32>
        %mul3A_1313 = arith.constant 16 : i32
        %mul3A_1314 = vector.broadcast %mul3A_1313 : i32 to vector<16xi32>
        %mul3A_1315 = arith.muli %get3A_132, %mul3A_1314 : vector<16xi32>
        %add3A_1316 = arith.addi %mul3A_1315, %iota3A : vector<16xi32>
        %mul3A_1317 = arith.constant 16 : i32
        %mul3A_1318 = arith.muli %scan3A_127, %mul3A_1317 : i32
        %get3A_1319 = arith.constant 0 : i32
        %get3A_1320 = arith.index_cast %rem3A_83 : i32 to index
        %get3A_1321 = arith.index_cast %get3A_1319 : i32 to index
        %get3A_1322 = arith.index_cast %mul3A_1318 : i32 to index
        %get3A_1323 = tpu.vector_load %arg5[%get3A_1320, %get3A_1321, %get3A_1322] {strides = array<i32>} : memref<2x128x256xf32, #tpu.memory_space<vmem>>, vector<16xf32>,
        %mul3A_1324 = arith.mulf %get3A_1323, %mul3A_1312 : vector<16xf32>
        %mul3A_1325 = arith.constant 16 : i32
        %mul3A_1326 = arith.muli %scan3A_127, %mul3A_1325 : i32
        %get3A_1327 = arith.constant 1 : i32
        %get3A_1328 = arith.index_cast %rem3A_83 : i32 to index
        %get3A_1329 = arith.index_cast %get3A_1327 : i32 to index
        %get3A_1330 = arith.index_cast %mul3A_1326 : i32 to index
        %get3A_1331 = tpu.vector_load %arg5[%get3A_1328, %get3A_1329, %get3A_1330] {strides = array<i32>} : memref<2x128x256xf32, #tpu.memory_space<vmem>>, vector<16xf32>,
        %mul3A_1332 = arith.mulf %get3A_1331, %mul3A_1312 : vector<16xf32>
        %mul3A_1333 = arith.constant 16 : i32
        %mul3A_1334 = arith.muli %scan3A_127, %mul3A_1333 : i32
        %get3A_1335 = arith.constant 2 : i32
        %get3A_1336 = arith.index_cast %rem3A_83 : i32 to index
        %get3A_1337 = arith.index_cast %get3A_1335 : i32 to index
        %get3A_1338 = arith.index_cast %mul3A_1334 : i32 to index
        %get3A_1339 = tpu.vector_load %arg5[%get3A_1336, %get3A_1337, %get3A_1338] {strides = array<i32>} : memref<2x128x256xf32, #tpu.memory_space<vmem>>, vector<16xf32>,
        %mul3A_1340 = arith.mulf %get3A_1339, %mul3A_1312 : vector<16xf32>
        %mul3A_1341 = arith.constant 16 : i32
        %mul3A_1342 = arith.muli %scan3A_127, %mul3A_1341 : i32
        %get3A_1343 = arith.constant 3 : i32
        %get3A_1344 = arith.index_cast %rem3A_83 : i32 to index
        %get3A_1345 = arith.index_cast %get3A_1343 : i32 to index
        %get3A_1346 = arith.index_cast %mul3A_1342 : i32 to index
        %get3A_1347 = tpu.vector_load %arg5[%get3A_1344, %get3A_1345, %get3A_1346] {strides = array<i32>} : memref<2x128x256xf32, #tpu.memory_space<vmem>>, vector<16xf32>,
        %mul3A_1348 = arith.mulf %get3A_1347, %mul3A_1312 : vector<16xf32>
        %mul3A_1349 = arith.constant 16 : i32
        %mul3A_1350 = arith.muli %scan3A_127, %mul3A_1349 : i32
        %get3A_1351 = arith.constant 4 : i32
        %get3A_1352 = arith.index_cast %rem3A_83 : i32 to index
        %get3A_1353 = arith.index_cast %get3A_1351 : i32 to index
        %get3A_1354 = arith.index_cast %mul3A_1350 : i32 to index
        %get3A_1355 = tpu.vector_load %arg5[%get3A_1352, %get3A_1353, %get3A_1354] {strides = array<i32>} : memref<2x128x256xf32, #tpu.memory_space<vmem>>, vector<16xf32>,
        %mul3A_1356 = arith.mulf %get3A_1355, %mul3A_1312 : vector<16xf32>
        %mul3A_1357 = arith.constant 16 : i32
        %mul3A_1358 = arith.muli %scan3A_127, %mul3A_1357 : i32
        %get3A_1359 = arith.constant 5 : i32
        %get3A_1360 = arith.index_cast %rem3A_83 : i32 to index
        %get3A_1361 = arith.index_cast %get3A_1359 : i32 to index
        %get3A_1362 = arith.index_cast %mul3A_1358 : i32 to index
        %get3A_1363 = tpu.vector_load %arg5[%get3A_1360, %get3A_1361, %get3A_1362] {strides = array<i32>} : memref<2x128x256xf32, #tpu.memory_space<vmem>>, vector<16xf32>,
        %mul3A_1364 = arith.mulf %get3A_1363, %mul3A_1312 : vector<16xf32>
        %mul3A_1365 = arith.constant 16 : i32
        %mul3A_1366 = arith.muli %scan3A_127, %mul3A_1365 : i32
        %get3A_1367 = arith.constant 6 : i32
        %get3A_1368 = arith.index_cast %rem3A_83 : i32 to index
        %get3A_1369 = arith.index_cast %get3A_1367 : i32 to index
        %get3A_1370 = arith.index_cast %mul3A_1366 : i32 to index
        %get3A_1371 = tpu.vector_load %arg5[%get3A_1368, %get3A_1369, %get3A_1370] {strides = array<i32>} : memref<2x128x256xf32, #tpu.memory_space<vmem>>, vector<16xf32>,
        %mul3A_1372 = arith.mulf %get3A_1371, %mul3A_1312 : vector<16xf32>
        %mul3A_1373 = arith.constant 16 : i32
        %mul3A_1374 = arith.muli %scan3A_127, %mul3A_1373 : i32
        %get3A_1375 = arith.constant 7 : i32
        %get3A_1376 = arith.index_cast %rem3A_83 : i32 to index
        %get3A_1377 = arith.index_cast %get3A_1375 : i32 to index
        %get3A_1378 = arith.index_cast %mul3A_1374 : i32 to index
        %get3A_1379 = tpu.vector_load %arg5[%get3A_1376, %get3A_1377, %get3A_1378] {strides = array<i32>} : memref<2x128x256xf32, #tpu.memory_space<vmem>>, vector<16xf32>,
        %mul3A_1380 = arith.mulf %get3A_1379, %mul3A_1312 : vector<16xf32>
        %scatter3A = arith.constant 0 : i32
        %scatter3A_1381 = tpu.memref_slice %arg7[%scatter3A] : memref<40960xf32, #tpu.memory_space<vmem>> -> memref<320xf32, #tpu.memory_space<vmem>>
        tpu.vector_store_idx %scatter3A_1381[%add3A_1316], %mul3A_1324 {add = true} : memref<320xf32, #tpu.memory_space<vmem>>[vector<16xi32>], vector<16xf32>,
        %scatter3A_1382 = arith.constant 320 : i32
        %scatter3A_1383 = tpu.memref_slice %arg7[%scatter3A_1382] : memref<40960xf32, #tpu.memory_space<vmem>> -> memref<320xf32, #tpu.memory_space<vmem>>
        tpu.vector_store_idx %scatter3A_1383[%add3A_1316], %mul3A_1332 {add = true} : memref<320xf32, #tpu.memory_space<vmem>>[vector<16xi32>], vector<16xf32>,
        %scatter3A_1384 = arith.constant 640 : i32
        %scatter3A_1385 = tpu.memref_slice %arg7[%scatter3A_1384] : memref<40960xf32, #tpu.memory_space<vmem>> -> memref<320xf32, #tpu.memory_space<vmem>>
        tpu.vector_store_idx %scatter3A_1385[%add3A_1316], %mul3A_1340 {add = true} : memref<320xf32, #tpu.memory_space<vmem>>[vector<16xi32>], vector<16xf32>,
        %scatter3A_1386 = arith.constant 960 : i32
        %scatter3A_1387 = tpu.memref_slice %arg7[%scatter3A_1386] : memref<40960xf32, #tpu.memory_space<vmem>> -> memref<320xf32, #tpu.memory_space<vmem>>
        tpu.vector_store_idx %scatter3A_1387[%add3A_1316], %mul3A_1348 {add = true} : memref<320xf32, #tpu.memory_space<vmem>>[vector<16xi32>], vector<16xf32>,
        %scatter3A_1388 = arith.constant 1280 : i32
        %scatter3A_1389 = tpu.memref_slice %arg7[%scatter3A_1388] : memref<40960xf32, #tpu.memory_space<vmem>> -> memref<320xf32, #tpu.memory_space<vmem>>
        tpu.vector_store_idx %scatter3A_1389[%add3A_1316], %mul3A_1356 {add = true} : memref<320xf32, #tpu.memory_space<vmem>>[vector<16xi32>], vector<16xf32>,
        %scatter3A_1390 = arith.constant 1600 : i32
        %scatter3A_1391 = tpu.memref_slice %arg7[%scatter3A_1390] : memref<40960xf32, #tpu.memory_space<vmem>> -> memref<320xf32, #tpu.memory_space<vmem>>
        tpu.vector_store_idx %scatter3A_1391[%add3A_1316], %mul3A_1364 {add = true} : memref<320xf32, #tpu.memory_space<vmem>>[vector<16xi32>], vector<16xf32>,
        %scatter3A_1392 = arith.constant 1920 : i32
        %scatter3A_1393 = tpu.memref_slice %arg7[%scatter3A_1392] : memref<40960xf32, #tpu.memory_space<vmem>> -> memref<320xf32, #tpu.memory_space<vmem>>
        tpu.vector_store_idx %scatter3A_1393[%add3A_1316], %mul3A_1372 {add = true} : memref<320xf32, #tpu.memory_space<vmem>>[vector<16xi32>], vector<16xf32>,
        %scatter3A_1394 = arith.constant 2240 : i32
        %scatter3A_1395 = tpu.memref_slice %arg7[%scatter3A_1394] : memref<40960xf32, #tpu.memory_space<vmem>> -> memref<320xf32, #tpu.memory_space<vmem>>
        tpu.vector_store_idx %scatter3A_1395[%add3A_1316], %mul3A_1380 {add = true} : memref<320xf32, #tpu.memory_space<vmem>>[vector<16xi32>], vector<16xf32>,
        %mul3A_1396 = arith.constant 16 : i32
        %mul3A_1397 = arith.muli %scan3A_127, %mul3A_1396 : i32
        %get3A_1398 = arith.constant 8 : i32
        %get3A_1399 = arith.index_cast %rem3A_83 : i32 to index
        %get3A_1400 = arith.index_cast %get3A_1398 : i32 to index
        %get3A_1401 = arith.index_cast %mul3A_1397 : i32 to index
        %get3A_1402 = tpu.vector_load %arg5[%get3A_1399, %get3A_1400, %get3A_1401] {strides = array<i32>} : memref<2x128x256xf32, #tpu.memory_space<vmem>>, vector<16xf32>,
        %mul3A_1403 = arith.mulf %get3A_1402, %mul3A_1312 : vector<16xf32>
        %mul3A_1404 = arith.constant 16 : i32
        %mul3A_1405 = arith.muli %scan3A_127, %mul3A_1404 : i32
        %get3A_1406 = arith.constant 9 : i32
        %get3A_1407 = arith.index_cast %rem3A_83 : i32 to index
        %get3A_1408 = arith.index_cast %get3A_1406 : i32 to index
        %get3A_1409 = arith.index_cast %mul3A_1405 : i32 to index
        %get3A_1410 = tpu.vector_load %arg5[%get3A_1407, %get3A_1408, %get3A_1409] {strides = array<i32>} : memref<2x128x256xf32, #tpu.memory_space<vmem>>, vector<16xf32>,
        %mul3A_1411 = arith.mulf %get3A_1410, %mul3A_1312 : vector<16xf32>
        %mul3A_1412 = arith.constant 16 : i32
        %mul3A_1413 = arith.muli %scan3A_127, %mul3A_1412 : i32
        %get3A_1414 = arith.constant 10 : i32
        %get3A_1415 = arith.index_cast %rem3A_83 : i32 to index
        %get3A_1416 = arith.index_cast %get3A_1414 : i32 to index
        %get3A_1417 = arith.index_cast %mul3A_1413 : i32 to index
        %get3A_1418 = tpu.vector_load %arg5[%get3A_1415, %get3A_1416, %get3A_1417] {strides = array<i32>} : memref<2x128x256xf32, #tpu.memory_space<vmem>>, vector<16xf32>,
        %mul3A_1419 = arith.mulf %get3A_1418, %mul3A_1312 : vector<16xf32>
        %mul3A_1420 = arith.constant 16 : i32
        %mul3A_1421 = arith.muli %scan3A_127, %mul3A_1420 : i32
        %get3A_1422 = arith.constant 11 : i32
        %get3A_1423 = arith.index_cast %rem3A_83 : i32 to index
        %get3A_1424 = arith.index_cast %get3A_1422 : i32 to index
        %get3A_1425 = arith.index_cast %mul3A_1421 : i32 to index
        %get3A_1426 = tpu.vector_load %arg5[%get3A_1423, %get3A_1424, %get3A_1425] {strides = array<i32>} : memref<2x128x256xf32, #tpu.memory_space<vmem>>, vector<16xf32>,
        %mul3A_1427 = arith.mulf %get3A_1426, %mul3A_1312 : vector<16xf32>
        %mul3A_1428 = arith.constant 16 : i32
        %mul3A_1429 = arith.muli %scan3A_127, %mul3A_1428 : i32
        %get3A_1430 = arith.constant 12 : i32
        %get3A_1431 = arith.index_cast %rem3A_83 : i32 to index
        %get3A_1432 = arith.index_cast %get3A_1430 : i32 to index
        %get3A_1433 = arith.index_cast %mul3A_1429 : i32 to index
        %get3A_1434 = tpu.vector_load %arg5[%get3A_1431, %get3A_1432, %get3A_1433] {strides = array<i32>} : memref<2x128x256xf32, #tpu.memory_space<vmem>>, vector<16xf32>,
        %mul3A_1435 = arith.mulf %get3A_1434, %mul3A_1312 : vector<16xf32>
        %mul3A_1436 = arith.constant 16 : i32
        %mul3A_1437 = arith.muli %scan3A_127, %mul3A_1436 : i32
        %get3A_1438 = arith.constant 13 : i32
        %get3A_1439 = arith.index_cast %rem3A_83 : i32 to index
        %get3A_1440 = arith.index_cast %get3A_1438 : i32 to index
        %get3A_1441 = arith.index_cast %mul3A_1437 : i32 to index
        %get3A_1442 = tpu.vector_load %arg5[%get3A_1439, %get3A_1440, %get3A_1441] {strides = array<i32>} : memref<2x128x256xf32, #tpu.memory_space<vmem>>, vector<16xf32>,
        %mul3A_1443 = arith.mulf %get3A_1442, %mul3A_1312 : vector<16xf32>
        %mul3A_1444 = arith.constant 16 : i32
        %mul3A_1445 = arith.muli %scan3A_127, %mul3A_1444 : i32
        %get3A_1446 = arith.constant 14 : i32
        %get3A_1447 = arith.index_cast %rem3A_83 : i32 to index
        %get3A_1448 = arith.index_cast %get3A_1446 : i32 to index
        %get3A_1449 = arith.index_cast %mul3A_1445 : i32 to index
        %get3A_1450 = tpu.vector_load %arg5[%get3A_1447, %get3A_1448, %get3A_1449] {strides = array<i32>} : memref<2x128x256xf32, #tpu.memory_space<vmem>>, vector<16xf32>,
        %mul3A_1451 = arith.mulf %get3A_1450, %mul3A_1312 : vector<16xf32>
        %mul3A_1452 = arith.constant 16 : i32
        %mul3A_1453 = arith.muli %scan3A_127, %mul3A_1452 : i32
        %get3A_1454 = arith.constant 15 : i32
        %get3A_1455 = arith.index_cast %rem3A_83 : i32 to index
        %get3A_1456 = arith.index_cast %get3A_1454 : i32 to index
        %get3A_1457 = arith.index_cast %mul3A_1453 : i32 to index
        %get3A_1458 = tpu.vector_load %arg5[%get3A_1455, %get3A_1456, %get3A_1457] {strides = array<i32>} : memref<2x128x256xf32, #tpu.memory_space<vmem>>, vector<16xf32>,
        %mul3A_1459 = arith.mulf %get3A_1458, %mul3A_1312 : vector<16xf32>
        %scatter3A_1460 = arith.constant 2560 : i32
        %scatter3A_1461 = tpu.memref_slice %arg7[%scatter3A_1460] : memref<40960xf32, #tpu.memory_space<vmem>> -> memref<320xf32, #tpu.memory_space<vmem>>
        tpu.vector_store_idx %scatter3A_1461[%add3A_1316], %mul3A_1403 {add = true} : memref<320xf32, #tpu.memory_space<vmem>>[vector<16xi32>], vector<16xf32>,
        %scatter3A_1462 = arith.constant 2880 : i32
        %scatter3A_1463 = tpu.memref_slice %arg7[%scatter3A_1462] : memref<40960xf32, #tpu.memory_space<vmem>> -> memref<320xf32, #tpu.memory_space<vmem>>
        tpu.vector_store_idx %scatter3A_1463[%add3A_1316], %mul3A_1411 {add = true} : memref<320xf32, #tpu.memory_space<vmem>>[vector<16xi32>], vector<16xf32>,
        %scatter3A_1464 = arith.constant 3200 : i32
        %scatter3A_1465 = tpu.memref_slice %arg7[%scatter3A_1464] : memref<40960xf32, #tpu.memory_space<vmem>> -> memref<320xf32, #tpu.memory_space<vmem>>
        tpu.vector_store_idx %scatter3A_1465[%add3A_1316], %mul3A_1419 {add = true} : memref<320xf32, #tpu.memory_space<vmem>>[vector<16xi32>], vector<16xf32>,
        %scatter3A_1466 = arith.constant 3520 : i32
        %scatter3A_1467 = tpu.memref_slice %arg7[%scatter3A_1466] : memref<40960xf32, #tpu.memory_space<vmem>> -> memref<320xf32, #tpu.memory_space<vmem>>
        tpu.vector_store_idx %scatter3A_1467[%add3A_1316], %mul3A_1427 {add = true} : memref<320xf32, #tpu.memory_space<vmem>>[vector<16xi32>], vector<16xf32>,
        %scatter3A_1468 = arith.constant 3840 : i32
        %scatter3A_1469 = tpu.memref_slice %arg7[%scatter3A_1468] : memref<40960xf32, #tpu.memory_space<vmem>> -> memref<320xf32, #tpu.memory_space<vmem>>
        tpu.vector_store_idx %scatter3A_1469[%add3A_1316], %mul3A_1435 {add = true} : memref<320xf32, #tpu.memory_space<vmem>>[vector<16xi32>], vector<16xf32>,
        %scatter3A_1470 = arith.constant 4160 : i32
        %scatter3A_1471 = tpu.memref_slice %arg7[%scatter3A_1470] : memref<40960xf32, #tpu.memory_space<vmem>> -> memref<320xf32, #tpu.memory_space<vmem>>
        tpu.vector_store_idx %scatter3A_1471[%add3A_1316], %mul3A_1443 {add = true} : memref<320xf32, #tpu.memory_space<vmem>>[vector<16xi32>], vector<16xf32>,
        %scatter3A_1472 = arith.constant 4480 : i32
        %scatter3A_1473 = tpu.memref_slice %arg7[%scatter3A_1472] : memref<40960xf32, #tpu.memory_space<vmem>> -> memref<320xf32, #tpu.memory_space<vmem>>
        tpu.vector_store_idx %scatter3A_1473[%add3A_1316], %mul3A_1451 {add = true} : memref<320xf32, #tpu.memory_space<vmem>>[vector<16xi32>], vector<16xf32>,
        %scatter3A_1474 = arith.constant 4800 : i32
        %scatter3A_1475 = tpu.memref_slice %arg7[%scatter3A_1474] : memref<40960xf32, #tpu.memory_space<vmem>> -> memref<320xf32, #tpu.memory_space<vmem>>
        tpu.vector_store_idx %scatter3A_1475[%add3A_1316], %mul3A_1459 {add = true} : memref<320xf32, #tpu.memory_space<vmem>>[vector<16xi32>], vector<16xf32>,
        %mul3A_1476 = arith.constant 16 : i32
        %mul3A_1477 = arith.muli %scan3A_127, %mul3A_1476 : i32
        %get3A_1478 = arith.constant 16 : i32
        %get3A_1479 = arith.index_cast %rem3A_83 : i32 to index
        %get3A_1480 = arith.index_cast %get3A_1478 : i32 to index
        %get3A_1481 = arith.index_cast %mul3A_1477 : i32 to index
        %get3A_1482 = tpu.vector_load %arg5[%get3A_1479, %get3A_1480, %get3A_1481] {strides = array<i32>} : memref<2x128x256xf32, #tpu.memory_space<vmem>>, vector<16xf32>,
        %mul3A_1483 = arith.mulf %get3A_1482, %mul3A_1312 : vector<16xf32>
        %mul3A_1484 = arith.constant 16 : i32
        %mul3A_1485 = arith.muli %scan3A_127, %mul3A_1484 : i32
        %get3A_1486 = arith.constant 17 : i32
        %get3A_1487 = arith.index_cast %rem3A_83 : i32 to index
        %get3A_1488 = arith.index_cast %get3A_1486 : i32 to index
        %get3A_1489 = arith.index_cast %mul3A_1485 : i32 to index
        %get3A_1490 = tpu.vector_load %arg5[%get3A_1487, %get3A_1488, %get3A_1489] {strides = array<i32>} : memref<2x128x256xf32, #tpu.memory_space<vmem>>, vector<16xf32>,
        %mul3A_1491 = arith.mulf %get3A_1490, %mul3A_1312 : vector<16xf32>
        %mul3A_1492 = arith.constant 16 : i32
        %mul3A_1493 = arith.muli %scan3A_127, %mul3A_1492 : i32
        %get3A_1494 = arith.constant 18 : i32
        %get3A_1495 = arith.index_cast %rem3A_83 : i32 to index
        %get3A_1496 = arith.index_cast %get3A_1494 : i32 to index
        %get3A_1497 = arith.index_cast %mul3A_1493 : i32 to index
        %get3A_1498 = tpu.vector_load %arg5[%get3A_1495, %get3A_1496, %get3A_1497] {strides = array<i32>} : memref<2x128x256xf32, #tpu.memory_space<vmem>>, vector<16xf32>,
        %mul3A_1499 = arith.mulf %get3A_1498, %mul3A_1312 : vector<16xf32>
        %mul3A_1500 = arith.constant 16 : i32
        %mul3A_1501 = arith.muli %scan3A_127, %mul3A_1500 : i32
        %get3A_1502 = arith.constant 19 : i32
        %get3A_1503 = arith.index_cast %rem3A_83 : i32 to index
        %get3A_1504 = arith.index_cast %get3A_1502 : i32 to index
        %get3A_1505 = arith.index_cast %mul3A_1501 : i32 to index
        %get3A_1506 = tpu.vector_load %arg5[%get3A_1503, %get3A_1504, %get3A_1505] {strides = array<i32>} : memref<2x128x256xf32, #tpu.memory_space<vmem>>, vector<16xf32>,
        %mul3A_1507 = arith.mulf %get3A_1506, %mul3A_1312 : vector<16xf32>
        %mul3A_1508 = arith.constant 16 : i32
        %mul3A_1509 = arith.muli %scan3A_127, %mul3A_1508 : i32
        %get3A_1510 = arith.constant 20 : i32
        %get3A_1511 = arith.index_cast %rem3A_83 : i32 to index
        %get3A_1512 = arith.index_cast %get3A_1510 : i32 to index
        %get3A_1513 = arith.index_cast %mul3A_1509 : i32 to index
        %get3A_1514 = tpu.vector_load %arg5[%get3A_1511, %get3A_1512, %get3A_1513] {strides = array<i32>} : memref<2x128x256xf32, #tpu.memory_space<vmem>>, vector<16xf32>,
        %mul3A_1515 = arith.mulf %get3A_1514, %mul3A_1312 : vector<16xf32>
        %mul3A_1516 = arith.constant 16 : i32
        %mul3A_1517 = arith.muli %scan3A_127, %mul3A_1516 : i32
        %get3A_1518 = arith.constant 21 : i32
        %get3A_1519 = arith.index_cast %rem3A_83 : i32 to index
        %get3A_1520 = arith.index_cast %get3A_1518 : i32 to index
        %get3A_1521 = arith.index_cast %mul3A_1517 : i32 to index
        %get3A_1522 = tpu.vector_load %arg5[%get3A_1519, %get3A_1520, %get3A_1521] {strides = array<i32>} : memref<2x128x256xf32, #tpu.memory_space<vmem>>, vector<16xf32>,
        %mul3A_1523 = arith.mulf %get3A_1522, %mul3A_1312 : vector<16xf32>
        %mul3A_1524 = arith.constant 16 : i32
        %mul3A_1525 = arith.muli %scan3A_127, %mul3A_1524 : i32
        %get3A_1526 = arith.constant 22 : i32
        %get3A_1527 = arith.index_cast %rem3A_83 : i32 to index
        %get3A_1528 = arith.index_cast %get3A_1526 : i32 to index
        %get3A_1529 = arith.index_cast %mul3A_1525 : i32 to index
        %get3A_1530 = tpu.vector_load %arg5[%get3A_1527, %get3A_1528, %get3A_1529] {strides = array<i32>} : memref<2x128x256xf32, #tpu.memory_space<vmem>>, vector<16xf32>,
        %mul3A_1531 = arith.mulf %get3A_1530, %mul3A_1312 : vector<16xf32>
        %mul3A_1532 = arith.constant 16 : i32
        %mul3A_1533 = arith.muli %scan3A_127, %mul3A_1532 : i32
        %get3A_1534 = arith.constant 23 : i32
        %get3A_1535 = arith.index_cast %rem3A_83 : i32 to index
        %get3A_1536 = arith.index_cast %get3A_1534 : i32 to index
        %get3A_1537 = arith.index_cast %mul3A_1533 : i32 to index
        %get3A_1538 = tpu.vector_load %arg5[%get3A_1535, %get3A_1536, %get3A_1537] {strides = array<i32>} : memref<2x128x256xf32, #tpu.memory_space<vmem>>, vector<16xf32>,
        %mul3A_1539 = arith.mulf %get3A_1538, %mul3A_1312 : vector<16xf32>
        %scatter3A_1540 = arith.constant 5120 : i32
        %scatter3A_1541 = tpu.memref_slice %arg7[%scatter3A_1540] : memref<40960xf32, #tpu.memory_space<vmem>> -> memref<320xf32, #tpu.memory_space<vmem>>
        tpu.vector_store_idx %scatter3A_1541[%add3A_1316], %mul3A_1483 {add = true} : memref<320xf32, #tpu.memory_space<vmem>>[vector<16xi32>], vector<16xf32>,
        %scatter3A_1542 = arith.constant 5440 : i32
        %scatter3A_1543 = tpu.memref_slice %arg7[%scatter3A_1542] : memref<40960xf32, #tpu.memory_space<vmem>> -> memref<320xf32, #tpu.memory_space<vmem>>
        tpu.vector_store_idx %scatter3A_1543[%add3A_1316], %mul3A_1491 {add = true} : memref<320xf32, #tpu.memory_space<vmem>>[vector<16xi32>], vector<16xf32>,
        %scatter3A_1544 = arith.constant 5760 : i32
        %scatter3A_1545 = tpu.memref_slice %arg7[%scatter3A_1544] : memref<40960xf32, #tpu.memory_space<vmem>> -> memref<320xf32, #tpu.memory_space<vmem>>
        tpu.vector_store_idx %scatter3A_1545[%add3A_1316], %mul3A_1499 {add = true} : memref<320xf32, #tpu.memory_space<vmem>>[vector<16xi32>], vector<16xf32>,
        %scatter3A_1546 = arith.constant 6080 : i32
        %scatter3A_1547 = tpu.memref_slice %arg7[%scatter3A_1546] : memref<40960xf32, #tpu.memory_space<vmem>> -> memref<320xf32, #tpu.memory_space<vmem>>
        tpu.vector_store_idx %scatter3A_1547[%add3A_1316], %mul3A_1507 {add = true} : memref<320xf32, #tpu.memory_space<vmem>>[vector<16xi32>], vector<16xf32>,
        %scatter3A_1548 = arith.constant 6400 : i32
        %scatter3A_1549 = tpu.memref_slice %arg7[%scatter3A_1548] : memref<40960xf32, #tpu.memory_space<vmem>> -> memref<320xf32, #tpu.memory_space<vmem>>
        tpu.vector_store_idx %scatter3A_1549[%add3A_1316], %mul3A_1515 {add = true} : memref<320xf32, #tpu.memory_space<vmem>>[vector<16xi32>], vector<16xf32>,
        %scatter3A_1550 = arith.constant 6720 : i32
        %scatter3A_1551 = tpu.memref_slice %arg7[%scatter3A_1550] : memref<40960xf32, #tpu.memory_space<vmem>> -> memref<320xf32, #tpu.memory_space<vmem>>
        tpu.vector_store_idx %scatter3A_1551[%add3A_1316], %mul3A_1523 {add = true} : memref<320xf32, #tpu.memory_space<vmem>>[vector<16xi32>], vector<16xf32>,
        %scatter3A_1552 = arith.constant 7040 : i32
        %scatter3A_1553 = tpu.memref_slice %arg7[%scatter3A_1552] : memref<40960xf32, #tpu.memory_space<vmem>> -> memref<320xf32, #tpu.memory_space<vmem>>
        tpu.vector_store_idx %scatter3A_1553[%add3A_1316], %mul3A_1531 {add = true} : memref<320xf32, #tpu.memory_space<vmem>>[vector<16xi32>], vector<16xf32>,
        %scatter3A_1554 = arith.constant 7360 : i32
        %scatter3A_1555 = tpu.memref_slice %arg7[%scatter3A_1554] : memref<40960xf32, #tpu.memory_space<vmem>> -> memref<320xf32, #tpu.memory_space<vmem>>
        tpu.vector_store_idx %scatter3A_1555[%add3A_1316], %mul3A_1539 {add = true} : memref<320xf32, #tpu.memory_space<vmem>>[vector<16xi32>], vector<16xf32>,
        %mul3A_1556 = arith.constant 16 : i32
        %mul3A_1557 = arith.muli %scan3A_127, %mul3A_1556 : i32
        %get3A_1558 = arith.constant 24 : i32
        %get3A_1559 = arith.index_cast %rem3A_83 : i32 to index
        %get3A_1560 = arith.index_cast %get3A_1558 : i32 to index
        %get3A_1561 = arith.index_cast %mul3A_1557 : i32 to index
        %get3A_1562 = tpu.vector_load %arg5[%get3A_1559, %get3A_1560, %get3A_1561] {strides = array<i32>} : memref<2x128x256xf32, #tpu.memory_space<vmem>>, vector<16xf32>,
        %mul3A_1563 = arith.mulf %get3A_1562, %mul3A_1312 : vector<16xf32>
        %mul3A_1564 = arith.constant 16 : i32
        %mul3A_1565 = arith.muli %scan3A_127, %mul3A_1564 : i32
        %get3A_1566 = arith.constant 25 : i32
        %get3A_1567 = arith.index_cast %rem3A_83 : i32 to index
        %get3A_1568 = arith.index_cast %get3A_1566 : i32 to index
        %get3A_1569 = arith.index_cast %mul3A_1565 : i32 to index
        %get3A_1570 = tpu.vector_load %arg5[%get3A_1567, %get3A_1568, %get3A_1569] {strides = array<i32>} : memref<2x128x256xf32, #tpu.memory_space<vmem>>, vector<16xf32>,
        %mul3A_1571 = arith.mulf %get3A_1570, %mul3A_1312 : vector<16xf32>
        %mul3A_1572 = arith.constant 16 : i32
        %mul3A_1573 = arith.muli %scan3A_127, %mul3A_1572 : i32
        %get3A_1574 = arith.constant 26 : i32
        %get3A_1575 = arith.index_cast %rem3A_83 : i32 to index
        %get3A_1576 = arith.index_cast %get3A_1574 : i32 to index
        %get3A_1577 = arith.index_cast %mul3A_1573 : i32 to index
        %get3A_1578 = tpu.vector_load %arg5[%get3A_1575, %get3A_1576, %get3A_1577] {strides = array<i32>} : memref<2x128x256xf32, #tpu.memory_space<vmem>>, vector<16xf32>,
        %mul3A_1579 = arith.mulf %get3A_1578, %mul3A_1312 : vector<16xf32>
        %mul3A_1580 = arith.constant 16 : i32
        %mul3A_1581 = arith.muli %scan3A_127, %mul3A_1580 : i32
        %get3A_1582 = arith.constant 27 : i32
        %get3A_1583 = arith.index_cast %rem3A_83 : i32 to index
        %get3A_1584 = arith.index_cast %get3A_1582 : i32 to index
        %get3A_1585 = arith.index_cast %mul3A_1581 : i32 to index
        %get3A_1586 = tpu.vector_load %arg5[%get3A_1583, %get3A_1584, %get3A_1585] {strides = array<i32>} : memref<2x128x256xf32, #tpu.memory_space<vmem>>, vector<16xf32>,
        %mul3A_1587 = arith.mulf %get3A_1586, %mul3A_1312 : vector<16xf32>
        %mul3A_1588 = arith.constant 16 : i32
        %mul3A_1589 = arith.muli %scan3A_127, %mul3A_1588 : i32
        %get3A_1590 = arith.constant 28 : i32
        %get3A_1591 = arith.index_cast %rem3A_83 : i32 to index
        %get3A_1592 = arith.index_cast %get3A_1590 : i32 to index
        %get3A_1593 = arith.index_cast %mul3A_1589 : i32 to index
        %get3A_1594 = tpu.vector_load %arg5[%get3A_1591, %get3A_1592, %get3A_1593] {strides = array<i32>} : memref<2x128x256xf32, #tpu.memory_space<vmem>>, vector<16xf32>,
        %mul3A_1595 = arith.mulf %get3A_1594, %mul3A_1312 : vector<16xf32>
        %mul3A_1596 = arith.constant 16 : i32
        %mul3A_1597 = arith.muli %scan3A_127, %mul3A_1596 : i32
        %get3A_1598 = arith.constant 29 : i32
        %get3A_1599 = arith.index_cast %rem3A_83 : i32 to index
        %get3A_1600 = arith.index_cast %get3A_1598 : i32 to index
        %get3A_1601 = arith.index_cast %mul3A_1597 : i32 to index
        %get3A_1602 = tpu.vector_load %arg5[%get3A_1599, %get3A_1600, %get3A_1601] {strides = array<i32>} : memref<2x128x256xf32, #tpu.memory_space<vmem>>, vector<16xf32>,
        %mul3A_1603 = arith.mulf %get3A_1602, %mul3A_1312 : vector<16xf32>
        %mul3A_1604 = arith.constant 16 : i32
        %mul3A_1605 = arith.muli %scan3A_127, %mul3A_1604 : i32
        %get3A_1606 = arith.constant 30 : i32
        %get3A_1607 = arith.index_cast %rem3A_83 : i32 to index
        %get3A_1608 = arith.index_cast %get3A_1606 : i32 to index
        %get3A_1609 = arith.index_cast %mul3A_1605 : i32 to index
        %get3A_1610 = tpu.vector_load %arg5[%get3A_1607, %get3A_1608, %get3A_1609] {strides = array<i32>} : memref<2x128x256xf32, #tpu.memory_space<vmem>>, vector<16xf32>,
        %mul3A_1611 = arith.mulf %get3A_1610, %mul3A_1312 : vector<16xf32>
        %mul3A_1612 = arith.constant 16 : i32
        %mul3A_1613 = arith.muli %scan3A_127, %mul3A_1612 : i32
        %get3A_1614 = arith.constant 31 : i32
        %get3A_1615 = arith.index_cast %rem3A_83 : i32 to index
        %get3A_1616 = arith.index_cast %get3A_1614 : i32 to index
        %get3A_1617 = arith.index_cast %mul3A_1613 : i32 to index
        %get3A_1618 = tpu.vector_load %arg5[%get3A_1615, %get3A_1616, %get3A_1617] {strides = array<i32>} : memref<2x128x256xf32, #tpu.memory_space<vmem>>, vector<16xf32>,
        %mul3A_1619 = arith.mulf %get3A_1618, %mul3A_1312 : vector<16xf32>
        %scatter3A_1620 = arith.constant 7680 : i32
        %scatter3A_1621 = tpu.memref_slice %arg7[%scatter3A_1620] : memref<40960xf32, #tpu.memory_space<vmem>> -> memref<320xf32, #tpu.memory_space<vmem>>
        tpu.vector_store_idx %scatter3A_1621[%add3A_1316], %mul3A_1563 {add = true} : memref<320xf32, #tpu.memory_space<vmem>>[vector<16xi32>], vector<16xf32>,
        %scatter3A_1622 = arith.constant 8000 : i32
        %scatter3A_1623 = tpu.memref_slice %arg7[%scatter3A_1622] : memref<40960xf32, #tpu.memory_space<vmem>> -> memref<320xf32, #tpu.memory_space<vmem>>
        tpu.vector_store_idx %scatter3A_1623[%add3A_1316], %mul3A_1571 {add = true} : memref<320xf32, #tpu.memory_space<vmem>>[vector<16xi32>], vector<16xf32>,
        %scatter3A_1624 = arith.constant 8320 : i32
        %scatter3A_1625 = tpu.memref_slice %arg7[%scatter3A_1624] : memref<40960xf32, #tpu.memory_space<vmem>> -> memref<320xf32, #tpu.memory_space<vmem>>
        tpu.vector_store_idx %scatter3A_1625[%add3A_1316], %mul3A_1579 {add = true} : memref<320xf32, #tpu.memory_space<vmem>>[vector<16xi32>], vector<16xf32>,
        %scatter3A_1626 = arith.constant 8640 : i32
        %scatter3A_1627 = tpu.memref_slice %arg7[%scatter3A_1626] : memref<40960xf32, #tpu.memory_space<vmem>> -> memref<320xf32, #tpu.memory_space<vmem>>
        tpu.vector_store_idx %scatter3A_1627[%add3A_1316], %mul3A_1587 {add = true} : memref<320xf32, #tpu.memory_space<vmem>>[vector<16xi32>], vector<16xf32>,
        %scatter3A_1628 = arith.constant 8960 : i32
        %scatter3A_1629 = tpu.memref_slice %arg7[%scatter3A_1628] : memref<40960xf32, #tpu.memory_space<vmem>> -> memref<320xf32, #tpu.memory_space<vmem>>
        tpu.vector_store_idx %scatter3A_1629[%add3A_1316], %mul3A_1595 {add = true} : memref<320xf32, #tpu.memory_space<vmem>>[vector<16xi32>], vector<16xf32>,
        %scatter3A_1630 = arith.constant 9280 : i32
        %scatter3A_1631 = tpu.memref_slice %arg7[%scatter3A_1630] : memref<40960xf32, #tpu.memory_space<vmem>> -> memref<320xf32, #tpu.memory_space<vmem>>
        tpu.vector_store_idx %scatter3A_1631[%add3A_1316], %mul3A_1603 {add = true} : memref<320xf32, #tpu.memory_space<vmem>>[vector<16xi32>], vector<16xf32>,
        %scatter3A_1632 = arith.constant 9600 : i32
        %scatter3A_1633 = tpu.memref_slice %arg7[%scatter3A_1632] : memref<40960xf32, #tpu.memory_space<vmem>> -> memref<320xf32, #tpu.memory_space<vmem>>
        tpu.vector_store_idx %scatter3A_1633[%add3A_1316], %mul3A_1611 {add = true} : memref<320xf32, #tpu.memory_space<vmem>>[vector<16xi32>], vector<16xf32>,
        %scatter3A_1634 = arith.constant 9920 : i32
        %scatter3A_1635 = tpu.memref_slice %arg7[%scatter3A_1634] : memref<40960xf32, #tpu.memory_space<vmem>> -> memref<320xf32, #tpu.memory_space<vmem>>
        tpu.vector_store_idx %scatter3A_1635[%add3A_1316], %mul3A_1619 {add = true} : memref<320xf32, #tpu.memory_space<vmem>>[vector<16xi32>], vector<16xf32>,
        %mul3A_1636 = arith.constant 16 : i32
        %mul3A_1637 = arith.muli %scan3A_127, %mul3A_1636 : i32
        %get3A_1638 = arith.constant 32 : i32
        %get3A_1639 = arith.index_cast %rem3A_83 : i32 to index
        %get3A_1640 = arith.index_cast %get3A_1638 : i32 to index
        %get3A_1641 = arith.index_cast %mul3A_1637 : i32 to index
        %get3A_1642 = tpu.vector_load %arg5[%get3A_1639, %get3A_1640, %get3A_1641] {strides = array<i32>} : memref<2x128x256xf32, #tpu.memory_space<vmem>>, vector<16xf32>,
        %mul3A_1643 = arith.mulf %get3A_1642, %mul3A_1312 : vector<16xf32>
        %mul3A_1644 = arith.constant 16 : i32
        %mul3A_1645 = arith.muli %scan3A_127, %mul3A_1644 : i32
        %get3A_1646 = arith.constant 33 : i32
        %get3A_1647 = arith.index_cast %rem3A_83 : i32 to index
        %get3A_1648 = arith.index_cast %get3A_1646 : i32 to index
        %get3A_1649 = arith.index_cast %mul3A_1645 : i32 to index
        %get3A_1650 = tpu.vector_load %arg5[%get3A_1647, %get3A_1648, %get3A_1649] {strides = array<i32>} : memref<2x128x256xf32, #tpu.memory_space<vmem>>, vector<16xf32>,
        %mul3A_1651 = arith.mulf %get3A_1650, %mul3A_1312 : vector<16xf32>
        %mul3A_1652 = arith.constant 16 : i32
        %mul3A_1653 = arith.muli %scan3A_127, %mul3A_1652 : i32
        %get3A_1654 = arith.constant 34 : i32
        %get3A_1655 = arith.index_cast %rem3A_83 : i32 to index
        %get3A_1656 = arith.index_cast %get3A_1654 : i32 to index
        %get3A_1657 = arith.index_cast %mul3A_1653 : i32 to index
        %get3A_1658 = tpu.vector_load %arg5[%get3A_1655, %get3A_1656, %get3A_1657] {strides = array<i32>} : memref<2x128x256xf32, #tpu.memory_space<vmem>>, vector<16xf32>,
        %mul3A_1659 = arith.mulf %get3A_1658, %mul3A_1312 : vector<16xf32>
        %mul3A_1660 = arith.constant 16 : i32
        %mul3A_1661 = arith.muli %scan3A_127, %mul3A_1660 : i32
        %get3A_1662 = arith.constant 35 : i32
        %get3A_1663 = arith.index_cast %rem3A_83 : i32 to index
        %get3A_1664 = arith.index_cast %get3A_1662 : i32 to index
        %get3A_1665 = arith.index_cast %mul3A_1661 : i32 to index
        %get3A_1666 = tpu.vector_load %arg5[%get3A_1663, %get3A_1664, %get3A_1665] {strides = array<i32>} : memref<2x128x256xf32, #tpu.memory_space<vmem>>, vector<16xf32>,
        %mul3A_1667 = arith.mulf %get3A_1666, %mul3A_1312 : vector<16xf32>
        %mul3A_1668 = arith.constant 16 : i32
        %mul3A_1669 = arith.muli %scan3A_127, %mul3A_1668 : i32
        %get3A_1670 = arith.constant 36 : i32
        %get3A_1671 = arith.index_cast %rem3A_83 : i32 to index
        %get3A_1672 = arith.index_cast %get3A_1670 : i32 to index
        %get3A_1673 = arith.index_cast %mul3A_1669 : i32 to index
        %get3A_1674 = tpu.vector_load %arg5[%get3A_1671, %get3A_1672, %get3A_1673] {strides = array<i32>} : memref<2x128x256xf32, #tpu.memory_space<vmem>>, vector<16xf32>,
        %mul3A_1675 = arith.mulf %get3A_1674, %mul3A_1312 : vector<16xf32>
        %mul3A_1676 = arith.constant 16 : i32
        %mul3A_1677 = arith.muli %scan3A_127, %mul3A_1676 : i32
        %get3A_1678 = arith.constant 37 : i32
        %get3A_1679 = arith.index_cast %rem3A_83 : i32 to index
        %get3A_1680 = arith.index_cast %get3A_1678 : i32 to index
        %get3A_1681 = arith.index_cast %mul3A_1677 : i32 to index
        %get3A_1682 = tpu.vector_load %arg5[%get3A_1679, %get3A_1680, %get3A_1681] {strides = array<i32>} : memref<2x128x256xf32, #tpu.memory_space<vmem>>, vector<16xf32>,
        %mul3A_1683 = arith.mulf %get3A_1682, %mul3A_1312 : vector<16xf32>
        %mul3A_1684 = arith.constant 16 : i32
        %mul3A_1685 = arith.muli %scan3A_127, %mul3A_1684 : i32
        %get3A_1686 = arith.constant 38 : i32
        %get3A_1687 = arith.index_cast %rem3A_83 : i32 to index
        %get3A_1688 = arith.index_cast %get3A_1686 : i32 to index
        %get3A_1689 = arith.index_cast %mul3A_1685 : i32 to index
        %get3A_1690 = tpu.vector_load %arg5[%get3A_1687, %get3A_1688, %get3A_1689] {strides = array<i32>} : memref<2x128x256xf32, #tpu.memory_space<vmem>>, vector<16xf32>,
        %mul3A_1691 = arith.mulf %get3A_1690, %mul3A_1312 : vector<16xf32>
        %mul3A_1692 = arith.constant 16 : i32
        %mul3A_1693 = arith.muli %scan3A_127, %mul3A_1692 : i32
        %get3A_1694 = arith.constant 39 : i32
        %get3A_1695 = arith.index_cast %rem3A_83 : i32 to index
        %get3A_1696 = arith.index_cast %get3A_1694 : i32 to index
        %get3A_1697 = arith.index_cast %mul3A_1693 : i32 to index
        %get3A_1698 = tpu.vector_load %arg5[%get3A_1695, %get3A_1696, %get3A_1697] {strides = array<i32>} : memref<2x128x256xf32, #tpu.memory_space<vmem>>, vector<16xf32>,
        %mul3A_1699 = arith.mulf %get3A_1698, %mul3A_1312 : vector<16xf32>
        %scatter3A_1700 = arith.constant 10240 : i32
        %scatter3A_1701 = tpu.memref_slice %arg7[%scatter3A_1700] : memref<40960xf32, #tpu.memory_space<vmem>> -> memref<320xf32, #tpu.memory_space<vmem>>
        tpu.vector_store_idx %scatter3A_1701[%add3A_1316], %mul3A_1643 {add = true} : memref<320xf32, #tpu.memory_space<vmem>>[vector<16xi32>], vector<16xf32>,
        %scatter3A_1702 = arith.constant 10560 : i32
        %scatter3A_1703 = tpu.memref_slice %arg7[%scatter3A_1702] : memref<40960xf32, #tpu.memory_space<vmem>> -> memref<320xf32, #tpu.memory_space<vmem>>
        tpu.vector_store_idx %scatter3A_1703[%add3A_1316], %mul3A_1651 {add = true} : memref<320xf32, #tpu.memory_space<vmem>>[vector<16xi32>], vector<16xf32>,
        %scatter3A_1704 = arith.constant 10880 : i32
        %scatter3A_1705 = tpu.memref_slice %arg7[%scatter3A_1704] : memref<40960xf32, #tpu.memory_space<vmem>> -> memref<320xf32, #tpu.memory_space<vmem>>
        tpu.vector_store_idx %scatter3A_1705[%add3A_1316], %mul3A_1659 {add = true} : memref<320xf32, #tpu.memory_space<vmem>>[vector<16xi32>], vector<16xf32>,
        %scatter3A_1706 = arith.constant 11200 : i32
        %scatter3A_1707 = tpu.memref_slice %arg7[%scatter3A_1706] : memref<40960xf32, #tpu.memory_space<vmem>> -> memref<320xf32, #tpu.memory_space<vmem>>
        tpu.vector_store_idx %scatter3A_1707[%add3A_1316], %mul3A_1667 {add = true} : memref<320xf32, #tpu.memory_space<vmem>>[vector<16xi32>], vector<16xf32>,
        %scatter3A_1708 = arith.constant 11520 : i32
        %scatter3A_1709 = tpu.memref_slice %arg7[%scatter3A_1708] : memref<40960xf32, #tpu.memory_space<vmem>> -> memref<320xf32, #tpu.memory_space<vmem>>
        tpu.vector_store_idx %scatter3A_1709[%add3A_1316], %mul3A_1675 {add = true} : memref<320xf32, #tpu.memory_space<vmem>>[vector<16xi32>], vector<16xf32>,
        %scatter3A_1710 = arith.constant 11840 : i32
        %scatter3A_1711 = tpu.memref_slice %arg7[%scatter3A_1710] : memref<40960xf32, #tpu.memory_space<vmem>> -> memref<320xf32, #tpu.memory_space<vmem>>
        tpu.vector_store_idx %scatter3A_1711[%add3A_1316], %mul3A_1683 {add = true} : memref<320xf32, #tpu.memory_space<vmem>>[vector<16xi32>], vector<16xf32>,
        %scatter3A_1712 = arith.constant 12160 : i32
        %scatter3A_1713 = tpu.memref_slice %arg7[%scatter3A_1712] : memref<40960xf32, #tpu.memory_space<vmem>> -> memref<320xf32, #tpu.memory_space<vmem>>
        tpu.vector_store_idx %scatter3A_1713[%add3A_1316], %mul3A_1691 {add = true} : memref<320xf32, #tpu.memory_space<vmem>>[vector<16xi32>], vector<16xf32>,
        %scatter3A_1714 = arith.constant 12480 : i32
        %scatter3A_1715 = tpu.memref_slice %arg7[%scatter3A_1714] : memref<40960xf32, #tpu.memory_space<vmem>> -> memref<320xf32, #tpu.memory_space<vmem>>
        tpu.vector_store_idx %scatter3A_1715[%add3A_1316], %mul3A_1699 {add = true} : memref<320xf32, #tpu.memory_space<vmem>>[vector<16xi32>], vector<16xf32>,
        %mul3A_1716 = arith.constant 16 : i32
        %mul3A_1717 = arith.muli %scan3A_127, %mul3A_1716 : i32
        %get3A_1718 = arith.constant 40 : i32
        %get3A_1719 = arith.index_cast %rem3A_83 : i32 to index
        %get3A_1720 = arith.index_cast %get3A_1718 : i32 to index
        %get3A_1721 = arith.index_cast %mul3A_1717 : i32 to index
        %get3A_1722 = tpu.vector_load %arg5[%get3A_1719, %get3A_1720, %get3A_1721] {strides = array<i32>} : memref<2x128x256xf32, #tpu.memory_space<vmem>>, vector<16xf32>,
        %mul3A_1723 = arith.mulf %get3A_1722, %mul3A_1312 : vector<16xf32>
        %mul3A_1724 = arith.constant 16 : i32
        %mul3A_1725 = arith.muli %scan3A_127, %mul3A_1724 : i32
        %get3A_1726 = arith.constant 41 : i32
        %get3A_1727 = arith.index_cast %rem3A_83 : i32 to index
        %get3A_1728 = arith.index_cast %get3A_1726 : i32 to index
        %get3A_1729 = arith.index_cast %mul3A_1725 : i32 to index
        %get3A_1730 = tpu.vector_load %arg5[%get3A_1727, %get3A_1728, %get3A_1729] {strides = array<i32>} : memref<2x128x256xf32, #tpu.memory_space<vmem>>, vector<16xf32>,
        %mul3A_1731 = arith.mulf %get3A_1730, %mul3A_1312 : vector<16xf32>
        %mul3A_1732 = arith.constant 16 : i32
        %mul3A_1733 = arith.muli %scan3A_127, %mul3A_1732 : i32
        %get3A_1734 = arith.constant 42 : i32
        %get3A_1735 = arith.index_cast %rem3A_83 : i32 to index
        %get3A_1736 = arith.index_cast %get3A_1734 : i32 to index
        %get3A_1737 = arith.index_cast %mul3A_1733 : i32 to index
        %get3A_1738 = tpu.vector_load %arg5[%get3A_1735, %get3A_1736, %get3A_1737] {strides = array<i32>} : memref<2x128x256xf32, #tpu.memory_space<vmem>>, vector<16xf32>,
        %mul3A_1739 = arith.mulf %get3A_1738, %mul3A_1312 : vector<16xf32>
        %mul3A_1740 = arith.constant 16 : i32
        %mul3A_1741 = arith.muli %scan3A_127, %mul3A_1740 : i32
        %get3A_1742 = arith.constant 43 : i32
        %get3A_1743 = arith.index_cast %rem3A_83 : i32 to index
        %get3A_1744 = arith.index_cast %get3A_1742 : i32 to index
        %get3A_1745 = arith.index_cast %mul3A_1741 : i32 to index
        %get3A_1746 = tpu.vector_load %arg5[%get3A_1743, %get3A_1744, %get3A_1745] {strides = array<i32>} : memref<2x128x256xf32, #tpu.memory_space<vmem>>, vector<16xf32>,
        %mul3A_1747 = arith.mulf %get3A_1746, %mul3A_1312 : vector<16xf32>
        %mul3A_1748 = arith.constant 16 : i32
        %mul3A_1749 = arith.muli %scan3A_127, %mul3A_1748 : i32
        %get3A_1750 = arith.constant 44 : i32
        %get3A_1751 = arith.index_cast %rem3A_83 : i32 to index
        %get3A_1752 = arith.index_cast %get3A_1750 : i32 to index
        %get3A_1753 = arith.index_cast %mul3A_1749 : i32 to index
        %get3A_1754 = tpu.vector_load %arg5[%get3A_1751, %get3A_1752, %get3A_1753] {strides = array<i32>} : memref<2x128x256xf32, #tpu.memory_space<vmem>>, vector<16xf32>,
        %mul3A_1755 = arith.mulf %get3A_1754, %mul3A_1312 : vector<16xf32>
        %mul3A_1756 = arith.constant 16 : i32
        %mul3A_1757 = arith.muli %scan3A_127, %mul3A_1756 : i32
        %get3A_1758 = arith.constant 45 : i32
        %get3A_1759 = arith.index_cast %rem3A_83 : i32 to index
        %get3A_1760 = arith.index_cast %get3A_1758 : i32 to index
        %get3A_1761 = arith.index_cast %mul3A_1757 : i32 to index
        %get3A_1762 = tpu.vector_load %arg5[%get3A_1759, %get3A_1760, %get3A_1761] {strides = array<i32>} : memref<2x128x256xf32, #tpu.memory_space<vmem>>, vector<16xf32>,
        %mul3A_1763 = arith.mulf %get3A_1762, %mul3A_1312 : vector<16xf32>
        %mul3A_1764 = arith.constant 16 : i32
        %mul3A_1765 = arith.muli %scan3A_127, %mul3A_1764 : i32
        %get3A_1766 = arith.constant 46 : i32
        %get3A_1767 = arith.index_cast %rem3A_83 : i32 to index
        %get3A_1768 = arith.index_cast %get3A_1766 : i32 to index
        %get3A_1769 = arith.index_cast %mul3A_1765 : i32 to index
        %get3A_1770 = tpu.vector_load %arg5[%get3A_1767, %get3A_1768, %get3A_1769] {strides = array<i32>} : memref<2x128x256xf32, #tpu.memory_space<vmem>>, vector<16xf32>,
        %mul3A_1771 = arith.mulf %get3A_1770, %mul3A_1312 : vector<16xf32>
        %mul3A_1772 = arith.constant 16 : i32
        %mul3A_1773 = arith.muli %scan3A_127, %mul3A_1772 : i32
        %get3A_1774 = arith.constant 47 : i32
        %get3A_1775 = arith.index_cast %rem3A_83 : i32 to index
        %get3A_1776 = arith.index_cast %get3A_1774 : i32 to index
        %get3A_1777 = arith.index_cast %mul3A_1773 : i32 to index
        %get3A_1778 = tpu.vector_load %arg5[%get3A_1775, %get3A_1776, %get3A_1777] {strides = array<i32>} : memref<2x128x256xf32, #tpu.memory_space<vmem>>, vector<16xf32>,
        %mul3A_1779 = arith.mulf %get3A_1778, %mul3A_1312 : vector<16xf32>
        %scatter3A_1780 = arith.constant 12800 : i32
        %scatter3A_1781 = tpu.memref_slice %arg7[%scatter3A_1780] : memref<40960xf32, #tpu.memory_space<vmem>> -> memref<320xf32, #tpu.memory_space<vmem>>
        tpu.vector_store_idx %scatter3A_1781[%add3A_1316], %mul3A_1723 {add = true} : memref<320xf32, #tpu.memory_space<vmem>>[vector<16xi32>], vector<16xf32>,
        %scatter3A_1782 = arith.constant 13120 : i32
        %scatter3A_1783 = tpu.memref_slice %arg7[%scatter3A_1782] : memref<40960xf32, #tpu.memory_space<vmem>> -> memref<320xf32, #tpu.memory_space<vmem>>
        tpu.vector_store_idx %scatter3A_1783[%add3A_1316], %mul3A_1731 {add = true} : memref<320xf32, #tpu.memory_space<vmem>>[vector<16xi32>], vector<16xf32>,
        %scatter3A_1784 = arith.constant 13440 : i32
        %scatter3A_1785 = tpu.memref_slice %arg7[%scatter3A_1784] : memref<40960xf32, #tpu.memory_space<vmem>> -> memref<320xf32, #tpu.memory_space<vmem>>
        tpu.vector_store_idx %scatter3A_1785[%add3A_1316], %mul3A_1739 {add = true} : memref<320xf32, #tpu.memory_space<vmem>>[vector<16xi32>], vector<16xf32>,
        %scatter3A_1786 = arith.constant 13760 : i32
        %scatter3A_1787 = tpu.memref_slice %arg7[%scatter3A_1786] : memref<40960xf32, #tpu.memory_space<vmem>> -> memref<320xf32, #tpu.memory_space<vmem>>
        tpu.vector_store_idx %scatter3A_1787[%add3A_1316], %mul3A_1747 {add = true} : memref<320xf32, #tpu.memory_space<vmem>>[vector<16xi32>], vector<16xf32>,
        %scatter3A_1788 = arith.constant 14080 : i32
        %scatter3A_1789 = tpu.memref_slice %arg7[%scatter3A_1788] : memref<40960xf32, #tpu.memory_space<vmem>> -> memref<320xf32, #tpu.memory_space<vmem>>
        tpu.vector_store_idx %scatter3A_1789[%add3A_1316], %mul3A_1755 {add = true} : memref<320xf32, #tpu.memory_space<vmem>>[vector<16xi32>], vector<16xf32>,
        %scatter3A_1790 = arith.constant 14400 : i32
        %scatter3A_1791 = tpu.memref_slice %arg7[%scatter3A_1790] : memref<40960xf32, #tpu.memory_space<vmem>> -> memref<320xf32, #tpu.memory_space<vmem>>
        tpu.vector_store_idx %scatter3A_1791[%add3A_1316], %mul3A_1763 {add = true} : memref<320xf32, #tpu.memory_space<vmem>>[vector<16xi32>], vector<16xf32>,
        %scatter3A_1792 = arith.constant 14720 : i32
        %scatter3A_1793 = tpu.memref_slice %arg7[%scatter3A_1792] : memref<40960xf32, #tpu.memory_space<vmem>> -> memref<320xf32, #tpu.memory_space<vmem>>
        tpu.vector_store_idx %scatter3A_1793[%add3A_1316], %mul3A_1771 {add = true} : memref<320xf32, #tpu.memory_space<vmem>>[vector<16xi32>], vector<16xf32>,
        %scatter3A_1794 = arith.constant 15040 : i32
        %scatter3A_1795 = tpu.memref_slice %arg7[%scatter3A_1794] : memref<40960xf32, #tpu.memory_space<vmem>> -> memref<320xf32, #tpu.memory_space<vmem>>
        tpu.vector_store_idx %scatter3A_1795[%add3A_1316], %mul3A_1779 {add = true} : memref<320xf32, #tpu.memory_space<vmem>>[vector<16xi32>], vector<16xf32>,
        %mul3A_1796 = arith.constant 16 : i32
        %mul3A_1797 = arith.muli %scan3A_127, %mul3A_1796 : i32
        %get3A_1798 = arith.constant 48 : i32
        %get3A_1799 = arith.index_cast %rem3A_83 : i32 to index
        %get3A_1800 = arith.index_cast %get3A_1798 : i32 to index
        %get3A_1801 = arith.index_cast %mul3A_1797 : i32 to index
        %get3A_1802 = tpu.vector_load %arg5[%get3A_1799, %get3A_1800, %get3A_1801] {strides = array<i32>} : memref<2x128x256xf32, #tpu.memory_space<vmem>>, vector<16xf32>,
        %mul3A_1803 = arith.mulf %get3A_1802, %mul3A_1312 : vector<16xf32>
        %mul3A_1804 = arith.constant 16 : i32
        %mul3A_1805 = arith.muli %scan3A_127, %mul3A_1804 : i32
        %get3A_1806 = arith.constant 49 : i32
        %get3A_1807 = arith.index_cast %rem3A_83 : i32 to index
        %get3A_1808 = arith.index_cast %get3A_1806 : i32 to index
        %get3A_1809 = arith.index_cast %mul3A_1805 : i32 to index
        %get3A_1810 = tpu.vector_load %arg5[%get3A_1807, %get3A_1808, %get3A_1809] {strides = array<i32>} : memref<2x128x256xf32, #tpu.memory_space<vmem>>, vector<16xf32>,
        %mul3A_1811 = arith.mulf %get3A_1810, %mul3A_1312 : vector<16xf32>
        %mul3A_1812 = arith.constant 16 : i32
        %mul3A_1813 = arith.muli %scan3A_127, %mul3A_1812 : i32
        %get3A_1814 = arith.constant 50 : i32
        %get3A_1815 = arith.index_cast %rem3A_83 : i32 to index
        %get3A_1816 = arith.index_cast %get3A_1814 : i32 to index
        %get3A_1817 = arith.index_cast %mul3A_1813 : i32 to index
        %get3A_1818 = tpu.vector_load %arg5[%get3A_1815, %get3A_1816, %get3A_1817] {strides = array<i32>} : memref<2x128x256xf32, #tpu.memory_space<vmem>>, vector<16xf32>,
        %mul3A_1819 = arith.mulf %get3A_1818, %mul3A_1312 : vector<16xf32>
        %mul3A_1820 = arith.constant 16 : i32
        %mul3A_1821 = arith.muli %scan3A_127, %mul3A_1820 : i32
        %get3A_1822 = arith.constant 51 : i32
        %get3A_1823 = arith.index_cast %rem3A_83 : i32 to index
        %get3A_1824 = arith.index_cast %get3A_1822 : i32 to index
        %get3A_1825 = arith.index_cast %mul3A_1821 : i32 to index
        %get3A_1826 = tpu.vector_load %arg5[%get3A_1823, %get3A_1824, %get3A_1825] {strides = array<i32>} : memref<2x128x256xf32, #tpu.memory_space<vmem>>, vector<16xf32>,
        %mul3A_1827 = arith.mulf %get3A_1826, %mul3A_1312 : vector<16xf32>
        %mul3A_1828 = arith.constant 16 : i32
        %mul3A_1829 = arith.muli %scan3A_127, %mul3A_1828 : i32
        %get3A_1830 = arith.constant 52 : i32
        %get3A_1831 = arith.index_cast %rem3A_83 : i32 to index
        %get3A_1832 = arith.index_cast %get3A_1830 : i32 to index
        %get3A_1833 = arith.index_cast %mul3A_1829 : i32 to index
        %get3A_1834 = tpu.vector_load %arg5[%get3A_1831, %get3A_1832, %get3A_1833] {strides = array<i32>} : memref<2x128x256xf32, #tpu.memory_space<vmem>>, vector<16xf32>,
        %mul3A_1835 = arith.mulf %get3A_1834, %mul3A_1312 : vector<16xf32>
        %mul3A_1836 = arith.constant 16 : i32
        %mul3A_1837 = arith.muli %scan3A_127, %mul3A_1836 : i32
        %get3A_1838 = arith.constant 53 : i32
        %get3A_1839 = arith.index_cast %rem3A_83 : i32 to index
        %get3A_1840 = arith.index_cast %get3A_1838 : i32 to index
        %get3A_1841 = arith.index_cast %mul3A_1837 : i32 to index
        %get3A_1842 = tpu.vector_load %arg5[%get3A_1839, %get3A_1840, %get3A_1841] {strides = array<i32>} : memref<2x128x256xf32, #tpu.memory_space<vmem>>, vector<16xf32>,
        %mul3A_1843 = arith.mulf %get3A_1842, %mul3A_1312 : vector<16xf32>
        %mul3A_1844 = arith.constant 16 : i32
        %mul3A_1845 = arith.muli %scan3A_127, %mul3A_1844 : i32
        %get3A_1846 = arith.constant 54 : i32
        %get3A_1847 = arith.index_cast %rem3A_83 : i32 to index
        %get3A_1848 = arith.index_cast %get3A_1846 : i32 to index
        %get3A_1849 = arith.index_cast %mul3A_1845 : i32 to index
        %get3A_1850 = tpu.vector_load %arg5[%get3A_1847, %get3A_1848, %get3A_1849] {strides = array<i32>} : memref<2x128x256xf32, #tpu.memory_space<vmem>>, vector<16xf32>,
        %mul3A_1851 = arith.mulf %get3A_1850, %mul3A_1312 : vector<16xf32>
        %mul3A_1852 = arith.constant 16 : i32
        %mul3A_1853 = arith.muli %scan3A_127, %mul3A_1852 : i32
        %get3A_1854 = arith.constant 55 : i32
        %get3A_1855 = arith.index_cast %rem3A_83 : i32 to index
        %get3A_1856 = arith.index_cast %get3A_1854 : i32 to index
        %get3A_1857 = arith.index_cast %mul3A_1853 : i32 to index
        %get3A_1858 = tpu.vector_load %arg5[%get3A_1855, %get3A_1856, %get3A_1857] {strides = array<i32>} : memref<2x128x256xf32, #tpu.memory_space<vmem>>, vector<16xf32>,
        %mul3A_1859 = arith.mulf %get3A_1858, %mul3A_1312 : vector<16xf32>
        %scatter3A_1860 = arith.constant 15360 : i32
        %scatter3A_1861 = tpu.memref_slice %arg7[%scatter3A_1860] : memref<40960xf32, #tpu.memory_space<vmem>> -> memref<320xf32, #tpu.memory_space<vmem>>
        tpu.vector_store_idx %scatter3A_1861[%add3A_1316], %mul3A_1803 {add = true} : memref<320xf32, #tpu.memory_space<vmem>>[vector<16xi32>], vector<16xf32>,
        %scatter3A_1862 = arith.constant 15680 : i32
        %scatter3A_1863 = tpu.memref_slice %arg7[%scatter3A_1862] : memref<40960xf32, #tpu.memory_space<vmem>> -> memref<320xf32, #tpu.memory_space<vmem>>
        tpu.vector_store_idx %scatter3A_1863[%add3A_1316], %mul3A_1811 {add = true} : memref<320xf32, #tpu.memory_space<vmem>>[vector<16xi32>], vector<16xf32>,
        %scatter3A_1864 = arith.constant 16000 : i32
        %scatter3A_1865 = tpu.memref_slice %arg7[%scatter3A_1864] : memref<40960xf32, #tpu.memory_space<vmem>> -> memref<320xf32, #tpu.memory_space<vmem>>
        tpu.vector_store_idx %scatter3A_1865[%add3A_1316], %mul3A_1819 {add = true} : memref<320xf32, #tpu.memory_space<vmem>>[vector<16xi32>], vector<16xf32>,
        %scatter3A_1866 = arith.constant 16320 : i32
        %scatter3A_1867 = tpu.memref_slice %arg7[%scatter3A_1866] : memref<40960xf32, #tpu.memory_space<vmem>> -> memref<320xf32, #tpu.memory_space<vmem>>
        tpu.vector_store_idx %scatter3A_1867[%add3A_1316], %mul3A_1827 {add = true} : memref<320xf32, #tpu.memory_space<vmem>>[vector<16xi32>], vector<16xf32>,
        %scatter3A_1868 = arith.constant 16640 : i32
        %scatter3A_1869 = tpu.memref_slice %arg7[%scatter3A_1868] : memref<40960xf32, #tpu.memory_space<vmem>> -> memref<320xf32, #tpu.memory_space<vmem>>
        tpu.vector_store_idx %scatter3A_1869[%add3A_1316], %mul3A_1835 {add = true} : memref<320xf32, #tpu.memory_space<vmem>>[vector<16xi32>], vector<16xf32>,
        %scatter3A_1870 = arith.constant 16960 : i32
        %scatter3A_1871 = tpu.memref_slice %arg7[%scatter3A_1870] : memref<40960xf32, #tpu.memory_space<vmem>> -> memref<320xf32, #tpu.memory_space<vmem>>
        tpu.vector_store_idx %scatter3A_1871[%add3A_1316], %mul3A_1843 {add = true} : memref<320xf32, #tpu.memory_space<vmem>>[vector<16xi32>], vector<16xf32>,
        %scatter3A_1872 = arith.constant 17280 : i32
        %scatter3A_1873 = tpu.memref_slice %arg7[%scatter3A_1872] : memref<40960xf32, #tpu.memory_space<vmem>> -> memref<320xf32, #tpu.memory_space<vmem>>
        tpu.vector_store_idx %scatter3A_1873[%add3A_1316], %mul3A_1851 {add = true} : memref<320xf32, #tpu.memory_space<vmem>>[vector<16xi32>], vector<16xf32>,
        %scatter3A_1874 = arith.constant 17600 : i32
        %scatter3A_1875 = tpu.memref_slice %arg7[%scatter3A_1874] : memref<40960xf32, #tpu.memory_space<vmem>> -> memref<320xf32, #tpu.memory_space<vmem>>
        tpu.vector_store_idx %scatter3A_1875[%add3A_1316], %mul3A_1859 {add = true} : memref<320xf32, #tpu.memory_space<vmem>>[vector<16xi32>], vector<16xf32>,
        %mul3A_1876 = arith.constant 16 : i32
        %mul3A_1877 = arith.muli %scan3A_127, %mul3A_1876 : i32
        %get3A_1878 = arith.constant 56 : i32
        %get3A_1879 = arith.index_cast %rem3A_83 : i32 to index
        %get3A_1880 = arith.index_cast %get3A_1878 : i32 to index
        %get3A_1881 = arith.index_cast %mul3A_1877 : i32 to index
        %get3A_1882 = tpu.vector_load %arg5[%get3A_1879, %get3A_1880, %get3A_1881] {strides = array<i32>} : memref<2x128x256xf32, #tpu.memory_space<vmem>>, vector<16xf32>,
        %mul3A_1883 = arith.mulf %get3A_1882, %mul3A_1312 : vector<16xf32>
        %mul3A_1884 = arith.constant 16 : i32
        %mul3A_1885 = arith.muli %scan3A_127, %mul3A_1884 : i32
        %get3A_1886 = arith.constant 57 : i32
        %get3A_1887 = arith.index_cast %rem3A_83 : i32 to index
        %get3A_1888 = arith.index_cast %get3A_1886 : i32 to index
        %get3A_1889 = arith.index_cast %mul3A_1885 : i32 to index
        %get3A_1890 = tpu.vector_load %arg5[%get3A_1887, %get3A_1888, %get3A_1889] {strides = array<i32>} : memref<2x128x256xf32, #tpu.memory_space<vmem>>, vector<16xf32>,
        %mul3A_1891 = arith.mulf %get3A_1890, %mul3A_1312 : vector<16xf32>
        %mul3A_1892 = arith.constant 16 : i32
        %mul3A_1893 = arith.muli %scan3A_127, %mul3A_1892 : i32
        %get3A_1894 = arith.constant 58 : i32
        %get3A_1895 = arith.index_cast %rem3A_83 : i32 to index
        %get3A_1896 = arith.index_cast %get3A_1894 : i32 to index
        %get3A_1897 = arith.index_cast %mul3A_1893 : i32 to index
        %get3A_1898 = tpu.vector_load %arg5[%get3A_1895, %get3A_1896, %get3A_1897] {strides = array<i32>} : memref<2x128x256xf32, #tpu.memory_space<vmem>>, vector<16xf32>,
        %mul3A_1899 = arith.mulf %get3A_1898, %mul3A_1312 : vector<16xf32>
        %mul3A_1900 = arith.constant 16 : i32
        %mul3A_1901 = arith.muli %scan3A_127, %mul3A_1900 : i32
        %get3A_1902 = arith.constant 59 : i32
        %get3A_1903 = arith.index_cast %rem3A_83 : i32 to index
        %get3A_1904 = arith.index_cast %get3A_1902 : i32 to index
        %get3A_1905 = arith.index_cast %mul3A_1901 : i32 to index
        %get3A_1906 = tpu.vector_load %arg5[%get3A_1903, %get3A_1904, %get3A_1905] {strides = array<i32>} : memref<2x128x256xf32, #tpu.memory_space<vmem>>, vector<16xf32>,
        %mul3A_1907 = arith.mulf %get3A_1906, %mul3A_1312 : vector<16xf32>
        %mul3A_1908 = arith.constant 16 : i32
        %mul3A_1909 = arith.muli %scan3A_127, %mul3A_1908 : i32
        %get3A_1910 = arith.constant 60 : i32
        %get3A_1911 = arith.index_cast %rem3A_83 : i32 to index
        %get3A_1912 = arith.index_cast %get3A_1910 : i32 to index
        %get3A_1913 = arith.index_cast %mul3A_1909 : i32 to index
        %get3A_1914 = tpu.vector_load %arg5[%get3A_1911, %get3A_1912, %get3A_1913] {strides = array<i32>} : memref<2x128x256xf32, #tpu.memory_space<vmem>>, vector<16xf32>,
        %mul3A_1915 = arith.mulf %get3A_1914, %mul3A_1312 : vector<16xf32>
        %mul3A_1916 = arith.constant 16 : i32
        %mul3A_1917 = arith.muli %scan3A_127, %mul3A_1916 : i32
        %get3A_1918 = arith.constant 61 : i32
        %get3A_1919 = arith.index_cast %rem3A_83 : i32 to index
        %get3A_1920 = arith.index_cast %get3A_1918 : i32 to index
        %get3A_1921 = arith.index_cast %mul3A_1917 : i32 to index
        %get3A_1922 = tpu.vector_load %arg5[%get3A_1919, %get3A_1920, %get3A_1921] {strides = array<i32>} : memref<2x128x256xf32, #tpu.memory_space<vmem>>, vector<16xf32>,
        %mul3A_1923 = arith.mulf %get3A_1922, %mul3A_1312 : vector<16xf32>
        %mul3A_1924 = arith.constant 16 : i32
        %mul3A_1925 = arith.muli %scan3A_127, %mul3A_1924 : i32
        %get3A_1926 = arith.constant 62 : i32
        %get3A_1927 = arith.index_cast %rem3A_83 : i32 to index
        %get3A_1928 = arith.index_cast %get3A_1926 : i32 to index
        %get3A_1929 = arith.index_cast %mul3A_1925 : i32 to index
        %get3A_1930 = tpu.vector_load %arg5[%get3A_1927, %get3A_1928, %get3A_1929] {strides = array<i32>} : memref<2x128x256xf32, #tpu.memory_space<vmem>>, vector<16xf32>,
        %mul3A_1931 = arith.mulf %get3A_1930, %mul3A_1312 : vector<16xf32>
        %mul3A_1932 = arith.constant 16 : i32
        %mul3A_1933 = arith.muli %scan3A_127, %mul3A_1932 : i32
        %get3A_1934 = arith.constant 63 : i32
        %get3A_1935 = arith.index_cast %rem3A_83 : i32 to index
        %get3A_1936 = arith.index_cast %get3A_1934 : i32 to index
        %get3A_1937 = arith.index_cast %mul3A_1933 : i32 to index
        %get3A_1938 = tpu.vector_load %arg5[%get3A_1935, %get3A_1936, %get3A_1937] {strides = array<i32>} : memref<2x128x256xf32, #tpu.memory_space<vmem>>, vector<16xf32>,
        %mul3A_1939 = arith.mulf %get3A_1938, %mul3A_1312 : vector<16xf32>
        %scatter3A_1940 = arith.constant 17920 : i32
        %scatter3A_1941 = tpu.memref_slice %arg7[%scatter3A_1940] : memref<40960xf32, #tpu.memory_space<vmem>> -> memref<320xf32, #tpu.memory_space<vmem>>
        tpu.vector_store_idx %scatter3A_1941[%add3A_1316], %mul3A_1883 {add = true} : memref<320xf32, #tpu.memory_space<vmem>>[vector<16xi32>], vector<16xf32>,
        %scatter3A_1942 = arith.constant 18240 : i32
        %scatter3A_1943 = tpu.memref_slice %arg7[%scatter3A_1942] : memref<40960xf32, #tpu.memory_space<vmem>> -> memref<320xf32, #tpu.memory_space<vmem>>
        tpu.vector_store_idx %scatter3A_1943[%add3A_1316], %mul3A_1891 {add = true} : memref<320xf32, #tpu.memory_space<vmem>>[vector<16xi32>], vector<16xf32>,
        %scatter3A_1944 = arith.constant 18560 : i32
        %scatter3A_1945 = tpu.memref_slice %arg7[%scatter3A_1944] : memref<40960xf32, #tpu.memory_space<vmem>> -> memref<320xf32, #tpu.memory_space<vmem>>
        tpu.vector_store_idx %scatter3A_1945[%add3A_1316], %mul3A_1899 {add = true} : memref<320xf32, #tpu.memory_space<vmem>>[vector<16xi32>], vector<16xf32>,
        %scatter3A_1946 = arith.constant 18880 : i32
        %scatter3A_1947 = tpu.memref_slice %arg7[%scatter3A_1946] : memref<40960xf32, #tpu.memory_space<vmem>> -> memref<320xf32, #tpu.memory_space<vmem>>
        tpu.vector_store_idx %scatter3A_1947[%add3A_1316], %mul3A_1907 {add = true} : memref<320xf32, #tpu.memory_space<vmem>>[vector<16xi32>], vector<16xf32>,
        %scatter3A_1948 = arith.constant 19200 : i32
        %scatter3A_1949 = tpu.memref_slice %arg7[%scatter3A_1948] : memref<40960xf32, #tpu.memory_space<vmem>> -> memref<320xf32, #tpu.memory_space<vmem>>
        tpu.vector_store_idx %scatter3A_1949[%add3A_1316], %mul3A_1915 {add = true} : memref<320xf32, #tpu.memory_space<vmem>>[vector<16xi32>], vector<16xf32>,
        %scatter3A_1950 = arith.constant 19520 : i32
        %scatter3A_1951 = tpu.memref_slice %arg7[%scatter3A_1950] : memref<40960xf32, #tpu.memory_space<vmem>> -> memref<320xf32, #tpu.memory_space<vmem>>
        tpu.vector_store_idx %scatter3A_1951[%add3A_1316], %mul3A_1923 {add = true} : memref<320xf32, #tpu.memory_space<vmem>>[vector<16xi32>], vector<16xf32>,
        %scatter3A_1952 = arith.constant 19840 : i32
        %scatter3A_1953 = tpu.memref_slice %arg7[%scatter3A_1952] : memref<40960xf32, #tpu.memory_space<vmem>> -> memref<320xf32, #tpu.memory_space<vmem>>
        tpu.vector_store_idx %scatter3A_1953[%add3A_1316], %mul3A_1931 {add = true} : memref<320xf32, #tpu.memory_space<vmem>>[vector<16xi32>], vector<16xf32>,
        %scatter3A_1954 = arith.constant 20160 : i32
        %scatter3A_1955 = tpu.memref_slice %arg7[%scatter3A_1954] : memref<40960xf32, #tpu.memory_space<vmem>> -> memref<320xf32, #tpu.memory_space<vmem>>
        tpu.vector_store_idx %scatter3A_1955[%add3A_1316], %mul3A_1939 {add = true} : memref<320xf32, #tpu.memory_space<vmem>>[vector<16xi32>], vector<16xf32>,
        %mul3A_1956 = arith.constant 16 : i32
        %mul3A_1957 = arith.muli %scan3A_127, %mul3A_1956 : i32
        %get3A_1958 = arith.constant 64 : i32
        %get3A_1959 = arith.index_cast %rem3A_83 : i32 to index
        %get3A_1960 = arith.index_cast %get3A_1958 : i32 to index
        %get3A_1961 = arith.index_cast %mul3A_1957 : i32 to index
        %get3A_1962 = tpu.vector_load %arg5[%get3A_1959, %get3A_1960, %get3A_1961] {strides = array<i32>} : memref<2x128x256xf32, #tpu.memory_space<vmem>>, vector<16xf32>,
        %mul3A_1963 = arith.mulf %get3A_1962, %mul3A_1312 : vector<16xf32>
        %mul3A_1964 = arith.constant 16 : i32
        %mul3A_1965 = arith.muli %scan3A_127, %mul3A_1964 : i32
        %get3A_1966 = arith.constant 65 : i32
        %get3A_1967 = arith.index_cast %rem3A_83 : i32 to index
        %get3A_1968 = arith.index_cast %get3A_1966 : i32 to index
        %get3A_1969 = arith.index_cast %mul3A_1965 : i32 to index
        %get3A_1970 = tpu.vector_load %arg5[%get3A_1967, %get3A_1968, %get3A_1969] {strides = array<i32>} : memref<2x128x256xf32, #tpu.memory_space<vmem>>, vector<16xf32>,
        %mul3A_1971 = arith.mulf %get3A_1970, %mul3A_1312 : vector<16xf32>
        %mul3A_1972 = arith.constant 16 : i32
        %mul3A_1973 = arith.muli %scan3A_127, %mul3A_1972 : i32
        %get3A_1974 = arith.constant 66 : i32
        %get3A_1975 = arith.index_cast %rem3A_83 : i32 to index
        %get3A_1976 = arith.index_cast %get3A_1974 : i32 to index
        %get3A_1977 = arith.index_cast %mul3A_1973 : i32 to index
        %get3A_1978 = tpu.vector_load %arg5[%get3A_1975, %get3A_1976, %get3A_1977] {strides = array<i32>} : memref<2x128x256xf32, #tpu.memory_space<vmem>>, vector<16xf32>,
        %mul3A_1979 = arith.mulf %get3A_1978, %mul3A_1312 : vector<16xf32>
        %mul3A_1980 = arith.constant 16 : i32
        %mul3A_1981 = arith.muli %scan3A_127, %mul3A_1980 : i32
        %get3A_1982 = arith.constant 67 : i32
        %get3A_1983 = arith.index_cast %rem3A_83 : i32 to index
        %get3A_1984 = arith.index_cast %get3A_1982 : i32 to index
        %get3A_1985 = arith.index_cast %mul3A_1981 : i32 to index
        %get3A_1986 = tpu.vector_load %arg5[%get3A_1983, %get3A_1984, %get3A_1985] {strides = array<i32>} : memref<2x128x256xf32, #tpu.memory_space<vmem>>, vector<16xf32>,
        %mul3A_1987 = arith.mulf %get3A_1986, %mul3A_1312 : vector<16xf32>
        %mul3A_1988 = arith.constant 16 : i32
        %mul3A_1989 = arith.muli %scan3A_127, %mul3A_1988 : i32
        %get3A_1990 = arith.constant 68 : i32
        %get3A_1991 = arith.index_cast %rem3A_83 : i32 to index
        %get3A_1992 = arith.index_cast %get3A_1990 : i32 to index
        %get3A_1993 = arith.index_cast %mul3A_1989 : i32 to index
        %get3A_1994 = tpu.vector_load %arg5[%get3A_1991, %get3A_1992, %get3A_1993] {strides = array<i32>} : memref<2x128x256xf32, #tpu.memory_space<vmem>>, vector<16xf32>,
        %mul3A_1995 = arith.mulf %get3A_1994, %mul3A_1312 : vector<16xf32>
        %mul3A_1996 = arith.constant 16 : i32
        %mul3A_1997 = arith.muli %scan3A_127, %mul3A_1996 : i32
        %get3A_1998 = arith.constant 69 : i32
        %get3A_1999 = arith.index_cast %rem3A_83 : i32 to index
        %get3A_2000 = arith.index_cast %get3A_1998 : i32 to index
        %get3A_2001 = arith.index_cast %mul3A_1997 : i32 to index
        %get3A_2002 = tpu.vector_load %arg5[%get3A_1999, %get3A_2000, %get3A_2001] {strides = array<i32>} : memref<2x128x256xf32, #tpu.memory_space<vmem>>, vector<16xf32>,
        %mul3A_2003 = arith.mulf %get3A_2002, %mul3A_1312 : vector<16xf32>
        %mul3A_2004 = arith.constant 16 : i32
        %mul3A_2005 = arith.muli %scan3A_127, %mul3A_2004 : i32
        %get3A_2006 = arith.constant 70 : i32
        %get3A_2007 = arith.index_cast %rem3A_83 : i32 to index
        %get3A_2008 = arith.index_cast %get3A_2006 : i32 to index
        %get3A_2009 = arith.index_cast %mul3A_2005 : i32 to index
        %get3A_2010 = tpu.vector_load %arg5[%get3A_2007, %get3A_2008, %get3A_2009] {strides = array<i32>} : memref<2x128x256xf32, #tpu.memory_space<vmem>>, vector<16xf32>,
        %mul3A_2011 = arith.mulf %get3A_2010, %mul3A_1312 : vector<16xf32>
        %mul3A_2012 = arith.constant 16 : i32
        %mul3A_2013 = arith.muli %scan3A_127, %mul3A_2012 : i32
        %get3A_2014 = arith.constant 71 : i32
        %get3A_2015 = arith.index_cast %rem3A_83 : i32 to index
        %get3A_2016 = arith.index_cast %get3A_2014 : i32 to index
        %get3A_2017 = arith.index_cast %mul3A_2013 : i32 to index
        %get3A_2018 = tpu.vector_load %arg5[%get3A_2015, %get3A_2016, %get3A_2017] {strides = array<i32>} : memref<2x128x256xf32, #tpu.memory_space<vmem>>, vector<16xf32>,
        %mul3A_2019 = arith.mulf %get3A_2018, %mul3A_1312 : vector<16xf32>
        %scatter3A_2020 = arith.constant 20480 : i32
        %scatter3A_2021 = tpu.memref_slice %arg7[%scatter3A_2020] : memref<40960xf32, #tpu.memory_space<vmem>> -> memref<320xf32, #tpu.memory_space<vmem>>
        tpu.vector_store_idx %scatter3A_2021[%add3A_1316], %mul3A_1963 {add = true} : memref<320xf32, #tpu.memory_space<vmem>>[vector<16xi32>], vector<16xf32>,
        %scatter3A_2022 = arith.constant 20800 : i32
        %scatter3A_2023 = tpu.memref_slice %arg7[%scatter3A_2022] : memref<40960xf32, #tpu.memory_space<vmem>> -> memref<320xf32, #tpu.memory_space<vmem>>
        tpu.vector_store_idx %scatter3A_2023[%add3A_1316], %mul3A_1971 {add = true} : memref<320xf32, #tpu.memory_space<vmem>>[vector<16xi32>], vector<16xf32>,
        %scatter3A_2024 = arith.constant 21120 : i32
        %scatter3A_2025 = tpu.memref_slice %arg7[%scatter3A_2024] : memref<40960xf32, #tpu.memory_space<vmem>> -> memref<320xf32, #tpu.memory_space<vmem>>
        tpu.vector_store_idx %scatter3A_2025[%add3A_1316], %mul3A_1979 {add = true} : memref<320xf32, #tpu.memory_space<vmem>>[vector<16xi32>], vector<16xf32>,
        %scatter3A_2026 = arith.constant 21440 : i32
        %scatter3A_2027 = tpu.memref_slice %arg7[%scatter3A_2026] : memref<40960xf32, #tpu.memory_space<vmem>> -> memref<320xf32, #tpu.memory_space<vmem>>
        tpu.vector_store_idx %scatter3A_2027[%add3A_1316], %mul3A_1987 {add = true} : memref<320xf32, #tpu.memory_space<vmem>>[vector<16xi32>], vector<16xf32>,
        %scatter3A_2028 = arith.constant 21760 : i32
        %scatter3A_2029 = tpu.memref_slice %arg7[%scatter3A_2028] : memref<40960xf32, #tpu.memory_space<vmem>> -> memref<320xf32, #tpu.memory_space<vmem>>
        tpu.vector_store_idx %scatter3A_2029[%add3A_1316], %mul3A_1995 {add = true} : memref<320xf32, #tpu.memory_space<vmem>>[vector<16xi32>], vector<16xf32>,
        %scatter3A_2030 = arith.constant 22080 : i32
        %scatter3A_2031 = tpu.memref_slice %arg7[%scatter3A_2030] : memref<40960xf32, #tpu.memory_space<vmem>> -> memref<320xf32, #tpu.memory_space<vmem>>
        tpu.vector_store_idx %scatter3A_2031[%add3A_1316], %mul3A_2003 {add = true} : memref<320xf32, #tpu.memory_space<vmem>>[vector<16xi32>], vector<16xf32>,
        %scatter3A_2032 = arith.constant 22400 : i32
        %scatter3A_2033 = tpu.memref_slice %arg7[%scatter3A_2032] : memref<40960xf32, #tpu.memory_space<vmem>> -> memref<320xf32, #tpu.memory_space<vmem>>
        tpu.vector_store_idx %scatter3A_2033[%add3A_1316], %mul3A_2011 {add = true} : memref<320xf32, #tpu.memory_space<vmem>>[vector<16xi32>], vector<16xf32>,
        %scatter3A_2034 = arith.constant 22720 : i32
        %scatter3A_2035 = tpu.memref_slice %arg7[%scatter3A_2034] : memref<40960xf32, #tpu.memory_space<vmem>> -> memref<320xf32, #tpu.memory_space<vmem>>
        tpu.vector_store_idx %scatter3A_2035[%add3A_1316], %mul3A_2019 {add = true} : memref<320xf32, #tpu.memory_space<vmem>>[vector<16xi32>], vector<16xf32>,
        %mul3A_2036 = arith.constant 16 : i32
        %mul3A_2037 = arith.muli %scan3A_127, %mul3A_2036 : i32
        %get3A_2038 = arith.constant 72 : i32
        %get3A_2039 = arith.index_cast %rem3A_83 : i32 to index
        %get3A_2040 = arith.index_cast %get3A_2038 : i32 to index
        %get3A_2041 = arith.index_cast %mul3A_2037 : i32 to index
        %get3A_2042 = tpu.vector_load %arg5[%get3A_2039, %get3A_2040, %get3A_2041] {strides = array<i32>} : memref<2x128x256xf32, #tpu.memory_space<vmem>>, vector<16xf32>,
        %mul3A_2043 = arith.mulf %get3A_2042, %mul3A_1312 : vector<16xf32>
        %mul3A_2044 = arith.constant 16 : i32
        %mul3A_2045 = arith.muli %scan3A_127, %mul3A_2044 : i32
        %get3A_2046 = arith.constant 73 : i32
        %get3A_2047 = arith.index_cast %rem3A_83 : i32 to index
        %get3A_2048 = arith.index_cast %get3A_2046 : i32 to index
        %get3A_2049 = arith.index_cast %mul3A_2045 : i32 to index
        %get3A_2050 = tpu.vector_load %arg5[%get3A_2047, %get3A_2048, %get3A_2049] {strides = array<i32>} : memref<2x128x256xf32, #tpu.memory_space<vmem>>, vector<16xf32>,
        %mul3A_2051 = arith.mulf %get3A_2050, %mul3A_1312 : vector<16xf32>
        %mul3A_2052 = arith.constant 16 : i32
        %mul3A_2053 = arith.muli %scan3A_127, %mul3A_2052 : i32
        %get3A_2054 = arith.constant 74 : i32
        %get3A_2055 = arith.index_cast %rem3A_83 : i32 to index
        %get3A_2056 = arith.index_cast %get3A_2054 : i32 to index
        %get3A_2057 = arith.index_cast %mul3A_2053 : i32 to index
        %get3A_2058 = tpu.vector_load %arg5[%get3A_2055, %get3A_2056, %get3A_2057] {strides = array<i32>} : memref<2x128x256xf32, #tpu.memory_space<vmem>>, vector<16xf32>,
        %mul3A_2059 = arith.mulf %get3A_2058, %mul3A_1312 : vector<16xf32>
        %mul3A_2060 = arith.constant 16 : i32
        %mul3A_2061 = arith.muli %scan3A_127, %mul3A_2060 : i32
        %get3A_2062 = arith.constant 75 : i32
        %get3A_2063 = arith.index_cast %rem3A_83 : i32 to index
        %get3A_2064 = arith.index_cast %get3A_2062 : i32 to index
        %get3A_2065 = arith.index_cast %mul3A_2061 : i32 to index
        %get3A_2066 = tpu.vector_load %arg5[%get3A_2063, %get3A_2064, %get3A_2065] {strides = array<i32>} : memref<2x128x256xf32, #tpu.memory_space<vmem>>, vector<16xf32>,
        %mul3A_2067 = arith.mulf %get3A_2066, %mul3A_1312 : vector<16xf32>
        %mul3A_2068 = arith.constant 16 : i32
        %mul3A_2069 = arith.muli %scan3A_127, %mul3A_2068 : i32
        %get3A_2070 = arith.constant 76 : i32
        %get3A_2071 = arith.index_cast %rem3A_83 : i32 to index
        %get3A_2072 = arith.index_cast %get3A_2070 : i32 to index
        %get3A_2073 = arith.index_cast %mul3A_2069 : i32 to index
        %get3A_2074 = tpu.vector_load %arg5[%get3A_2071, %get3A_2072, %get3A_2073] {strides = array<i32>} : memref<2x128x256xf32, #tpu.memory_space<vmem>>, vector<16xf32>,
        %mul3A_2075 = arith.mulf %get3A_2074, %mul3A_1312 : vector<16xf32>
        %mul3A_2076 = arith.constant 16 : i32
        %mul3A_2077 = arith.muli %scan3A_127, %mul3A_2076 : i32
        %get3A_2078 = arith.constant 77 : i32
        %get3A_2079 = arith.index_cast %rem3A_83 : i32 to index
        %get3A_2080 = arith.index_cast %get3A_2078 : i32 to index
        %get3A_2081 = arith.index_cast %mul3A_2077 : i32 to index
        %get3A_2082 = tpu.vector_load %arg5[%get3A_2079, %get3A_2080, %get3A_2081] {strides = array<i32>} : memref<2x128x256xf32, #tpu.memory_space<vmem>>, vector<16xf32>,
        %mul3A_2083 = arith.mulf %get3A_2082, %mul3A_1312 : vector<16xf32>
        %mul3A_2084 = arith.constant 16 : i32
        %mul3A_2085 = arith.muli %scan3A_127, %mul3A_2084 : i32
        %get3A_2086 = arith.constant 78 : i32
        %get3A_2087 = arith.index_cast %rem3A_83 : i32 to index
        %get3A_2088 = arith.index_cast %get3A_2086 : i32 to index
        %get3A_2089 = arith.index_cast %mul3A_2085 : i32 to index
        %get3A_2090 = tpu.vector_load %arg5[%get3A_2087, %get3A_2088, %get3A_2089] {strides = array<i32>} : memref<2x128x256xf32, #tpu.memory_space<vmem>>, vector<16xf32>,
        %mul3A_2091 = arith.mulf %get3A_2090, %mul3A_1312 : vector<16xf32>
        %mul3A_2092 = arith.constant 16 : i32
        %mul3A_2093 = arith.muli %scan3A_127, %mul3A_2092 : i32
        %get3A_2094 = arith.constant 79 : i32
        %get3A_2095 = arith.index_cast %rem3A_83 : i32 to index
        %get3A_2096 = arith.index_cast %get3A_2094 : i32 to index
        %get3A_2097 = arith.index_cast %mul3A_2093 : i32 to index
        %get3A_2098 = tpu.vector_load %arg5[%get3A_2095, %get3A_2096, %get3A_2097] {strides = array<i32>} : memref<2x128x256xf32, #tpu.memory_space<vmem>>, vector<16xf32>,
        %mul3A_2099 = arith.mulf %get3A_2098, %mul3A_1312 : vector<16xf32>
        %scatter3A_2100 = arith.constant 23040 : i32
        %scatter3A_2101 = tpu.memref_slice %arg7[%scatter3A_2100] : memref<40960xf32, #tpu.memory_space<vmem>> -> memref<320xf32, #tpu.memory_space<vmem>>
        tpu.vector_store_idx %scatter3A_2101[%add3A_1316], %mul3A_2043 {add = true} : memref<320xf32, #tpu.memory_space<vmem>>[vector<16xi32>], vector<16xf32>,
        %scatter3A_2102 = arith.constant 23360 : i32
        %scatter3A_2103 = tpu.memref_slice %arg7[%scatter3A_2102] : memref<40960xf32, #tpu.memory_space<vmem>> -> memref<320xf32, #tpu.memory_space<vmem>>
        tpu.vector_store_idx %scatter3A_2103[%add3A_1316], %mul3A_2051 {add = true} : memref<320xf32, #tpu.memory_space<vmem>>[vector<16xi32>], vector<16xf32>,
        %scatter3A_2104 = arith.constant 23680 : i32
        %scatter3A_2105 = tpu.memref_slice %arg7[%scatter3A_2104] : memref<40960xf32, #tpu.memory_space<vmem>> -> memref<320xf32, #tpu.memory_space<vmem>>
        tpu.vector_store_idx %scatter3A_2105[%add3A_1316], %mul3A_2059 {add = true} : memref<320xf32, #tpu.memory_space<vmem>>[vector<16xi32>], vector<16xf32>,
        %scatter3A_2106 = arith.constant 24000 : i32
        %scatter3A_2107 = tpu.memref_slice %arg7[%scatter3A_2106] : memref<40960xf32, #tpu.memory_space<vmem>> -> memref<320xf32, #tpu.memory_space<vmem>>
        tpu.vector_store_idx %scatter3A_2107[%add3A_1316], %mul3A_2067 {add = true} : memref<320xf32, #tpu.memory_space<vmem>>[vector<16xi32>], vector<16xf32>,
        %scatter3A_2108 = arith.constant 24320 : i32
        %scatter3A_2109 = tpu.memref_slice %arg7[%scatter3A_2108] : memref<40960xf32, #tpu.memory_space<vmem>> -> memref<320xf32, #tpu.memory_space<vmem>>
        tpu.vector_store_idx %scatter3A_2109[%add3A_1316], %mul3A_2075 {add = true} : memref<320xf32, #tpu.memory_space<vmem>>[vector<16xi32>], vector<16xf32>,
        %scatter3A_2110 = arith.constant 24640 : i32
        %scatter3A_2111 = tpu.memref_slice %arg7[%scatter3A_2110] : memref<40960xf32, #tpu.memory_space<vmem>> -> memref<320xf32, #tpu.memory_space<vmem>>
        tpu.vector_store_idx %scatter3A_2111[%add3A_1316], %mul3A_2083 {add = true} : memref<320xf32, #tpu.memory_space<vmem>>[vector<16xi32>], vector<16xf32>,
        %scatter3A_2112 = arith.constant 24960 : i32
        %scatter3A_2113 = tpu.memref_slice %arg7[%scatter3A_2112] : memref<40960xf32, #tpu.memory_space<vmem>> -> memref<320xf32, #tpu.memory_space<vmem>>
        tpu.vector_store_idx %scatter3A_2113[%add3A_1316], %mul3A_2091 {add = true} : memref<320xf32, #tpu.memory_space<vmem>>[vector<16xi32>], vector<16xf32>,
        %scatter3A_2114 = arith.constant 25280 : i32
        %scatter3A_2115 = tpu.memref_slice %arg7[%scatter3A_2114] : memref<40960xf32, #tpu.memory_space<vmem>> -> memref<320xf32, #tpu.memory_space<vmem>>
        tpu.vector_store_idx %scatter3A_2115[%add3A_1316], %mul3A_2099 {add = true} : memref<320xf32, #tpu.memory_space<vmem>>[vector<16xi32>], vector<16xf32>,
        %mul3A_2116 = arith.constant 16 : i32
        %mul3A_2117 = arith.muli %scan3A_127, %mul3A_2116 : i32
        %get3A_2118 = arith.constant 80 : i32
        %get3A_2119 = arith.index_cast %rem3A_83 : i32 to index
        %get3A_2120 = arith.index_cast %get3A_2118 : i32 to index
        %get3A_2121 = arith.index_cast %mul3A_2117 : i32 to index
        %get3A_2122 = tpu.vector_load %arg5[%get3A_2119, %get3A_2120, %get3A_2121] {strides = array<i32>} : memref<2x128x256xf32, #tpu.memory_space<vmem>>, vector<16xf32>,
        %mul3A_2123 = arith.mulf %get3A_2122, %mul3A_1312 : vector<16xf32>
        %mul3A_2124 = arith.constant 16 : i32
        %mul3A_2125 = arith.muli %scan3A_127, %mul3A_2124 : i32
        %get3A_2126 = arith.constant 81 : i32
        %get3A_2127 = arith.index_cast %rem3A_83 : i32 to index
        %get3A_2128 = arith.index_cast %get3A_2126 : i32 to index
        %get3A_2129 = arith.index_cast %mul3A_2125 : i32 to index
        %get3A_2130 = tpu.vector_load %arg5[%get3A_2127, %get3A_2128, %get3A_2129] {strides = array<i32>} : memref<2x128x256xf32, #tpu.memory_space<vmem>>, vector<16xf32>,
        %mul3A_2131 = arith.mulf %get3A_2130, %mul3A_1312 : vector<16xf32>
        %mul3A_2132 = arith.constant 16 : i32
        %mul3A_2133 = arith.muli %scan3A_127, %mul3A_2132 : i32
        %get3A_2134 = arith.constant 82 : i32
        %get3A_2135 = arith.index_cast %rem3A_83 : i32 to index
        %get3A_2136 = arith.index_cast %get3A_2134 : i32 to index
        %get3A_2137 = arith.index_cast %mul3A_2133 : i32 to index
        %get3A_2138 = tpu.vector_load %arg5[%get3A_2135, %get3A_2136, %get3A_2137] {strides = array<i32>} : memref<2x128x256xf32, #tpu.memory_space<vmem>>, vector<16xf32>,
        %mul3A_2139 = arith.mulf %get3A_2138, %mul3A_1312 : vector<16xf32>
        %mul3A_2140 = arith.constant 16 : i32
        %mul3A_2141 = arith.muli %scan3A_127, %mul3A_2140 : i32
        %get3A_2142 = arith.constant 83 : i32
        %get3A_2143 = arith.index_cast %rem3A_83 : i32 to index
        %get3A_2144 = arith.index_cast %get3A_2142 : i32 to index
        %get3A_2145 = arith.index_cast %mul3A_2141 : i32 to index
        %get3A_2146 = tpu.vector_load %arg5[%get3A_2143, %get3A_2144, %get3A_2145] {strides = array<i32>} : memref<2x128x256xf32, #tpu.memory_space<vmem>>, vector<16xf32>,
        %mul3A_2147 = arith.mulf %get3A_2146, %mul3A_1312 : vector<16xf32>
        %mul3A_2148 = arith.constant 16 : i32
        %mul3A_2149 = arith.muli %scan3A_127, %mul3A_2148 : i32
        %get3A_2150 = arith.constant 84 : i32
        %get3A_2151 = arith.index_cast %rem3A_83 : i32 to index
        %get3A_2152 = arith.index_cast %get3A_2150 : i32 to index
        %get3A_2153 = arith.index_cast %mul3A_2149 : i32 to index
        %get3A_2154 = tpu.vector_load %arg5[%get3A_2151, %get3A_2152, %get3A_2153] {strides = array<i32>} : memref<2x128x256xf32, #tpu.memory_space<vmem>>, vector<16xf32>,
        %mul3A_2155 = arith.mulf %get3A_2154, %mul3A_1312 : vector<16xf32>
        %mul3A_2156 = arith.constant 16 : i32
        %mul3A_2157 = arith.muli %scan3A_127, %mul3A_2156 : i32
        %get3A_2158 = arith.constant 85 : i32
        %get3A_2159 = arith.index_cast %rem3A_83 : i32 to index
        %get3A_2160 = arith.index_cast %get3A_2158 : i32 to index
        %get3A_2161 = arith.index_cast %mul3A_2157 : i32 to index
        %get3A_2162 = tpu.vector_load %arg5[%get3A_2159, %get3A_2160, %get3A_2161] {strides = array<i32>} : memref<2x128x256xf32, #tpu.memory_space<vmem>>, vector<16xf32>,
        %mul3A_2163 = arith.mulf %get3A_2162, %mul3A_1312 : vector<16xf32>
        %mul3A_2164 = arith.constant 16 : i32
        %mul3A_2165 = arith.muli %scan3A_127, %mul3A_2164 : i32
        %get3A_2166 = arith.constant 86 : i32
        %get3A_2167 = arith.index_cast %rem3A_83 : i32 to index
        %get3A_2168 = arith.index_cast %get3A_2166 : i32 to index
        %get3A_2169 = arith.index_cast %mul3A_2165 : i32 to index
        %get3A_2170 = tpu.vector_load %arg5[%get3A_2167, %get3A_2168, %get3A_2169] {strides = array<i32>} : memref<2x128x256xf32, #tpu.memory_space<vmem>>, vector<16xf32>,
        %mul3A_2171 = arith.mulf %get3A_2170, %mul3A_1312 : vector<16xf32>
        %mul3A_2172 = arith.constant 16 : i32
        %mul3A_2173 = arith.muli %scan3A_127, %mul3A_2172 : i32
        %get3A_2174 = arith.constant 87 : i32
        %get3A_2175 = arith.index_cast %rem3A_83 : i32 to index
        %get3A_2176 = arith.index_cast %get3A_2174 : i32 to index
        %get3A_2177 = arith.index_cast %mul3A_2173 : i32 to index
        %get3A_2178 = tpu.vector_load %arg5[%get3A_2175, %get3A_2176, %get3A_2177] {strides = array<i32>} : memref<2x128x256xf32, #tpu.memory_space<vmem>>, vector<16xf32>,
        %mul3A_2179 = arith.mulf %get3A_2178, %mul3A_1312 : vector<16xf32>
        %scatter3A_2180 = arith.constant 25600 : i32
        %scatter3A_2181 = tpu.memref_slice %arg7[%scatter3A_2180] : memref<40960xf32, #tpu.memory_space<vmem>> -> memref<320xf32, #tpu.memory_space<vmem>>
        tpu.vector_store_idx %scatter3A_2181[%add3A_1316], %mul3A_2123 {add = true} : memref<320xf32, #tpu.memory_space<vmem>>[vector<16xi32>], vector<16xf32>,
        %scatter3A_2182 = arith.constant 25920 : i32
        %scatter3A_2183 = tpu.memref_slice %arg7[%scatter3A_2182] : memref<40960xf32, #tpu.memory_space<vmem>> -> memref<320xf32, #tpu.memory_space<vmem>>
        tpu.vector_store_idx %scatter3A_2183[%add3A_1316], %mul3A_2131 {add = true} : memref<320xf32, #tpu.memory_space<vmem>>[vector<16xi32>], vector<16xf32>,
        %scatter3A_2184 = arith.constant 26240 : i32
        %scatter3A_2185 = tpu.memref_slice %arg7[%scatter3A_2184] : memref<40960xf32, #tpu.memory_space<vmem>> -> memref<320xf32, #tpu.memory_space<vmem>>
        tpu.vector_store_idx %scatter3A_2185[%add3A_1316], %mul3A_2139 {add = true} : memref<320xf32, #tpu.memory_space<vmem>>[vector<16xi32>], vector<16xf32>,
        %scatter3A_2186 = arith.constant 26560 : i32
        %scatter3A_2187 = tpu.memref_slice %arg7[%scatter3A_2186] : memref<40960xf32, #tpu.memory_space<vmem>> -> memref<320xf32, #tpu.memory_space<vmem>>
        tpu.vector_store_idx %scatter3A_2187[%add3A_1316], %mul3A_2147 {add = true} : memref<320xf32, #tpu.memory_space<vmem>>[vector<16xi32>], vector<16xf32>,
        %scatter3A_2188 = arith.constant 26880 : i32
        %scatter3A_2189 = tpu.memref_slice %arg7[%scatter3A_2188] : memref<40960xf32, #tpu.memory_space<vmem>> -> memref<320xf32, #tpu.memory_space<vmem>>
        tpu.vector_store_idx %scatter3A_2189[%add3A_1316], %mul3A_2155 {add = true} : memref<320xf32, #tpu.memory_space<vmem>>[vector<16xi32>], vector<16xf32>,
        %scatter3A_2190 = arith.constant 27200 : i32
        %scatter3A_2191 = tpu.memref_slice %arg7[%scatter3A_2190] : memref<40960xf32, #tpu.memory_space<vmem>> -> memref<320xf32, #tpu.memory_space<vmem>>
        tpu.vector_store_idx %scatter3A_2191[%add3A_1316], %mul3A_2163 {add = true} : memref<320xf32, #tpu.memory_space<vmem>>[vector<16xi32>], vector<16xf32>,
        %scatter3A_2192 = arith.constant 27520 : i32
        %scatter3A_2193 = tpu.memref_slice %arg7[%scatter3A_2192] : memref<40960xf32, #tpu.memory_space<vmem>> -> memref<320xf32, #tpu.memory_space<vmem>>
        tpu.vector_store_idx %scatter3A_2193[%add3A_1316], %mul3A_2171 {add = true} : memref<320xf32, #tpu.memory_space<vmem>>[vector<16xi32>], vector<16xf32>,
        %scatter3A_2194 = arith.constant 27840 : i32
        %scatter3A_2195 = tpu.memref_slice %arg7[%scatter3A_2194] : memref<40960xf32, #tpu.memory_space<vmem>> -> memref<320xf32, #tpu.memory_space<vmem>>
        tpu.vector_store_idx %scatter3A_2195[%add3A_1316], %mul3A_2179 {add = true} : memref<320xf32, #tpu.memory_space<vmem>>[vector<16xi32>], vector<16xf32>,
        %mul3A_2196 = arith.constant 16 : i32
        %mul3A_2197 = arith.muli %scan3A_127, %mul3A_2196 : i32
        %get3A_2198 = arith.constant 88 : i32
        %get3A_2199 = arith.index_cast %rem3A_83 : i32 to index
        %get3A_2200 = arith.index_cast %get3A_2198 : i32 to index
        %get3A_2201 = arith.index_cast %mul3A_2197 : i32 to index
        %get3A_2202 = tpu.vector_load %arg5[%get3A_2199, %get3A_2200, %get3A_2201] {strides = array<i32>} : memref<2x128x256xf32, #tpu.memory_space<vmem>>, vector<16xf32>,
        %mul3A_2203 = arith.mulf %get3A_2202, %mul3A_1312 : vector<16xf32>
        %mul3A_2204 = arith.constant 16 : i32
        %mul3A_2205 = arith.muli %scan3A_127, %mul3A_2204 : i32
        %get3A_2206 = arith.constant 89 : i32
        %get3A_2207 = arith.index_cast %rem3A_83 : i32 to index
        %get3A_2208 = arith.index_cast %get3A_2206 : i32 to index
        %get3A_2209 = arith.index_cast %mul3A_2205 : i32 to index
        %get3A_2210 = tpu.vector_load %arg5[%get3A_2207, %get3A_2208, %get3A_2209] {strides = array<i32>} : memref<2x128x256xf32, #tpu.memory_space<vmem>>, vector<16xf32>,
        %mul3A_2211 = arith.mulf %get3A_2210, %mul3A_1312 : vector<16xf32>
        %mul3A_2212 = arith.constant 16 : i32
        %mul3A_2213 = arith.muli %scan3A_127, %mul3A_2212 : i32
        %get3A_2214 = arith.constant 90 : i32
        %get3A_2215 = arith.index_cast %rem3A_83 : i32 to index
        %get3A_2216 = arith.index_cast %get3A_2214 : i32 to index
        %get3A_2217 = arith.index_cast %mul3A_2213 : i32 to index
        %get3A_2218 = tpu.vector_load %arg5[%get3A_2215, %get3A_2216, %get3A_2217] {strides = array<i32>} : memref<2x128x256xf32, #tpu.memory_space<vmem>>, vector<16xf32>,
        %mul3A_2219 = arith.mulf %get3A_2218, %mul3A_1312 : vector<16xf32>
        %mul3A_2220 = arith.constant 16 : i32
        %mul3A_2221 = arith.muli %scan3A_127, %mul3A_2220 : i32
        %get3A_2222 = arith.constant 91 : i32
        %get3A_2223 = arith.index_cast %rem3A_83 : i32 to index
        %get3A_2224 = arith.index_cast %get3A_2222 : i32 to index
        %get3A_2225 = arith.index_cast %mul3A_2221 : i32 to index
        %get3A_2226 = tpu.vector_load %arg5[%get3A_2223, %get3A_2224, %get3A_2225] {strides = array<i32>} : memref<2x128x256xf32, #tpu.memory_space<vmem>>, vector<16xf32>,
        %mul3A_2227 = arith.mulf %get3A_2226, %mul3A_1312 : vector<16xf32>
        %mul3A_2228 = arith.constant 16 : i32
        %mul3A_2229 = arith.muli %scan3A_127, %mul3A_2228 : i32
        %get3A_2230 = arith.constant 92 : i32
        %get3A_2231 = arith.index_cast %rem3A_83 : i32 to index
        %get3A_2232 = arith.index_cast %get3A_2230 : i32 to index
        %get3A_2233 = arith.index_cast %mul3A_2229 : i32 to index
        %get3A_2234 = tpu.vector_load %arg5[%get3A_2231, %get3A_2232, %get3A_2233] {strides = array<i32>} : memref<2x128x256xf32, #tpu.memory_space<vmem>>, vector<16xf32>,
        %mul3A_2235 = arith.mulf %get3A_2234, %mul3A_1312 : vector<16xf32>
        %mul3A_2236 = arith.constant 16 : i32
        %mul3A_2237 = arith.muli %scan3A_127, %mul3A_2236 : i32
        %get3A_2238 = arith.constant 93 : i32
        %get3A_2239 = arith.index_cast %rem3A_83 : i32 to index
        %get3A_2240 = arith.index_cast %get3A_2238 : i32 to index
        %get3A_2241 = arith.index_cast %mul3A_2237 : i32 to index
        %get3A_2242 = tpu.vector_load %arg5[%get3A_2239, %get3A_2240, %get3A_2241] {strides = array<i32>} : memref<2x128x256xf32, #tpu.memory_space<vmem>>, vector<16xf32>,
        %mul3A_2243 = arith.mulf %get3A_2242, %mul3A_1312 : vector<16xf32>
        %mul3A_2244 = arith.constant 16 : i32
        %mul3A_2245 = arith.muli %scan3A_127, %mul3A_2244 : i32
        %get3A_2246 = arith.constant 94 : i32
        %get3A_2247 = arith.index_cast %rem3A_83 : i32 to index
        %get3A_2248 = arith.index_cast %get3A_2246 : i32 to index
        %get3A_2249 = arith.index_cast %mul3A_2245 : i32 to index
        %get3A_2250 = tpu.vector_load %arg5[%get3A_2247, %get3A_2248, %get3A_2249] {strides = array<i32>} : memref<2x128x256xf32, #tpu.memory_space<vmem>>, vector<16xf32>,
        %mul3A_2251 = arith.mulf %get3A_2250, %mul3A_1312 : vector<16xf32>
        %mul3A_2252 = arith.constant 16 : i32
        %mul3A_2253 = arith.muli %scan3A_127, %mul3A_2252 : i32
        %get3A_2254 = arith.constant 95 : i32
        %get3A_2255 = arith.index_cast %rem3A_83 : i32 to index
        %get3A_2256 = arith.index_cast %get3A_2254 : i32 to index
        %get3A_2257 = arith.index_cast %mul3A_2253 : i32 to index
        %get3A_2258 = tpu.vector_load %arg5[%get3A_2255, %get3A_2256, %get3A_2257] {strides = array<i32>} : memref<2x128x256xf32, #tpu.memory_space<vmem>>, vector<16xf32>,
        %mul3A_2259 = arith.mulf %get3A_2258, %mul3A_1312 : vector<16xf32>
        %scatter3A_2260 = arith.constant 28160 : i32
        %scatter3A_2261 = tpu.memref_slice %arg7[%scatter3A_2260] : memref<40960xf32, #tpu.memory_space<vmem>> -> memref<320xf32, #tpu.memory_space<vmem>>
        tpu.vector_store_idx %scatter3A_2261[%add3A_1316], %mul3A_2203 {add = true} : memref<320xf32, #tpu.memory_space<vmem>>[vector<16xi32>], vector<16xf32>,
        %scatter3A_2262 = arith.constant 28480 : i32
        %scatter3A_2263 = tpu.memref_slice %arg7[%scatter3A_2262] : memref<40960xf32, #tpu.memory_space<vmem>> -> memref<320xf32, #tpu.memory_space<vmem>>
        tpu.vector_store_idx %scatter3A_2263[%add3A_1316], %mul3A_2211 {add = true} : memref<320xf32, #tpu.memory_space<vmem>>[vector<16xi32>], vector<16xf32>,
        %scatter3A_2264 = arith.constant 28800 : i32
        %scatter3A_2265 = tpu.memref_slice %arg7[%scatter3A_2264] : memref<40960xf32, #tpu.memory_space<vmem>> -> memref<320xf32, #tpu.memory_space<vmem>>
        tpu.vector_store_idx %scatter3A_2265[%add3A_1316], %mul3A_2219 {add = true} : memref<320xf32, #tpu.memory_space<vmem>>[vector<16xi32>], vector<16xf32>,
        %scatter3A_2266 = arith.constant 29120 : i32
        %scatter3A_2267 = tpu.memref_slice %arg7[%scatter3A_2266] : memref<40960xf32, #tpu.memory_space<vmem>> -> memref<320xf32, #tpu.memory_space<vmem>>
        tpu.vector_store_idx %scatter3A_2267[%add3A_1316], %mul3A_2227 {add = true} : memref<320xf32, #tpu.memory_space<vmem>>[vector<16xi32>], vector<16xf32>,
        %scatter3A_2268 = arith.constant 29440 : i32
        %scatter3A_2269 = tpu.memref_slice %arg7[%scatter3A_2268] : memref<40960xf32, #tpu.memory_space<vmem>> -> memref<320xf32, #tpu.memory_space<vmem>>
        tpu.vector_store_idx %scatter3A_2269[%add3A_1316], %mul3A_2235 {add = true} : memref<320xf32, #tpu.memory_space<vmem>>[vector<16xi32>], vector<16xf32>,
        %scatter3A_2270 = arith.constant 29760 : i32
        %scatter3A_2271 = tpu.memref_slice %arg7[%scatter3A_2270] : memref<40960xf32, #tpu.memory_space<vmem>> -> memref<320xf32, #tpu.memory_space<vmem>>
        tpu.vector_store_idx %scatter3A_2271[%add3A_1316], %mul3A_2243 {add = true} : memref<320xf32, #tpu.memory_space<vmem>>[vector<16xi32>], vector<16xf32>,
        %scatter3A_2272 = arith.constant 30080 : i32
        %scatter3A_2273 = tpu.memref_slice %arg7[%scatter3A_2272] : memref<40960xf32, #tpu.memory_space<vmem>> -> memref<320xf32, #tpu.memory_space<vmem>>
        tpu.vector_store_idx %scatter3A_2273[%add3A_1316], %mul3A_2251 {add = true} : memref<320xf32, #tpu.memory_space<vmem>>[vector<16xi32>], vector<16xf32>,
        %scatter3A_2274 = arith.constant 30400 : i32
        %scatter3A_2275 = tpu.memref_slice %arg7[%scatter3A_2274] : memref<40960xf32, #tpu.memory_space<vmem>> -> memref<320xf32, #tpu.memory_space<vmem>>
        tpu.vector_store_idx %scatter3A_2275[%add3A_1316], %mul3A_2259 {add = true} : memref<320xf32, #tpu.memory_space<vmem>>[vector<16xi32>], vector<16xf32>,
        %mul3A_2276 = arith.constant 16 : i32
        %mul3A_2277 = arith.muli %scan3A_127, %mul3A_2276 : i32
        %get3A_2278 = arith.constant 96 : i32
        %get3A_2279 = arith.index_cast %rem3A_83 : i32 to index
        %get3A_2280 = arith.index_cast %get3A_2278 : i32 to index
        %get3A_2281 = arith.index_cast %mul3A_2277 : i32 to index
        %get3A_2282 = tpu.vector_load %arg5[%get3A_2279, %get3A_2280, %get3A_2281] {strides = array<i32>} : memref<2x128x256xf32, #tpu.memory_space<vmem>>, vector<16xf32>,
        %mul3A_2283 = arith.mulf %get3A_2282, %mul3A_1312 : vector<16xf32>
        %mul3A_2284 = arith.constant 16 : i32
        %mul3A_2285 = arith.muli %scan3A_127, %mul3A_2284 : i32
        %get3A_2286 = arith.constant 97 : i32
        %get3A_2287 = arith.index_cast %rem3A_83 : i32 to index
        %get3A_2288 = arith.index_cast %get3A_2286 : i32 to index
        %get3A_2289 = arith.index_cast %mul3A_2285 : i32 to index
        %get3A_2290 = tpu.vector_load %arg5[%get3A_2287, %get3A_2288, %get3A_2289] {strides = array<i32>} : memref<2x128x256xf32, #tpu.memory_space<vmem>>, vector<16xf32>,
        %mul3A_2291 = arith.mulf %get3A_2290, %mul3A_1312 : vector<16xf32>
        %mul3A_2292 = arith.constant 16 : i32
        %mul3A_2293 = arith.muli %scan3A_127, %mul3A_2292 : i32
        %get3A_2294 = arith.constant 98 : i32
        %get3A_2295 = arith.index_cast %rem3A_83 : i32 to index
        %get3A_2296 = arith.index_cast %get3A_2294 : i32 to index
        %get3A_2297 = arith.index_cast %mul3A_2293 : i32 to index
        %get3A_2298 = tpu.vector_load %arg5[%get3A_2295, %get3A_2296, %get3A_2297] {strides = array<i32>} : memref<2x128x256xf32, #tpu.memory_space<vmem>>, vector<16xf32>,
        %mul3A_2299 = arith.mulf %get3A_2298, %mul3A_1312 : vector<16xf32>
        %mul3A_2300 = arith.constant 16 : i32
        %mul3A_2301 = arith.muli %scan3A_127, %mul3A_2300 : i32
        %get3A_2302 = arith.constant 99 : i32
        %get3A_2303 = arith.index_cast %rem3A_83 : i32 to index
        %get3A_2304 = arith.index_cast %get3A_2302 : i32 to index
        %get3A_2305 = arith.index_cast %mul3A_2301 : i32 to index
        %get3A_2306 = tpu.vector_load %arg5[%get3A_2303, %get3A_2304, %get3A_2305] {strides = array<i32>} : memref<2x128x256xf32, #tpu.memory_space<vmem>>, vector<16xf32>,
        %mul3A_2307 = arith.mulf %get3A_2306, %mul3A_1312 : vector<16xf32>
        %mul3A_2308 = arith.constant 16 : i32
        %mul3A_2309 = arith.muli %scan3A_127, %mul3A_2308 : i32
        %get3A_2310 = arith.constant 100 : i32
        %get3A_2311 = arith.index_cast %rem3A_83 : i32 to index
        %get3A_2312 = arith.index_cast %get3A_2310 : i32 to index
        %get3A_2313 = arith.index_cast %mul3A_2309 : i32 to index
        %get3A_2314 = tpu.vector_load %arg5[%get3A_2311, %get3A_2312, %get3A_2313] {strides = array<i32>} : memref<2x128x256xf32, #tpu.memory_space<vmem>>, vector<16xf32>,
        %mul3A_2315 = arith.mulf %get3A_2314, %mul3A_1312 : vector<16xf32>
        %mul3A_2316 = arith.constant 16 : i32
        %mul3A_2317 = arith.muli %scan3A_127, %mul3A_2316 : i32
        %get3A_2318 = arith.constant 101 : i32
        %get3A_2319 = arith.index_cast %rem3A_83 : i32 to index
        %get3A_2320 = arith.index_cast %get3A_2318 : i32 to index
        %get3A_2321 = arith.index_cast %mul3A_2317 : i32 to index
        %get3A_2322 = tpu.vector_load %arg5[%get3A_2319, %get3A_2320, %get3A_2321] {strides = array<i32>} : memref<2x128x256xf32, #tpu.memory_space<vmem>>, vector<16xf32>,
        %mul3A_2323 = arith.mulf %get3A_2322, %mul3A_1312 : vector<16xf32>
        %mul3A_2324 = arith.constant 16 : i32
        %mul3A_2325 = arith.muli %scan3A_127, %mul3A_2324 : i32
        %get3A_2326 = arith.constant 102 : i32
        %get3A_2327 = arith.index_cast %rem3A_83 : i32 to index
        %get3A_2328 = arith.index_cast %get3A_2326 : i32 to index
        %get3A_2329 = arith.index_cast %mul3A_2325 : i32 to index
        %get3A_2330 = tpu.vector_load %arg5[%get3A_2327, %get3A_2328, %get3A_2329] {strides = array<i32>} : memref<2x128x256xf32, #tpu.memory_space<vmem>>, vector<16xf32>,
        %mul3A_2331 = arith.mulf %get3A_2330, %mul3A_1312 : vector<16xf32>
        %mul3A_2332 = arith.constant 16 : i32
        %mul3A_2333 = arith.muli %scan3A_127, %mul3A_2332 : i32
        %get3A_2334 = arith.constant 103 : i32
        %get3A_2335 = arith.index_cast %rem3A_83 : i32 to index
        %get3A_2336 = arith.index_cast %get3A_2334 : i32 to index
        %get3A_2337 = arith.index_cast %mul3A_2333 : i32 to index
        %get3A_2338 = tpu.vector_load %arg5[%get3A_2335, %get3A_2336, %get3A_2337] {strides = array<i32>} : memref<2x128x256xf32, #tpu.memory_space<vmem>>, vector<16xf32>,
        %mul3A_2339 = arith.mulf %get3A_2338, %mul3A_1312 : vector<16xf32>
        %scatter3A_2340 = arith.constant 30720 : i32
        %scatter3A_2341 = tpu.memref_slice %arg7[%scatter3A_2340] : memref<40960xf32, #tpu.memory_space<vmem>> -> memref<320xf32, #tpu.memory_space<vmem>>
        tpu.vector_store_idx %scatter3A_2341[%add3A_1316], %mul3A_2283 {add = true} : memref<320xf32, #tpu.memory_space<vmem>>[vector<16xi32>], vector<16xf32>,
        %scatter3A_2342 = arith.constant 31040 : i32
        %scatter3A_2343 = tpu.memref_slice %arg7[%scatter3A_2342] : memref<40960xf32, #tpu.memory_space<vmem>> -> memref<320xf32, #tpu.memory_space<vmem>>
        tpu.vector_store_idx %scatter3A_2343[%add3A_1316], %mul3A_2291 {add = true} : memref<320xf32, #tpu.memory_space<vmem>>[vector<16xi32>], vector<16xf32>,
        %scatter3A_2344 = arith.constant 31360 : i32
        %scatter3A_2345 = tpu.memref_slice %arg7[%scatter3A_2344] : memref<40960xf32, #tpu.memory_space<vmem>> -> memref<320xf32, #tpu.memory_space<vmem>>
        tpu.vector_store_idx %scatter3A_2345[%add3A_1316], %mul3A_2299 {add = true} : memref<320xf32, #tpu.memory_space<vmem>>[vector<16xi32>], vector<16xf32>,
        %scatter3A_2346 = arith.constant 31680 : i32
        %scatter3A_2347 = tpu.memref_slice %arg7[%scatter3A_2346] : memref<40960xf32, #tpu.memory_space<vmem>> -> memref<320xf32, #tpu.memory_space<vmem>>
        tpu.vector_store_idx %scatter3A_2347[%add3A_1316], %mul3A_2307 {add = true} : memref<320xf32, #tpu.memory_space<vmem>>[vector<16xi32>], vector<16xf32>,
        %scatter3A_2348 = arith.constant 32000 : i32
        %scatter3A_2349 = tpu.memref_slice %arg7[%scatter3A_2348] : memref<40960xf32, #tpu.memory_space<vmem>> -> memref<320xf32, #tpu.memory_space<vmem>>
        tpu.vector_store_idx %scatter3A_2349[%add3A_1316], %mul3A_2315 {add = true} : memref<320xf32, #tpu.memory_space<vmem>>[vector<16xi32>], vector<16xf32>,
        %scatter3A_2350 = arith.constant 32320 : i32
        %scatter3A_2351 = tpu.memref_slice %arg7[%scatter3A_2350] : memref<40960xf32, #tpu.memory_space<vmem>> -> memref<320xf32, #tpu.memory_space<vmem>>
        tpu.vector_store_idx %scatter3A_2351[%add3A_1316], %mul3A_2323 {add = true} : memref<320xf32, #tpu.memory_space<vmem>>[vector<16xi32>], vector<16xf32>,
        %scatter3A_2352 = arith.constant 32640 : i32
        %scatter3A_2353 = tpu.memref_slice %arg7[%scatter3A_2352] : memref<40960xf32, #tpu.memory_space<vmem>> -> memref<320xf32, #tpu.memory_space<vmem>>
        tpu.vector_store_idx %scatter3A_2353[%add3A_1316], %mul3A_2331 {add = true} : memref<320xf32, #tpu.memory_space<vmem>>[vector<16xi32>], vector<16xf32>,
        %scatter3A_2354 = arith.constant 32960 : i32
        %scatter3A_2355 = tpu.memref_slice %arg7[%scatter3A_2354] : memref<40960xf32, #tpu.memory_space<vmem>> -> memref<320xf32, #tpu.memory_space<vmem>>
        tpu.vector_store_idx %scatter3A_2355[%add3A_1316], %mul3A_2339 {add = true} : memref<320xf32, #tpu.memory_space<vmem>>[vector<16xi32>], vector<16xf32>,
        %mul3A_2356 = arith.constant 16 : i32
        %mul3A_2357 = arith.muli %scan3A_127, %mul3A_2356 : i32
        %get3A_2358 = arith.constant 104 : i32
        %get3A_2359 = arith.index_cast %rem3A_83 : i32 to index
        %get3A_2360 = arith.index_cast %get3A_2358 : i32 to index
        %get3A_2361 = arith.index_cast %mul3A_2357 : i32 to index
        %get3A_2362 = tpu.vector_load %arg5[%get3A_2359, %get3A_2360, %get3A_2361] {strides = array<i32>} : memref<2x128x256xf32, #tpu.memory_space<vmem>>, vector<16xf32>,
        %mul3A_2363 = arith.mulf %get3A_2362, %mul3A_1312 : vector<16xf32>
        %mul3A_2364 = arith.constant 16 : i32
        %mul3A_2365 = arith.muli %scan3A_127, %mul3A_2364 : i32
        %get3A_2366 = arith.constant 105 : i32
        %get3A_2367 = arith.index_cast %rem3A_83 : i32 to index
        %get3A_2368 = arith.index_cast %get3A_2366 : i32 to index
        %get3A_2369 = arith.index_cast %mul3A_2365 : i32 to index
        %get3A_2370 = tpu.vector_load %arg5[%get3A_2367, %get3A_2368, %get3A_2369] {strides = array<i32>} : memref<2x128x256xf32, #tpu.memory_space<vmem>>, vector<16xf32>,
        %mul3A_2371 = arith.mulf %get3A_2370, %mul3A_1312 : vector<16xf32>
        %mul3A_2372 = arith.constant 16 : i32
        %mul3A_2373 = arith.muli %scan3A_127, %mul3A_2372 : i32
        %get3A_2374 = arith.constant 106 : i32
        %get3A_2375 = arith.index_cast %rem3A_83 : i32 to index
        %get3A_2376 = arith.index_cast %get3A_2374 : i32 to index
        %get3A_2377 = arith.index_cast %mul3A_2373 : i32 to index
        %get3A_2378 = tpu.vector_load %arg5[%get3A_2375, %get3A_2376, %get3A_2377] {strides = array<i32>} : memref<2x128x256xf32, #tpu.memory_space<vmem>>, vector<16xf32>,
        %mul3A_2379 = arith.mulf %get3A_2378, %mul3A_1312 : vector<16xf32>
        %mul3A_2380 = arith.constant 16 : i32
        %mul3A_2381 = arith.muli %scan3A_127, %mul3A_2380 : i32
        %get3A_2382 = arith.constant 107 : i32
        %get3A_2383 = arith.index_cast %rem3A_83 : i32 to index
        %get3A_2384 = arith.index_cast %get3A_2382 : i32 to index
        %get3A_2385 = arith.index_cast %mul3A_2381 : i32 to index
        %get3A_2386 = tpu.vector_load %arg5[%get3A_2383, %get3A_2384, %get3A_2385] {strides = array<i32>} : memref<2x128x256xf32, #tpu.memory_space<vmem>>, vector<16xf32>,
        %mul3A_2387 = arith.mulf %get3A_2386, %mul3A_1312 : vector<16xf32>
        %mul3A_2388 = arith.constant 16 : i32
        %mul3A_2389 = arith.muli %scan3A_127, %mul3A_2388 : i32
        %get3A_2390 = arith.constant 108 : i32
        %get3A_2391 = arith.index_cast %rem3A_83 : i32 to index
        %get3A_2392 = arith.index_cast %get3A_2390 : i32 to index
        %get3A_2393 = arith.index_cast %mul3A_2389 : i32 to index
        %get3A_2394 = tpu.vector_load %arg5[%get3A_2391, %get3A_2392, %get3A_2393] {strides = array<i32>} : memref<2x128x256xf32, #tpu.memory_space<vmem>>, vector<16xf32>,
        %mul3A_2395 = arith.mulf %get3A_2394, %mul3A_1312 : vector<16xf32>
        %mul3A_2396 = arith.constant 16 : i32
        %mul3A_2397 = arith.muli %scan3A_127, %mul3A_2396 : i32
        %get3A_2398 = arith.constant 109 : i32
        %get3A_2399 = arith.index_cast %rem3A_83 : i32 to index
        %get3A_2400 = arith.index_cast %get3A_2398 : i32 to index
        %get3A_2401 = arith.index_cast %mul3A_2397 : i32 to index
        %get3A_2402 = tpu.vector_load %arg5[%get3A_2399, %get3A_2400, %get3A_2401] {strides = array<i32>} : memref<2x128x256xf32, #tpu.memory_space<vmem>>, vector<16xf32>,
        %mul3A_2403 = arith.mulf %get3A_2402, %mul3A_1312 : vector<16xf32>
        %mul3A_2404 = arith.constant 16 : i32
        %mul3A_2405 = arith.muli %scan3A_127, %mul3A_2404 : i32
        %get3A_2406 = arith.constant 110 : i32
        %get3A_2407 = arith.index_cast %rem3A_83 : i32 to index
        %get3A_2408 = arith.index_cast %get3A_2406 : i32 to index
        %get3A_2409 = arith.index_cast %mul3A_2405 : i32 to index
        %get3A_2410 = tpu.vector_load %arg5[%get3A_2407, %get3A_2408, %get3A_2409] {strides = array<i32>} : memref<2x128x256xf32, #tpu.memory_space<vmem>>, vector<16xf32>,
        %mul3A_2411 = arith.mulf %get3A_2410, %mul3A_1312 : vector<16xf32>
        %mul3A_2412 = arith.constant 16 : i32
        %mul3A_2413 = arith.muli %scan3A_127, %mul3A_2412 : i32
        %get3A_2414 = arith.constant 111 : i32
        %get3A_2415 = arith.index_cast %rem3A_83 : i32 to index
        %get3A_2416 = arith.index_cast %get3A_2414 : i32 to index
        %get3A_2417 = arith.index_cast %mul3A_2413 : i32 to index
        %get3A_2418 = tpu.vector_load %arg5[%get3A_2415, %get3A_2416, %get3A_2417] {strides = array<i32>} : memref<2x128x256xf32, #tpu.memory_space<vmem>>, vector<16xf32>,
        %mul3A_2419 = arith.mulf %get3A_2418, %mul3A_1312 : vector<16xf32>
        %scatter3A_2420 = arith.constant 33280 : i32
        %scatter3A_2421 = tpu.memref_slice %arg7[%scatter3A_2420] : memref<40960xf32, #tpu.memory_space<vmem>> -> memref<320xf32, #tpu.memory_space<vmem>>
        tpu.vector_store_idx %scatter3A_2421[%add3A_1316], %mul3A_2363 {add = true} : memref<320xf32, #tpu.memory_space<vmem>>[vector<16xi32>], vector<16xf32>,
        %scatter3A_2422 = arith.constant 33600 : i32
        %scatter3A_2423 = tpu.memref_slice %arg7[%scatter3A_2422] : memref<40960xf32, #tpu.memory_space<vmem>> -> memref<320xf32, #tpu.memory_space<vmem>>
        tpu.vector_store_idx %scatter3A_2423[%add3A_1316], %mul3A_2371 {add = true} : memref<320xf32, #tpu.memory_space<vmem>>[vector<16xi32>], vector<16xf32>,
        %scatter3A_2424 = arith.constant 33920 : i32
        %scatter3A_2425 = tpu.memref_slice %arg7[%scatter3A_2424] : memref<40960xf32, #tpu.memory_space<vmem>> -> memref<320xf32, #tpu.memory_space<vmem>>
        tpu.vector_store_idx %scatter3A_2425[%add3A_1316], %mul3A_2379 {add = true} : memref<320xf32, #tpu.memory_space<vmem>>[vector<16xi32>], vector<16xf32>,
        %scatter3A_2426 = arith.constant 34240 : i32
        %scatter3A_2427 = tpu.memref_slice %arg7[%scatter3A_2426] : memref<40960xf32, #tpu.memory_space<vmem>> -> memref<320xf32, #tpu.memory_space<vmem>>
        tpu.vector_store_idx %scatter3A_2427[%add3A_1316], %mul3A_2387 {add = true} : memref<320xf32, #tpu.memory_space<vmem>>[vector<16xi32>], vector<16xf32>,
        %scatter3A_2428 = arith.constant 34560 : i32
        %scatter3A_2429 = tpu.memref_slice %arg7[%scatter3A_2428] : memref<40960xf32, #tpu.memory_space<vmem>> -> memref<320xf32, #tpu.memory_space<vmem>>
        tpu.vector_store_idx %scatter3A_2429[%add3A_1316], %mul3A_2395 {add = true} : memref<320xf32, #tpu.memory_space<vmem>>[vector<16xi32>], vector<16xf32>,
        %scatter3A_2430 = arith.constant 34880 : i32
        %scatter3A_2431 = tpu.memref_slice %arg7[%scatter3A_2430] : memref<40960xf32, #tpu.memory_space<vmem>> -> memref<320xf32, #tpu.memory_space<vmem>>
        tpu.vector_store_idx %scatter3A_2431[%add3A_1316], %mul3A_2403 {add = true} : memref<320xf32, #tpu.memory_space<vmem>>[vector<16xi32>], vector<16xf32>,
        %scatter3A_2432 = arith.constant 35200 : i32
        %scatter3A_2433 = tpu.memref_slice %arg7[%scatter3A_2432] : memref<40960xf32, #tpu.memory_space<vmem>> -> memref<320xf32, #tpu.memory_space<vmem>>
        tpu.vector_store_idx %scatter3A_2433[%add3A_1316], %mul3A_2411 {add = true} : memref<320xf32, #tpu.memory_space<vmem>>[vector<16xi32>], vector<16xf32>,
        %scatter3A_2434 = arith.constant 35520 : i32
        %scatter3A_2435 = tpu.memref_slice %arg7[%scatter3A_2434] : memref<40960xf32, #tpu.memory_space<vmem>> -> memref<320xf32, #tpu.memory_space<vmem>>
        tpu.vector_store_idx %scatter3A_2435[%add3A_1316], %mul3A_2419 {add = true} : memref<320xf32, #tpu.memory_space<vmem>>[vector<16xi32>], vector<16xf32>,
        %mul3A_2436 = arith.constant 16 : i32
        %mul3A_2437 = arith.muli %scan3A_127, %mul3A_2436 : i32
        %get3A_2438 = arith.constant 112 : i32
        %get3A_2439 = arith.index_cast %rem3A_83 : i32 to index
        %get3A_2440 = arith.index_cast %get3A_2438 : i32 to index
        %get3A_2441 = arith.index_cast %mul3A_2437 : i32 to index
        %get3A_2442 = tpu.vector_load %arg5[%get3A_2439, %get3A_2440, %get3A_2441] {strides = array<i32>} : memref<2x128x256xf32, #tpu.memory_space<vmem>>, vector<16xf32>,
        %mul3A_2443 = arith.mulf %get3A_2442, %mul3A_1312 : vector<16xf32>
        %mul3A_2444 = arith.constant 16 : i32
        %mul3A_2445 = arith.muli %scan3A_127, %mul3A_2444 : i32
        %get3A_2446 = arith.constant 113 : i32
        %get3A_2447 = arith.index_cast %rem3A_83 : i32 to index
        %get3A_2448 = arith.index_cast %get3A_2446 : i32 to index
        %get3A_2449 = arith.index_cast %mul3A_2445 : i32 to index
        %get3A_2450 = tpu.vector_load %arg5[%get3A_2447, %get3A_2448, %get3A_2449] {strides = array<i32>} : memref<2x128x256xf32, #tpu.memory_space<vmem>>, vector<16xf32>,
        %mul3A_2451 = arith.mulf %get3A_2450, %mul3A_1312 : vector<16xf32>
        %mul3A_2452 = arith.constant 16 : i32
        %mul3A_2453 = arith.muli %scan3A_127, %mul3A_2452 : i32
        %get3A_2454 = arith.constant 114 : i32
        %get3A_2455 = arith.index_cast %rem3A_83 : i32 to index
        %get3A_2456 = arith.index_cast %get3A_2454 : i32 to index
        %get3A_2457 = arith.index_cast %mul3A_2453 : i32 to index
        %get3A_2458 = tpu.vector_load %arg5[%get3A_2455, %get3A_2456, %get3A_2457] {strides = array<i32>} : memref<2x128x256xf32, #tpu.memory_space<vmem>>, vector<16xf32>,
        %mul3A_2459 = arith.mulf %get3A_2458, %mul3A_1312 : vector<16xf32>
        %mul3A_2460 = arith.constant 16 : i32
        %mul3A_2461 = arith.muli %scan3A_127, %mul3A_2460 : i32
        %get3A_2462 = arith.constant 115 : i32
        %get3A_2463 = arith.index_cast %rem3A_83 : i32 to index
        %get3A_2464 = arith.index_cast %get3A_2462 : i32 to index
        %get3A_2465 = arith.index_cast %mul3A_2461 : i32 to index
        %get3A_2466 = tpu.vector_load %arg5[%get3A_2463, %get3A_2464, %get3A_2465] {strides = array<i32>} : memref<2x128x256xf32, #tpu.memory_space<vmem>>, vector<16xf32>,
        %mul3A_2467 = arith.mulf %get3A_2466, %mul3A_1312 : vector<16xf32>
        %mul3A_2468 = arith.constant 16 : i32
        %mul3A_2469 = arith.muli %scan3A_127, %mul3A_2468 : i32
        %get3A_2470 = arith.constant 116 : i32
        %get3A_2471 = arith.index_cast %rem3A_83 : i32 to index
        %get3A_2472 = arith.index_cast %get3A_2470 : i32 to index
        %get3A_2473 = arith.index_cast %mul3A_2469 : i32 to index
        %get3A_2474 = tpu.vector_load %arg5[%get3A_2471, %get3A_2472, %get3A_2473] {strides = array<i32>} : memref<2x128x256xf32, #tpu.memory_space<vmem>>, vector<16xf32>,
        %mul3A_2475 = arith.mulf %get3A_2474, %mul3A_1312 : vector<16xf32>
        %mul3A_2476 = arith.constant 16 : i32
        %mul3A_2477 = arith.muli %scan3A_127, %mul3A_2476 : i32
        %get3A_2478 = arith.constant 117 : i32
        %get3A_2479 = arith.index_cast %rem3A_83 : i32 to index
        %get3A_2480 = arith.index_cast %get3A_2478 : i32 to index
        %get3A_2481 = arith.index_cast %mul3A_2477 : i32 to index
        %get3A_2482 = tpu.vector_load %arg5[%get3A_2479, %get3A_2480, %get3A_2481] {strides = array<i32>} : memref<2x128x256xf32, #tpu.memory_space<vmem>>, vector<16xf32>,
        %mul3A_2483 = arith.mulf %get3A_2482, %mul3A_1312 : vector<16xf32>
        %mul3A_2484 = arith.constant 16 : i32
        %mul3A_2485 = arith.muli %scan3A_127, %mul3A_2484 : i32
        %get3A_2486 = arith.constant 118 : i32
        %get3A_2487 = arith.index_cast %rem3A_83 : i32 to index
        %get3A_2488 = arith.index_cast %get3A_2486 : i32 to index
        %get3A_2489 = arith.index_cast %mul3A_2485 : i32 to index
        %get3A_2490 = tpu.vector_load %arg5[%get3A_2487, %get3A_2488, %get3A_2489] {strides = array<i32>} : memref<2x128x256xf32, #tpu.memory_space<vmem>>, vector<16xf32>,
        %mul3A_2491 = arith.mulf %get3A_2490, %mul3A_1312 : vector<16xf32>
        %mul3A_2492 = arith.constant 16 : i32
        %mul3A_2493 = arith.muli %scan3A_127, %mul3A_2492 : i32
        %get3A_2494 = arith.constant 119 : i32
        %get3A_2495 = arith.index_cast %rem3A_83 : i32 to index
        %get3A_2496 = arith.index_cast %get3A_2494 : i32 to index
        %get3A_2497 = arith.index_cast %mul3A_2493 : i32 to index
        %get3A_2498 = tpu.vector_load %arg5[%get3A_2495, %get3A_2496, %get3A_2497] {strides = array<i32>} : memref<2x128x256xf32, #tpu.memory_space<vmem>>, vector<16xf32>,
        %mul3A_2499 = arith.mulf %get3A_2498, %mul3A_1312 : vector<16xf32>
        %scatter3A_2500 = arith.constant 35840 : i32
        %scatter3A_2501 = tpu.memref_slice %arg7[%scatter3A_2500] : memref<40960xf32, #tpu.memory_space<vmem>> -> memref<320xf32, #tpu.memory_space<vmem>>
        tpu.vector_store_idx %scatter3A_2501[%add3A_1316], %mul3A_2443 {add = true} : memref<320xf32, #tpu.memory_space<vmem>>[vector<16xi32>], vector<16xf32>,
        %scatter3A_2502 = arith.constant 36160 : i32
        %scatter3A_2503 = tpu.memref_slice %arg7[%scatter3A_2502] : memref<40960xf32, #tpu.memory_space<vmem>> -> memref<320xf32, #tpu.memory_space<vmem>>
        tpu.vector_store_idx %scatter3A_2503[%add3A_1316], %mul3A_2451 {add = true} : memref<320xf32, #tpu.memory_space<vmem>>[vector<16xi32>], vector<16xf32>,
        %scatter3A_2504 = arith.constant 36480 : i32
        %scatter3A_2505 = tpu.memref_slice %arg7[%scatter3A_2504] : memref<40960xf32, #tpu.memory_space<vmem>> -> memref<320xf32, #tpu.memory_space<vmem>>
        tpu.vector_store_idx %scatter3A_2505[%add3A_1316], %mul3A_2459 {add = true} : memref<320xf32, #tpu.memory_space<vmem>>[vector<16xi32>], vector<16xf32>,
        %scatter3A_2506 = arith.constant 36800 : i32
        %scatter3A_2507 = tpu.memref_slice %arg7[%scatter3A_2506] : memref<40960xf32, #tpu.memory_space<vmem>> -> memref<320xf32, #tpu.memory_space<vmem>>
        tpu.vector_store_idx %scatter3A_2507[%add3A_1316], %mul3A_2467 {add = true} : memref<320xf32, #tpu.memory_space<vmem>>[vector<16xi32>], vector<16xf32>,
        %scatter3A_2508 = arith.constant 37120 : i32
        %scatter3A_2509 = tpu.memref_slice %arg7[%scatter3A_2508] : memref<40960xf32, #tpu.memory_space<vmem>> -> memref<320xf32, #tpu.memory_space<vmem>>
        tpu.vector_store_idx %scatter3A_2509[%add3A_1316], %mul3A_2475 {add = true} : memref<320xf32, #tpu.memory_space<vmem>>[vector<16xi32>], vector<16xf32>,
        %scatter3A_2510 = arith.constant 37440 : i32
        %scatter3A_2511 = tpu.memref_slice %arg7[%scatter3A_2510] : memref<40960xf32, #tpu.memory_space<vmem>> -> memref<320xf32, #tpu.memory_space<vmem>>
        tpu.vector_store_idx %scatter3A_2511[%add3A_1316], %mul3A_2483 {add = true} : memref<320xf32, #tpu.memory_space<vmem>>[vector<16xi32>], vector<16xf32>,
        %scatter3A_2512 = arith.constant 37760 : i32
        %scatter3A_2513 = tpu.memref_slice %arg7[%scatter3A_2512] : memref<40960xf32, #tpu.memory_space<vmem>> -> memref<320xf32, #tpu.memory_space<vmem>>
        tpu.vector_store_idx %scatter3A_2513[%add3A_1316], %mul3A_2491 {add = true} : memref<320xf32, #tpu.memory_space<vmem>>[vector<16xi32>], vector<16xf32>,
        %scatter3A_2514 = arith.constant 38080 : i32
        %scatter3A_2515 = tpu.memref_slice %arg7[%scatter3A_2514] : memref<40960xf32, #tpu.memory_space<vmem>> -> memref<320xf32, #tpu.memory_space<vmem>>
        tpu.vector_store_idx %scatter3A_2515[%add3A_1316], %mul3A_2499 {add = true} : memref<320xf32, #tpu.memory_space<vmem>>[vector<16xi32>], vector<16xf32>,
        %mul3A_2516 = arith.constant 16 : i32
        %mul3A_2517 = arith.muli %scan3A_127, %mul3A_2516 : i32
        %get3A_2518 = arith.constant 120 : i32
        %get3A_2519 = arith.index_cast %rem3A_83 : i32 to index
        %get3A_2520 = arith.index_cast %get3A_2518 : i32 to index
        %get3A_2521 = arith.index_cast %mul3A_2517 : i32 to index
        %get3A_2522 = tpu.vector_load %arg5[%get3A_2519, %get3A_2520, %get3A_2521] {strides = array<i32>} : memref<2x128x256xf32, #tpu.memory_space<vmem>>, vector<16xf32>,
        %mul3A_2523 = arith.mulf %get3A_2522, %mul3A_1312 : vector<16xf32>
        %mul3A_2524 = arith.constant 16 : i32
        %mul3A_2525 = arith.muli %scan3A_127, %mul3A_2524 : i32
        %get3A_2526 = arith.constant 121 : i32
        %get3A_2527 = arith.index_cast %rem3A_83 : i32 to index
        %get3A_2528 = arith.index_cast %get3A_2526 : i32 to index
        %get3A_2529 = arith.index_cast %mul3A_2525 : i32 to index
        %get3A_2530 = tpu.vector_load %arg5[%get3A_2527, %get3A_2528, %get3A_2529] {strides = array<i32>} : memref<2x128x256xf32, #tpu.memory_space<vmem>>, vector<16xf32>,
        %mul3A_2531 = arith.mulf %get3A_2530, %mul3A_1312 : vector<16xf32>
        %mul3A_2532 = arith.constant 16 : i32
        %mul3A_2533 = arith.muli %scan3A_127, %mul3A_2532 : i32
        %get3A_2534 = arith.constant 122 : i32
        %get3A_2535 = arith.index_cast %rem3A_83 : i32 to index
        %get3A_2536 = arith.index_cast %get3A_2534 : i32 to index
        %get3A_2537 = arith.index_cast %mul3A_2533 : i32 to index
        %get3A_2538 = tpu.vector_load %arg5[%get3A_2535, %get3A_2536, %get3A_2537] {strides = array<i32>} : memref<2x128x256xf32, #tpu.memory_space<vmem>>, vector<16xf32>,
        %mul3A_2539 = arith.mulf %get3A_2538, %mul3A_1312 : vector<16xf32>
        %mul3A_2540 = arith.constant 16 : i32
        %mul3A_2541 = arith.muli %scan3A_127, %mul3A_2540 : i32
        %get3A_2542 = arith.constant 123 : i32
        %get3A_2543 = arith.index_cast %rem3A_83 : i32 to index
        %get3A_2544 = arith.index_cast %get3A_2542 : i32 to index
        %get3A_2545 = arith.index_cast %mul3A_2541 : i32 to index
        %get3A_2546 = tpu.vector_load %arg5[%get3A_2543, %get3A_2544, %get3A_2545] {strides = array<i32>} : memref<2x128x256xf32, #tpu.memory_space<vmem>>, vector<16xf32>,
        %mul3A_2547 = arith.mulf %get3A_2546, %mul3A_1312 : vector<16xf32>
        %mul3A_2548 = arith.constant 16 : i32
        %mul3A_2549 = arith.muli %scan3A_127, %mul3A_2548 : i32
        %get3A_2550 = arith.constant 124 : i32
        %get3A_2551 = arith.index_cast %rem3A_83 : i32 to index
        %get3A_2552 = arith.index_cast %get3A_2550 : i32 to index
        %get3A_2553 = arith.index_cast %mul3A_2549 : i32 to index
        %get3A_2554 = tpu.vector_load %arg5[%get3A_2551, %get3A_2552, %get3A_2553] {strides = array<i32>} : memref<2x128x256xf32, #tpu.memory_space<vmem>>, vector<16xf32>,
        %mul3A_2555 = arith.mulf %get3A_2554, %mul3A_1312 : vector<16xf32>
        %mul3A_2556 = arith.constant 16 : i32
        %mul3A_2557 = arith.muli %scan3A_127, %mul3A_2556 : i32
        %get3A_2558 = arith.constant 125 : i32
        %get3A_2559 = arith.index_cast %rem3A_83 : i32 to index
        %get3A_2560 = arith.index_cast %get3A_2558 : i32 to index
        %get3A_2561 = arith.index_cast %mul3A_2557 : i32 to index
        %get3A_2562 = tpu.vector_load %arg5[%get3A_2559, %get3A_2560, %get3A_2561] {strides = array<i32>} : memref<2x128x256xf32, #tpu.memory_space<vmem>>, vector<16xf32>,
        %mul3A_2563 = arith.mulf %get3A_2562, %mul3A_1312 : vector<16xf32>
        %mul3A_2564 = arith.constant 16 : i32
        %mul3A_2565 = arith.muli %scan3A_127, %mul3A_2564 : i32
        %get3A_2566 = arith.constant 126 : i32
        %get3A_2567 = arith.index_cast %rem3A_83 : i32 to index
        %get3A_2568 = arith.index_cast %get3A_2566 : i32 to index
        %get3A_2569 = arith.index_cast %mul3A_2565 : i32 to index
        %get3A_2570 = tpu.vector_load %arg5[%get3A_2567, %get3A_2568, %get3A_2569] {strides = array<i32>} : memref<2x128x256xf32, #tpu.memory_space<vmem>>, vector<16xf32>,
        %mul3A_2571 = arith.mulf %get3A_2570, %mul3A_1312 : vector<16xf32>
        %mul3A_2572 = arith.constant 16 : i32
        %mul3A_2573 = arith.muli %scan3A_127, %mul3A_2572 : i32
        %get3A_2574 = arith.constant 127 : i32
        %get3A_2575 = arith.index_cast %rem3A_83 : i32 to index
        %get3A_2576 = arith.index_cast %get3A_2574 : i32 to index
        %get3A_2577 = arith.index_cast %mul3A_2573 : i32 to index
        %get3A_2578 = tpu.vector_load %arg5[%get3A_2575, %get3A_2576, %get3A_2577] {strides = array<i32>} : memref<2x128x256xf32, #tpu.memory_space<vmem>>, vector<16xf32>,
        %mul3A_2579 = arith.mulf %get3A_2578, %mul3A_1312 : vector<16xf32>
        %scatter3A_2580 = arith.constant 38400 : i32
        %scatter3A_2581 = tpu.memref_slice %arg7[%scatter3A_2580] : memref<40960xf32, #tpu.memory_space<vmem>> -> memref<320xf32, #tpu.memory_space<vmem>>
        tpu.vector_store_idx %scatter3A_2581[%add3A_1316], %mul3A_2523 {add = true} : memref<320xf32, #tpu.memory_space<vmem>>[vector<16xi32>], vector<16xf32>,
        %scatter3A_2582 = arith.constant 38720 : i32
        %scatter3A_2583 = tpu.memref_slice %arg7[%scatter3A_2582] : memref<40960xf32, #tpu.memory_space<vmem>> -> memref<320xf32, #tpu.memory_space<vmem>>
        tpu.vector_store_idx %scatter3A_2583[%add3A_1316], %mul3A_2531 {add = true} : memref<320xf32, #tpu.memory_space<vmem>>[vector<16xi32>], vector<16xf32>,
        %scatter3A_2584 = arith.constant 39040 : i32
        %scatter3A_2585 = tpu.memref_slice %arg7[%scatter3A_2584] : memref<40960xf32, #tpu.memory_space<vmem>> -> memref<320xf32, #tpu.memory_space<vmem>>
        tpu.vector_store_idx %scatter3A_2585[%add3A_1316], %mul3A_2539 {add = true} : memref<320xf32, #tpu.memory_space<vmem>>[vector<16xi32>], vector<16xf32>,
        %scatter3A_2586 = arith.constant 39360 : i32
        %scatter3A_2587 = tpu.memref_slice %arg7[%scatter3A_2586] : memref<40960xf32, #tpu.memory_space<vmem>> -> memref<320xf32, #tpu.memory_space<vmem>>
        tpu.vector_store_idx %scatter3A_2587[%add3A_1316], %mul3A_2547 {add = true} : memref<320xf32, #tpu.memory_space<vmem>>[vector<16xi32>], vector<16xf32>,
        %scatter3A_2588 = arith.constant 39680 : i32
        %scatter3A_2589 = tpu.memref_slice %arg7[%scatter3A_2588] : memref<40960xf32, #tpu.memory_space<vmem>> -> memref<320xf32, #tpu.memory_space<vmem>>
        tpu.vector_store_idx %scatter3A_2589[%add3A_1316], %mul3A_2555 {add = true} : memref<320xf32, #tpu.memory_space<vmem>>[vector<16xi32>], vector<16xf32>,
        %scatter3A_2590 = arith.constant 40000 : i32
        %scatter3A_2591 = tpu.memref_slice %arg7[%scatter3A_2590] : memref<40960xf32, #tpu.memory_space<vmem>> -> memref<320xf32, #tpu.memory_space<vmem>>
        tpu.vector_store_idx %scatter3A_2591[%add3A_1316], %mul3A_2563 {add = true} : memref<320xf32, #tpu.memory_space<vmem>>[vector<16xi32>], vector<16xf32>,
        %scatter3A_2592 = arith.constant 40320 : i32
        %scatter3A_2593 = tpu.memref_slice %arg7[%scatter3A_2592] : memref<40960xf32, #tpu.memory_space<vmem>> -> memref<320xf32, #tpu.memory_space<vmem>>
        tpu.vector_store_idx %scatter3A_2593[%add3A_1316], %mul3A_2571 {add = true} : memref<320xf32, #tpu.memory_space<vmem>>[vector<16xi32>], vector<16xf32>,
        %scatter3A_2594 = arith.constant 40640 : i32
        %scatter3A_2595 = tpu.memref_slice %arg7[%scatter3A_2594] : memref<40960xf32, #tpu.memory_space<vmem>> -> memref<320xf32, #tpu.memory_space<vmem>>
        tpu.vector_store_idx %scatter3A_2595[%add3A_1316], %mul3A_2579 {add = true} : memref<320xf32, #tpu.memory_space<vmem>>[vector<16xi32>], vector<16xf32>,
        %scan3A_2596 = arith.constant 0 : i32
        scf.yield %scan3A_2596 : i32
      }
      %scan3A_125 = arith.constant 16 : i32
      %scan3A_126 = arith.constant 0 : i32
      scf.yield %scan3A_126 : i32
    }
    %scan3A_79 = arith.constant 32 : i32
    "tpu.region"() ({
      %run_scoped3A = tpu.sem_alloc : memref<!tpu.dma_semaphore, #tpu.memory_space<semaphore_mem>>
      %dma_start3A_80 = arith.constant 0 : i32
      %dma_start3A_81 = tpu.memref_slice %arg4[%add3A, %dma_start3A_80] : memref<32x40960xf32, #tpu.memory_space<hbm>> -> memref<1x40960xf32, #tpu.memory_space<hbm>>
      %dma_start3A_82 = tpu.memref_squeeze %dma_start3A_81 : memref<1x40960xf32, #tpu.memory_space<hbm>> -> memref<40960xf32, #tpu.memory_space<hbm>>
      %dma_start3A_83 = arith.constant 0 : i32
      %dma_start3A_84 = tpu.memref_slice %arg4[%add3A, %dma_start3A_83] : memref<32x40960xf32, #tpu.memory_space<hbm>> -> memref<1x40960xf32, #tpu.memory_space<hbm>>
      %dma_start3A_85 = tpu.memref_squeeze %dma_start3A_84 : memref<1x40960xf32, #tpu.memory_space<hbm>> -> memref<40960xf32, #tpu.memory_space<hbm>>
      tpu.enqueue_dma source(%arg7 : memref<40960xf32, #tpu.memory_space<vmem>>) target(%dma_start3A_85 : memref<40960xf32, #tpu.memory_space<hbm>>) target_semaphore(%run_scoped3A : memref<!tpu.dma_semaphore, #tpu.memory_space<semaphore_mem>>)
      %dma_wait3A = arith.constant 0 : i32
      %dma_wait3A_86 = tpu.memref_slice %arg4[%add3A, %dma_wait3A] : memref<32x40960xf32, #tpu.memory_space<hbm>> -> memref<1x40960xf32, #tpu.memory_space<hbm>>
      %dma_wait3A_87 = tpu.memref_squeeze %dma_wait3A_86 : memref<1x40960xf32, #tpu.memory_space<hbm>> -> memref<40960xf32, #tpu.memory_space<hbm>>
      %dma_wait3A_88 = arith.constant 0 : i32
      %dma_wait3A_89 = tpu.memref_slice %arg4[%add3A, %dma_wait3A_88] : memref<32x40960xf32, #tpu.memory_space<hbm>> -> memref<1x40960xf32, #tpu.memory_space<hbm>>
      %dma_wait3A_90 = tpu.memref_squeeze %dma_wait3A_89 : memref<1x40960xf32, #tpu.memory_space<hbm>> -> memref<40960xf32, #tpu.memory_space<hbm>>
      tpu.wait_dma2 semaphore(%run_scoped3A : memref<!tpu.dma_semaphore, #tpu.memory_space<semaphore_mem>>) src(%arg7 : memref<40960xf32, #tpu.memory_space<vmem>>) dst(%dma_wait3A_90 : memref<40960xf32, #tpu.memory_space<hbm>>)
      tpu.yield
    }) : () -> ()
    return
  }
}

module attributes {stable_mosaic.version = 14 : i64} {
  func.func @body(%arg0: memref<32x128x320xf32, #tpu.memory_space<vmem>>, %arg1: memref<128x20xf32, #tpu.memory_space<vmem>>) attributes {dimension_semantics = [], scalar_prefetch = 0 : i64, scratch_operands = 0 : i64, tpu.core_type = #tpu.core_type<tc>} {
    %get3A = arith.constant 0 : index
    %get3A_0 = arith.constant 0 : index
    %get3A_1 = arith.constant 0 : index
    %get3A_2 = vector.load %arg0[%get3A, %get3A_0, %get3A_1] : memref<32x128x320xf32, #tpu.memory_space<vmem>>, vector<32x128x320xf32>
    %reduce_sum3A = arith.constant dense<0.000000e+00> : vector<128x320xf32>
    %reduce_sum3A_3 = vector.multi_reduction <add>, %get3A_2, %reduce_sum3A [0] : vector<32x128x320xf32> to vector<128x320xf32>
    %iota3A = tpu.iota {dimensions = array<i32: 0>} : vector<320x20xi32>
    %iota3A_4 = tpu.iota {dimensions = array<i32: 1>} : vector<320x20xi32>
    %shift_right_logical3A = arith.constant 4 : i32
    %shift_right_logical3A_5 = vector.broadcast %shift_right_logical3A : i32 to vector<320x20xi32>
    %shift_right_logical3A_6 = arith.shrui %iota3A, %shift_right_logical3A_5 : vector<320x20xi32>
    %eq3A = arith.cmpi eq, %shift_right_logical3A_6, %iota3A_4 : vector<320x20xi32>
    %jit3A = arith.constant 1.000000e+00 : f32
    %jit3A_7 = arith.constant 0.000000e+00 : f32
    %broadcast_in_dim3A = vector.broadcast %jit3A : f32 to vector<320x20xf32>
    %broadcast_in_dim3A_8 = vector.broadcast %jit3A_7 : f32 to vector<320x20xf32>
    %select_n3A = arith.select %eq3A, %broadcast_in_dim3A, %broadcast_in_dim3A_8 : vector<320x20xi1>, vector<320x20xf32>
    %dot_general3A = arith.constant dense<0.000000e+00> : vector<128x20xf32>
    %dot_general3A_9 = tpu.matmul %reduce_sum3A_3, %select_n3A, %dot_general3A {dimension_numbers = #tpu.dot_dimension_numbers<[1], [0], [0], [1], [0, 0, 1, 1], [], []>, transpose_lhs_hint = false} : vector<128x320xf32>, vector<320x20xf32>, vector<128x20xf32> -> vector<128x20xf32>
    %mul3A = arith.mulf %dot_general3A_9, %dot_general3A_9 : vector<128x20xf32>
    %reduce_sum3A_10 = arith.constant dense<0.000000e+00> : vector<20xf32>
    %reduce_sum3A_11 = vector.multi_reduction <add>, %mul3A, %reduce_sum3A_10 [0] : vector<128x20xf32> to vector<20xf32>
    %broadcast_in_dim3A_12 = vector.shape_cast %reduce_sum3A_11 : vector<20xf32> to vector<1x20xf32>
    %sqrt3A = math.sqrt %broadcast_in_dim3A_12 : vector<1x20xf32>
    %max3A = arith.constant 9.99999996E-13 : f32
    %max3A_13 = vector.broadcast %max3A : f32 to vector<1x20xf32>
    %max3A_14 = arith.maximumf %sqrt3A, %max3A_13 : vector<1x20xf32>
    %div3A = vector.broadcast %max3A_14 : vector<1x20xf32> to vector<128x20xf32>
    %div3A_15 = arith.divf %dot_general3A_9, %div3A : vector<128x20xf32>
    %swap3A = arith.constant 0 : index
    %swap3A_16 = arith.constant 0 : index
    %swap3A_17 = vector.load %arg1[%swap3A, %swap3A_16] : memref<128x20xf32, #tpu.memory_space<vmem>>, vector<128x20xf32>
    tpu.vector_store %arg1[%swap3A, %swap3A_16], %div3A_15 {strides = array<i32>} : memref<128x20xf32, #tpu.memory_space<vmem>>, vector<128x20xf32>,
    return
  }
}

</mosaic_0001>

<sc_bundles>
// kernel: kernel.4.cloned.1.call-start
scs
__scs_entry_jumppad:
0x0: {  	(pc) =	sbr.rel $0x88, $3  }
0x1: {  	(tag) =	ssettag $0x0;
	lr =	simm.s32 $0x1  }
0x2: {  	[smem:$0x3F9F] =	sst lr;
	_ =	strace $0xD0000000  }
0x3: {  	_ = 	snop  }
0x4: {  	_ = 	snop  }
0x5: {  	_ = 	snop  }
0x6: {  	_ = 	snop  }
0x7: {  	_ = 	snop  }
__scs_overlays_trampoline_lowered:
0x8: {  	[smem:$0x3FAE] =	sst s0  }
0x9: {  	[smem:$0x3FAF] =	sst s1  }
0xa: {  	[smem:$0x3FB0] =	sst s2  }
0xb: {  	[smem:$0x3FB1] =	sst s3  }
0xc: {  	[smem:$0x3FB2] =	sst s4  }
0xd: {  	[smem:$0x3FB3] =	sst s5  }
0xe: {  	[smem:$0x3FB4] =	sst s6  }
0xf: {  	[smem:$0x3FB5] =	sst s7  }
0x10: {  	[smem:$0x3FB6] =	sst s8  }
0x11: {  	[smem:$0x3FB7] =	sst s9;
	s0 =	simm.s32 @!p0 $0x0  }
0x12: {  	s1 =	sld [smem:$0x3F9D];
	s0 =	simm.s32 @p0 $0x1  }
0x13: {  	[smem:$0x3FB8] =	sst s0;
	s0 =	simm.s32 @!p1 $0x0  }
0x14: {  	s2 =	sld [smem:$0x3F9C];
	s0 =	simm.s32 @p1 $0x1  }
0x15: {  	[smem:$0x3FB9] =	sst s0;
	s0 =	simm.s32 @!p2 $0x0  }
0x16: {  	s3 =	sld [smem:$0x3FDB];
	s0 =	simm.s32 @p2 $0x1  }
0x17: {  	s4 =	simm.s32 $0x1BF5;
	[smem:$0x3FBB] =	sst s0  }
0x18: {  	s0 =	sld [smem:$0x3F9E];
	_ =	swait.ge [sflag:s4], $0x0  }
0x19: {  	s7 =	sld [smem:$0x3F9F]  }
0x1a: {  	s8 =	sadd.s32 $0xFFFFE003, lr  }
0x1b: {  	s9 =	sadd.s32 $0xFFFFFEF7, lr;
	s5 =	simm.s32 $0xFFFFFFFF;
	p2 =	slt.u32 s8, $0xFFFFF086  }
0x1c: {  	p1 =	slt.u32 s9, $0xF7A;
	s5 =	simm.s32 @!p2 $0x0  }
0x1d: {  	s5 =	simm.s32 @p1 $0x1;
	p0 =	seq.s32 s7, s2  }
0x1e: {  	s7 =	smul.u32 @!p0 $0xF7A, s2;
	p2 =	seq.s32 @!p0 s5, $0x0  }
0x1f: {  	s9 =	smul.u32 $0xF7A, s1;
	s8 =	simm.s32 @!p0 $0x1BF5;
	p2 =	por !p2, p0  }
0x20: {  	[sflag:s8] =	ssyncset.s32 @!p0 $0xFFFFF086;
	s6 =	sadd.s32 @!p0 s3, s7;
	s7 =	simm.s32 @!p0 $0x108  }
0x21: {  	s3 =	sadd.s32 s3, s9;
	s6 =	sadd.s32 @!p0 $0x88, s6;
	s7 =	simm.s32 @p2 $0x1082  }
0x22: {  	[simem:s7], [sflag:s8] =	dma.local @!p0 [hbm:s6], $0xF7A  }
0x23: {  	s9 =	sor.u32 $0xD0000000, s2;
	s6 =	simm.s32 $0x108;
	_ =	swait.ge @!p0 [sflag:s8], $0x0  }
0x24: {  	s3 =	sadd.s32 $0x88, s3;
	s6 =	simm.s32 @!p1 $0x1082;
	[sflag:s4] =	ssyncset.s32 $0xFFFFF086  }
0x25: {  	[simem:s6], [sflag:s4] =	dma.local [hbm:s3], $0xF7A  }
0x26: {  	[smem:$0x3F9F] =	sst s1;
	(tag) =	ssettag s2;
	_ =	strace s9  }
0x27: {  	s1 =	sld [smem:$0x3FAF]  }
0x28: {  	s2 =	sld [smem:$0x3FB0]  }
0x29: {  	s4 =	sld [smem:$0x3FB2]  }
0x2a: {  	p0 =	seq.s32 s5, $0x0;
	s5 =	sld [smem:$0x3FB3]  }
0x2b: {  	s6 =	sld [smem:$0x3FB4]  }
0x2c: {  	s7 =	sld [smem:$0x3FB5]  }
0x2d: {  	s3 =	simm.s32 $0x108;
	s8 =	sld [smem:$0x3FB6]  }
0x2e: {  	s3 =	simm.s32 @!p0 $0x1082;
	s9 =	sld [smem:$0x3FB7]  }
0x2f: {  	lr =	sadd.s32 s0, s3;
	s0 =	sld [smem:$0x3FAE]  }
0x30: {  	s3 =	sld [smem:$0x3FB1]  }
0x31: {  	[smem:$0x3FBA] =	sst s10  }
0x32: {  	s10 =	sld [smem:$0x3FB8];
	_ =	sdelay $0x3  }
0x33: {  	p0 =	seq.s32 s10, $0x1;
	s10 =	sld [smem:$0x3FBA];
	_ =	sdelay $0x3  }
0x34: {  	[smem:$0x3FBA] =	sst s10  }
0x35: {  	s10 =	sld [smem:$0x3FB9];
	_ =	sdelay $0x3  }
0x36: {  	p1 =	seq.s32 s10, $0x1;
	s10 =	sld [smem:$0x3FBA];
	_ =	sdelay $0x3  }
0x37: {  	[smem:$0x3FBA] =	sst s10  }
0x38: {  	s10 =	sld [smem:$0x3FBB]  }
0x39: {  	_ = 	snop;
	(pc) =	sbr.ind lr, $3  }
0x3a: {  	_ = 	snop  }
0x3b: {  	_ = 	snop  }
0x3c: {  	p2 =	seq.s32 s10, $0x1;
	s10 =	sld [smem:$0x3FBA]  }
0x3d: {  	_ =	shalt  }
0x3e: {  	_ =	shalt  }
0x3f: {  	_ =	shalt  }
0x40: {  	_ =	shalt  }
0x41: {  	_ =	shalt  }
0x42: {  	_ =	shalt  }
0x43: {  	_ =	shalt  }
0x44: {  	_ =	shalt  }
0x45: {  	_ =	shalt  }
0x46: {  	_ =	shalt  }
0x47: {  	_ =	shalt  }
0x48: {  	_ =	shalt  }
0x49: {  	_ =	shalt  }
0x4a: {  	_ =	shalt  }
0x4b: {  	_ =	shalt  }
0x4c: {  	_ =	shalt  }
0x4d: {  	_ =	shalt  }
0x4e: {  	_ =	shalt  }
0x4f: {  	_ =	shalt  }
0x50: {  	_ =	shalt  }
0x51: {  	_ =	shalt  }
0x52: {  	_ =	shalt  }
0x53: {  	_ =	shalt  }
0x54: {  	_ =	shalt  }
0x55: {  	_ =	shalt  }
0x56: {  	_ =	shalt  }
0x57: {  	_ =	shalt  }
0x58: {  	_ =	shalt  }
0x59: {  	_ =	shalt  }
0x5a: {  	_ =	shalt  }
0x5b: {  	_ =	shalt  }
0x5c: {  	_ =	shalt  }
0x5d: {  	_ =	shalt  }
0x5e: {  	_ =	shalt  }
0x5f: {  	_ =	shalt  }
0x60: {  	_ =	shalt  }
0x61: {  	_ =	shalt  }
0x62: {  	_ =	shalt  }
0x63: {  	_ =	shalt  }
0x64: {  	_ =	shalt  }
0x65: {  	_ =	shalt  }
0x66: {  	_ =	shalt  }
0x67: {  	_ =	shalt  }
0x68: {  	_ =	shalt  }
0x69: {  	_ =	shalt  }
0x6a: {  	_ =	shalt  }
0x6b: {  	_ =	shalt  }
0x6c: {  	_ =	shalt  }
0x6d: {  	_ =	shalt  }
0x6e: {  	_ =	shalt  }
0x6f: {  	_ =	shalt  }
0x70: {  	_ =	shalt  }
0x71: {  	_ =	shalt  }
0x72: {  	_ =	shalt  }
0x73: {  	_ =	shalt  }
0x74: {  	_ =	shalt  }
0x75: {  	_ =	shalt  }
0x76: {  	_ =	shalt  }
0x77: {  	_ =	shalt  }
0x78: {  	_ =	shalt  }
0x79: {  	_ =	shalt  }
0x7a: {  	_ =	shalt  }
0x7b: {  	_ =	shalt  }
0x7c: {  	_ =	shalt  }
0x7d: {  	_ =	shalt  }
0x7e: {  	_ =	shalt  }
0x7f: {  	_ =	shalt  }
0x80: {  	_ =	shalt  }
0x81: {  	_ =	shalt  }
0x82: {  	_ =	shalt  }
0x83: {  	_ =	shalt  }
0x84: {  	_ =	shalt  }
0x85: {  	_ =	shalt  }
0x86: {  	_ =	shalt  }
0x87: {  	_ =	shalt  }
.Lfunc_end0:
.L_simem_size_0:
called_computation_lowered:
.L_overlay_start_0:
0x88: {  	s2 =	sld [smem:$0x3FD9]  }
0x89: {  	s3 =	sld [smem:$0x3FFE];
	_ =	sdelay $0x1  }
0x8a: {  	s1 =	srdreg.scid  }
0x8b: {  	s0 =	sand.u32 $0x1, s1  }
0x8c: {  	s16 =	sshll.u32 s0, $0xA;
	s2 =	sadd.s32 s3, s2  }
0x8d: {  	s2 =	sadd.s32 s2, s16  }
0x8e: {  	[smem:$0x3FC6] =	sst s2  }
0x8f: {  	_ = 	snop  }
0x90: {  	(tm) =	ssettm $0x1  }
0x91: {  	s17 =	sld [smem:$0x3FFB];
	_ =	sdelay $0x3  }
0x92: {  	_ =	strace s17  }
0x93: {  	s2 =	sld [smem:$0x3FFC];
	_ =	sdelay $0x3  }
0x94: {  	_ =	strace s2  }
0x95: {  	s2 =	sld [smem:$0x3FFD];
	_ =	sdelay $0x3  }
0x96: {  	_ =	strace s2  }
0x97: {  	_ =	strace $0x8FFFFFFF  }
0x98: {  	s18 =	sld [smem:$0x3FDB];
	_ =	sdelay $0x1  }
0x99: {  	s19 =	simm.s32 $_scs_section_size  }
0x9a: {  	s4 =	simm.s32 $_size__tile_overlayer_lowered;
	s5 =	simm.s32 $_tile_overlayer_lowered  }
0x9b: {  	s22 =	simm.s32 $0x1BFF;
	s21 =	sshll.u32 s5, $0x1;
	s2 =	sadd.s32 s19, s18  }
0x9c: {  	s6 =	simm.s32 $0x0;
	s20 =	sshll.u32 s4, $0x1;
	s4 =	sadd.s32 s21, s2  }
0x9d: {  	[timem:s6], [sflag:s22] =	dma.local [hbm:s4], s20  }
0x9e: {  	_ =	swait.ge [sflag:s22], s20  }
0x9f: {  	s3 =	ssub.s32 $0x0, s20;
	[sflag:s22] =	ssyncset.done $0x0  }
0xa0: {  	[sflag:s22] =	ssyncadd.s32 s3;
	_ =	sdelay $0x1  }
0xa1: {  	s23 =	simm.s32 $0x1B8B  }
0xa2: {  	_ =	swait.ge [sflag:s23], $0x1  }
0xa3: {  	[sflag:s23] =	ssyncset.done $0x0  }
0xa4: {  	s25 =	simm.s32 $0x1B8E;
	s24 =	sld [smem:$0x3FFE];
	[sflag:s23] =	ssyncadd.s32 $0xFFFFFFFF  }
0xa5: {  	s26 =	simm.s32 $execute0_lowered;
	[smem:$0x3FD2] =	sst s25  }
0xa6: {  	s4 =	sshll.u32 s26, $0x1;
	_ =	strace $0x80000046;
	[dreg:$0x1] =	wrdreg $0xFFFFFFFF  }
0xa7: {  	s28 =	simm.s32 $_size_execute0_lowered;
	s2 =	sadd.s32 s2, s4;
	[dreg:$0x0] =	wrdreg $0x0  }
0xa8: {  	s4 =	sshll.u32 s28, $0x1;
	[dreg:$0x2] =	wrdreg s2  }
0xa9: {  	[dreg:$0x3] =	wrdreg s4  }
0xaa: {  	[dreg:$0x4] =	wrdreg $0xC0  }
0xab: {  	_ =	task [dreg:s6], $0x5FFFF  }
0xac: {  	[dreg:$0x1] =	wrdreg $0xFFFFFFFF  }
0xad: {  	[dreg:$0x0] =	wrdreg $0x60  }
0xae: {  	[dreg:$0x2] =	wrdreg s24  }
0xaf: {  	[dreg:$0x3] =	wrdreg $0x9  }
0xb0: {  	_ =	task.clear_ibuf [dreg:s6], $0x4FFFF;
	_ =	strace $0x90000046  }
0xb1: {  	s29 =	simm.s32 $0x9;
	_ =	strace $0x80000048  }
0xb2: {  	_ =	swait.ge [sflag:s29], $0x1  }
0xb3: {  	[sflag:s29] =	ssyncadd.s32 $0xFFFFFFFF  }
0xb4: {  	_ =	strace $0x90000048  }
0xb5: {  	_ =	sfence  }
0xb6: {  	s30 =	sld [smem:$0x0];
	_ =	sdelay $0x2  }
0xb7: {  	s31 =	sshll.u32 s1, $0xD;
	s1 =	sshrl.u32 s1, $0x2  }
0xb8: {  	s3 =	sand.u32 $0x4000, s31;
	s1 =	sadd.s32 s1, s30  }
0xb9: {  	s0 =	sor.u32 s3, s0;
	s1 =	sshll.u32 s1, $0x11  }
0xba: {  	s0 =	sor.u32 s1, s0  }
0xbb: {  	s0 =	sadd.s32 $0x8F2B, s0  }
0xbc: {  	[sflag:s0] =	ssyncadd.remote.s32 $0x1  }
0xbd: {  	_ =	sfence.sel $0xFFFF  }
0xbe: {  	[dreg:$0x0] =	wrdreg $0xFFFFFFFF;
	(pc) =	sbr.abs _section_cstart, $3  }
0xbf: {  	[dreg:$0x1] =	wrdreg $0xFFFFFFFF  }
0xc0: {  	_ =	task.clear_ibuf [dreg:s6], $0x2FFFF;
	_ =	strace $0x9FFFFFFF  }
0xc1: {  	(tm) =	ssettm $0x7FFFFFFF  }
tec
execute0_lowered:
.L_overlay_start_1:
0x0: {  	(tag) =	ssettag $0x1  }
0x1: {  	s0 =	rddreg [dreg:$0x0];
	s3 =	simm.s32 $0x0  }
0x2: {  	s1 =	simm.s32 $0x10340;
	[smem:$0x7FF] =	sst s3  }
0x3: {  	s19 =	simm.s32 $0x10480;
	_ =	strace $0x80000047;
	[dreg:$0x4] =	wrdreg s1  }
0x4: {  	s20 =	simm.s32 $0x105C0;
	[dreg:$0x5] =	wrdreg s19  }
0x5: {  	s21 =	simm.s32 $0x10700;
	[dreg:$0x6] =	wrdreg s20  }
0x6: {  	s22 =	simm.s32 $0x10840;
	[dreg:$0x7] =	wrdreg s21  }
0x7: {  	s23 =	simm.s32 $0x10980;
	[dreg:$0x8] =	wrdreg s22  }
0x8: {  	s24 =	simm.s32 $0x10AC0;
	[dreg:$0x9] =	wrdreg s23  }
0x9: {  	s25 =	simm.s32 $0x10C00;
	[dreg:$0xa] =	wrdreg s24  }
0xa: {  	s26 =	simm.s32 $0x10D40;
	[dreg:$0xb] =	wrdreg s25  }
0xb: {  	s2 =	simm.s32 $0x10E80;
	[dreg:$0xc] =	wrdreg s26  }
0xc: {  	s4 =	simm.s32 $0x10FC0;
	[dreg:$0xd] =	wrdreg s2  }
0xd: {  	s5 =	simm.s32 $0x11100;
	[dreg:$0xe] =	wrdreg s4  }
0xe: {  	s6 =	simm.s32 $0x11240;
	[dreg:$0xf] =	wrdreg s5  }
0xf: {  	s7 =	simm.s32 $0x11380;
	[dreg:$0x10] =	wrdreg s6  }
0x10: {  	s8 =	simm.s32 $0x114C0;
	[dreg:$0x11] =	wrdreg s7  }
0x11: {  	s9 =	simm.s32 $0x11600;
	[dreg:$0x12] =	wrdreg s8  }
0x12: {  	s10 =	simm.s32 $0x11740;
	[dreg:$0x13] =	wrdreg s9  }
0x13: {  	s11 =	simm.s32 $0x11880;
	[dreg:$0x14] =	wrdreg s10  }
0x14: {  	s12 =	simm.s32 $0x119C0;
	[dreg:$0x15] =	wrdreg s11  }
0x15: {  	s13 =	simm.s32 $0x11B00;
	[dreg:$0x16] =	wrdreg s12  }
0x16: {  	s14 =	simm.s32 $0x11C40;
	[dreg:$0x17] =	wrdreg s13  }
0x17: {  	s15 =	simm.s32 $0x11D80;
	[dreg:$0x18] =	wrdreg s14  }
0x18: {  	s16 =	simm.s32 $0x11EC0;
	[dreg:$0x19] =	wrdreg s15  }
0x19: {  	s17 =	simm.s32 $0x12000;
	[dreg:$0x1a] =	wrdreg s16  }
0x1a: {  	s18 =	simm.s32 $0x12140;
	[dreg:$0x1b] =	wrdreg s17  }
0x1b: {  	[dreg:$0x1c] =	wrdreg s18;
	s19 =	simm.s32 $0x12280  }
0x1c: {  	s20 =	simm.s32 $0x123C0;
	[dreg:$0x1d] =	wrdreg s19  }
0x1d: {  	s21 =	simm.s32 $0x12500;
	[dreg:$0x1e] =	wrdreg s20  }
0x1e: {  	s22 =	simm.s32 $0x12640;
	[dreg:$0x1f] =	wrdreg s21  }
0x1f: {  	s23 =	simm.s32 $0x12780;
	[smem:$0x7A6] =	sst s22  }
0x20: {  	s24 =	simm.s32 $0x128C0;
	[smem:$0x7A7] =	sst s23  }
0x21: {  	s25 =	simm.s32 $0x12A00;
	[smem:$0x7A8] =	sst s24  }
0x22: {  	s26 =	simm.s32 $0x12B40;
	[smem:$0x7A9] =	sst s25  }
0x23: {  	s2 =	simm.s32 $0x12C80;
	[smem:$0x7AA] =	sst s26  }
0x24: {  	s4 =	simm.s32 $0x12DC0;
	[smem:$0x7AB] =	sst s2  }
0x25: {  	s5 =	simm.s32 $0x12F00;
	[smem:$0x7AC] =	sst s4  }
0x26: {  	s6 =	simm.s32 $0x13040;
	[smem:$0x7AD] =	sst s5  }
0x27: {  	s7 =	simm.s32 $0x13180;
	[smem:$0x7AE] =	sst s6  }
0x28: {  	s8 =	simm.s32 $0x132C0;
	[smem:$0x7AF] =	sst s7  }
0x29: {  	s9 =	simm.s32 $0x13400;
	[smem:$0x7B0] =	sst s8  }
0x2a: {  	s10 =	simm.s32 $0x13540;
	[smem:$0x7B1] =	sst s9  }
0x2b: {  	s11 =	simm.s32 $0x13680;
	[smem:$0x7B2] =	sst s10  }
0x2c: {  	s12 =	simm.s32 $0x137C0;
	[smem:$0x7B3] =	sst s11  }
0x2d: {  	s13 =	simm.s32 $0x13900;
	[smem:$0x7B4] =	sst s12  }
0x2e: {  	s14 =	simm.s32 $0x13A40;
	[smem:$0x7B5] =	sst s13  }
0x2f: {  	s15 =	simm.s32 $0x13B80;
	[smem:$0x7B6] =	sst s14  }
0x30: {  	s16 =	simm.s32 $0x13CC0;
	[smem:$0x7B7] =	sst s15  }
0x31: {  	s17 =	simm.s32 $0x13E00;
	[smem:$0x7B8] =	sst s16  }
0x32: {  	s18 =	simm.s32 $0x13F40;
	[smem:$0x7B9] =	sst s17  }
0x33: {  	[smem:$0x7BA] =	sst s18;
	s19 =	simm.s32 $0x14080  }
0x34: {  	s20 =	simm.s32 $0x141C0;
	[smem:$0x7BB] =	sst s19  }
0x35: {  	s21 =	simm.s32 $0x14300;
	[smem:$0x7BC] =	sst s20  }
0x36: {  	s22 =	simm.s32 $0x14440;
	[smem:$0x7BD] =	sst s21  }
0x37: {  	s23 =	simm.s32 $0x14580;
	[smem:$0x7BE] =	sst s22  }
0x38: {  	s24 =	simm.s32 $0x146C0;
	[smem:$0x7BF] =	sst s23  }
0x39: {  	s25 =	simm.s32 $0x14800;
	[smem:$0x7C0] =	sst s24  }
0x3a: {  	s26 =	simm.s32 $0x14940;
	[smem:$0x7C1] =	sst s25  }
0x3b: {  	s2 =	simm.s32 $0x14A80;
	[smem:$0x7C2] =	sst s26  }
0x3c: {  	s4 =	simm.s32 $0x14BC0;
	[smem:$0x7C3] =	sst s2  }
0x3d: {  	s5 =	simm.s32 $0x14D00;
	[smem:$0x7C4] =	sst s4  }
0x3e: {  	s6 =	simm.s32 $0x14E40;
	[smem:$0x7C5] =	sst s5  }
0x3f: {  	s7 =	simm.s32 $0x14F80;
	[smem:$0x7C6] =	sst s6  }
0x40: {  	s8 =	simm.s32 $0x150C0;
	[smem:$0x7C7] =	sst s7  }
0x41: {  	s11 =	simm.s32 $0x15200;
	[smem:$0x7C8] =	sst s8  }
0x42: {  	s12 =	simm.s32 $0x15480;
	[smem:$0x7C9] =	sst s11  }
0x43: {  	s14 =	simm.s32 $0x155C0;
	[smem:$0x7CB] =	sst s12  }
0x44: {  	s15 =	simm.s32 $0x15700;
	[smem:$0x7CC] =	sst s14  }
0x45: {  	s16 =	simm.s32 $0x15840;
	[smem:$0x7CD] =	sst s15  }
0x46: {  	s17 =	simm.s32 $0x15980;
	[smem:$0x7CE] =	sst s16  }
0x47: {  	s18 =	simm.s32 $0x15AC0;
	[smem:$0x7CF] =	sst s17  }
0x48: {  	s9 =	sadd.s32 $0x8400, s0;
	[smem:$0x7D0] =	sst s18  }
0x49: {  	s4 =	simm.s32 $0x15340;
	[smem:$0x7E2] =	sst s9  }
0x4a: {  	s19 =	simm.s32 $0x15C00;
	[smem:$0x7CA] =	sst s4  }
0x4b: {  	s20 =	simm.s32 $0x15D40;
	[smem:$0x7D1] =	sst s19  }
0x4c: {  	s21 =	simm.s32 $0x15E80;
	[smem:$0x7D2] =	sst s20  }
0x4d: {  	s22 =	simm.s32 $0x15FC0;
	[smem:$0x7D3] =	sst s21  }
0x4e: {  	s24 =	simm.s32 $0x16100;
	[smem:$0x7D4] =	sst s22  }
0x4f: {  	s7 =	simm.s32 $0x16240;
	[smem:$0x7D5] =	sst s24  }
0x50: {  	s26 =	simm.s32 $0x16380;
	[smem:$0x7D6] =	sst s7  }
0x51: {  	s28 =	simm.s32 $0x19440;
	s11 =	simm.s32 $0x16880;
	[smem:$0x7D7] =	sst s26  }
0x52: {  	s29 =	simm.s32 $0x19580;
	s12 =	simm.s32 $0x169C0;
	[smem:$0x7DB] =	sst s11  }
0x53: {  	s30 =	simm.s32 $0x196C0;
	s15 =	simm.s32 $0x16C40;
	[smem:$0x7DC] =	sst s12  }
0x54: {  	s31 =	simm.s32 $0x19800;
	s17 =	simm.s32 $0x16D80;
	[smem:$0x7DE] =	sst s15  }
0x55: {  	s10 =	sadd.s32 $0x400, s0;
	s18 =	simm.s32 $0x16EC0;
	[smem:$0x7DF] =	sst s17  }
0x56: {  	s2 =	srdreg.scid;
	s7 =	simm.s32 $0x16740;
	[smem:$0x7E1] =	sst s18  }
0x57: {  	s8 =	stileid.u32;
	s20 =	simm.s32 $0x17000;
	[smem:$0x7DA] =	sst s7  }
0x58: {  	s1 =	sand.u32 $0x1, s2;
	s21 =	simm.s32 $0x17140;
	[smem:$0x7E3] =	sst s20  }
0x59: {  	s13 =	sshll.u32 s8, $0x1;
	s22 =	simm.s32 $0x17280;
	[smem:$0x7E5] =	sst s21  }
0x5a: {  	s5 =	sshrl.u32 s8, $0x2;
	s24 =	simm.s32 $0x173C0;
	[smem:$0x7E6] =	sst s22  }
0x5b: {  	s26 =	simm.s32 $0x17500;
	s11 =	simm.s32 $0x178C0;
	[smem:$0x7E7] =	sst s24  }
0x5c: {  	s15 =	simm.s32 $0x17C80;
	s17 =	simm.s32 $0x17F00;
	[smem:$0x7E8] =	sst s26  }
0x5d: {  	s4 =	sor.u32 s1, s13;
	s5 =	smul.u32 $0x50000, s5;
	[smem:$0x7EB] =	sst s11  }
0x5e: {  	s23 =	ssub.s32 $0x2, s1;
	p1 =	seq.s32 s1, $0x1;
	[smem:$0x7F0] =	sst s15  }
0x5f: {  	s13 =	simm.s32 $0x16B00;
	s16 =	sshll.u32 s1, $0xD;
	[smem:$0x7F4] =	sst s17  }
0x60: {  	s21 =	simm.s32 $0x18180;
	s22 =	simm.s32 $0x182C0;
	s24 =	simm.s32 $0x18540  }
0x61: {  	s17 =	simm.s32 $0x10200;
	s26 =	simm.s32 $0x187C0;
	[smem:$0x7DD] =	sst s13  }
0x62: {  	s15 =	simm.s32 $0x19E40;
	s6 =	sshll.u32 s4, $0x7;
	[smem:$0x7F8] =	sst s21  }
0x63: {  	s25 =	sshrl.u32 s23, $0x1;
	p0 =	seq.s32 s4, $0x0;
	[smem:$0x7F9] =	sst s22  }
0x64: {  	s7 =	sadd.s32 s9, s16;
	s9 =	sshll.u32 s1, $0x10;
	[smem:$0x7FB] =	sst s24  }
0x65: {  	s13 =	simm.s32 $0x17A00;
	s16 =	simm.s32 $0x17DC0;
	[smem:$0x7FD] =	sst s26  }
0x66: {  	s21 =	simm.s32 $0x18CC0;
	s22 =	simm.s32 $0x18E00;
	s24 =	simm.s32 $0x19080  }
0x67: {  	s26 =	simm.s32 $0x19300;
	s6 =	sand.u32 $0x380, s6;
	[smem:$0x7EC] =	sst s9  }
0x68: {  	s2 =	ssub.s32 s23, s25;
	p0 =	por !p0, !p1;
	[smem:$0x7EE] =	sst s13  }
0x69: {  	[smem:$0x7F2] =	sst s16;
	s13 =	simm.s32 $0x19BC0;
	s16 =	simm.s32 $0x19F80  }
0x6a: {  	s5 =	sor.u32 s5, s6;
	s6 =	simm.s32 $0x16600;
	p0 =	por !p0, !p0  }
0x6b: {  	s18 =	smax.u32 s2, $0x1;
	s5 =	sshrl.u32 s5, $0x3;
	[smem:$0x7D9] =	sst s6  }
0x6c: {  	[smem:$0x7F3] =	sst s18;
	s0 =	sadd.s32 s5, s0;
	s5 =	simm.s32 $0x164C0  }
0x6d: {  	[smem:$0x7D8] =	sst s5;
	s5 =	simm.s32 $0x1;
	s0 =	sadd.s32 $0x408400, s0  }
0x6e: {  	s18 =	simm.s32 $0x18900;
	s5 =	simm.s32 @!p0 $0x0;
	[smem:$0x7F1] =	sst s0  }
0x6f: {  	s0 =	simm.s32 $0x19940;
	s14 =	ssub.s32 s8, s5;
	s8 =	smov.u32 s10  }
0x70: {  	s5 =	sshll.u32 s14, $0x15;
	s23 =	sshll.u32 s14, $0xE;
	s6 =	sshll.u32 s14, $0x7  }
0x71: {  	s14 =	simm.s32 $0x17B40;
	[smem:$0x7E0] =	sst s5;
	s19 =	sshrl.u32 s5, $0x3  }
0x72: {  	s25 =	sand.u32 $0xFFFE0000, s23;
	[smem:$0x7EF] =	sst s14;
	s23 =	simm.s32 $0x18400  }
0x73: {  	s6 =	sand.u32 $0x380, s6;
	s5 =	sadd.s32 s19, s7;
	[smem:$0x7FA] =	sst s23  }
0x74: {  	s14 =	simm.s32 $0x19D00;
	s7 =	simm.s32 $0x17780;
	[smem:$0x7E4] =	sst s5  }
0x75: {  	s12 =	sor.u32 s6, s25;
	s19 =	simm.s32 $0x18040;
	[smem:$0x7EA] =	sst s7  }
0x76: {  	s25 =	simm.s32 $0x18680;
	s23 =	simm.s32 $0x18F40;
	[smem:$0x7ED] =	sst s12  }
0x77: {  	s6 =	simm.s32 $0x1A0C0;
	s4 =	sor.u32 s9, s12;
	[smem:$0x7F7] =	sst s19  }
0x78: {  	s5 =	simm.s32 $0x17640;
	[smem:$0x7FC] =	sst s25;
	s4 =	sshrl.u32 s4, $0x3  }
0x79: {  	s19 =	simm.s32 $0x18A40;
	[smem:$0x7E9] =	sst s5;
	s4 =	sadd.s32 s10, s4  }
0x7a: {  	s25 =	simm.s32 $0x191C0;
	[smem:$0x7F5] =	sst s4;
	s20 =	sadd.s32 $0x80, s4  }
0x7b: {  	v0 =	vimm.f32 $0.0e+00;
	v1 =	vlaneseq.u32;
	s4 =	simm.s32 $0x19A80;
	[smem:$0x7F6] =	sst s20;
	s20 =	simm.s32 $0x18B80  }
.LBB2_1:
0x7c: {  	[smem:$0x7A5] =	sst s3;
	s1 =	simm.s32 $0x40;
	s2 =	simm.s32 $0x0  }
.LBB2_2:
0x7d: {  	p0 =	sne.s32 s1, $0x27FC0;
	[tilespmem:s2+$0x10200] =	vst v0;
	s2 =	smov.u32 s1;
	s1 =	sadd.s32 $0x40, s1  }
.Ltmp0:
0x7e: {  	(pc) =	sbr.rel @p0 .LBB2_2-.Ltmp0, $2  }
0x7f: {  	_ =	sdelay $0x2  }
0x80: {  	s2 =	sshra.s32 s2, $0x2  }
0x81: {  	s1 =	sld [smem:$0x7E4]  }
0x82: {  	s11 =	simm.s32 $0x0  }
0x83: {  	[tilespmem:s2+$0x10200] =	vst v0;
	s5 =	simm.s32 $0x800;
	s3 =	simm.s32 $0x20000;
	s7 =	sld [smem:$0x7F5]  }
0x84: {  	[tilespmem:s11], [sflag:$0x1] =	stream.strided.gather [hbm4b:s1+s5], $0x8000, s3, s5, $0x38;
	[tilespmem:$0x1A200] =	vst v63  }
0x85: {  	s9 =	simm.s32 $0x10000;
	s10 =	sld [smem:$0x7F6]  }
0x86: {  	[tilespmem:s9], [sflag:$0x3] =	stream.linear.gather [hbm4b:s7+s11], $0x80, $0x38;
	[tilespmem:$0x1A200] =	vst v63  }
0x87: {  	s12 =	simm.s32 $0x10100  }
0x88: {  	[tilespmem:s12], [sflag:$0x3] =	stream.linear.gather [hbm4b:s10+s11], $0x80, $0x38;
	[tilespmem:$0x1A200] =	vst v63  }
.LBB2_5:
0x89: {  	s1 =	smov.u32 s11;
	s3 =	sld [smem:$0x7EC]  }
0x8a: {  	s11 =	sadd.s32 $0x1, s11;
	p0 =	seq.s32 s1, $0x1F  }
0x8b: {  	s2 =	sshll.u32 @!p0 s11, $0xB  }
0x8c: {  	s2 =	sadd.s32 @!p0 s3, s2;
	s3 =	sld [smem:$0x7E0];
	_ =	sdelay $0x1  }
0x8d: {  	s5 =	sld [smem:$0x7E2]  }
0x8e: {  	s10 =	sand.u32 @!p0 $0x1, s11;
	s9 =	sor.u32 @!p0 s3, s2  }
0x8f: {  	s7 =	simm.s32 @!p0 $0x20000;
	s12 =	sshll.u32 @!p0 s10, $0xF;
	s9 =	sshrl.u32 @!p0 s9, $0x3  }
0x90: {  	s3 =	sadd.s32 @!p0 $0x1, s10;
	s9 =	sadd.s32 @!p0 s5, s9;
	s5 =	simm.s32 @!p0 $0x800  }
0x91: {  	[tilespmem:s12], [sflag:s3] =	stream.strided.gather @!p0 [hbm4b:s9+s5], $0x8000, s7, s5, $0x38;
	[tilespmem:$0x1A200] =	vst v63  }
0x92: {  	s5 =	sld [smem:$0x7ED];
	_ =	sdelay $0x2  }
0x93: {  	s3 =	sshll.u32 @!p0 s11, $0x7;
	s2 =	sadd.s32 @!p0 s5, s2  }
0x94: {  	s9 =	simm.s32 @!p0 $0x0;
	s3 =	sand.u32 @!p0 $0x80, s3;
	s2 =	sshrl.u32 @!p0 s2, $0x3  }
0x95: {  	s7 =	sor.u32 @!p0 $0x10000, s3;
	s5 =	sadd.s32 @!p0 $0x3, s10;
	s2 =	sadd.s32 @!p0 s8, s2  }
0x96: {  	[tilespmem:s7], [sflag:s5] =	stream.linear.gather @!p0 [hbm4b:s2+s9], $0x80, $0x38;
	[tilespmem:$0x1A200] =	vst v63  }
0x97: {  	s12 =	sand.u32 $0x1, s1;
	s3 =	sor.u32 @!p0 $0x10100, s3;
	s2 =	sadd.s32 @!p0 $0x80, s2  }
0x98: {  	[tilespmem:s3], [sflag:s5] =	stream.linear.gather @!p0 [hbm4b:s2+s9], $0x80, $0x38;
	[tilespmem:$0x1A200] =	vst v63  }
0x99: {  	s9 =	sadd.s32 $0x1, s12  }
0x9a: {  	_ =	swait.ge [sflag:s9], $0x8000  }
0x9b: {  	s1 =	sshll.u32 s1, $0x7;
	[sflag:s9] =	ssyncset.done $0x0  }
0x9c: {  	s1 =	sand.u32 $0x80, s1;
	s10 =	sadd.s32 $0x3, s12;
	[sflag:s9] =	ssyncadd.s32 $0xFFFF8000  }
0x9d: {  	s1 =	sor.u32 $0x10000, s1;
	s12 =	sshll.u32 s12, $0xF;
	_ =	swait.ge [sflag:s10], $0x100  }
0x9e: {  	s9 =	simm.s32 $0x0;
	[dreg:$0x2] =	wrdreg s1;
	[sflag:s10] =	ssyncset.done $0x0  }
0x9f: {  	[dreg:$0x3] =	wrdreg s12;
	s12 =	simm.s32 $0x0;
	[sflag:s10] =	ssyncadd.s32 $0xFFFFFF00  }
.LBB2_6:
0xa0: {  	s3 =	rddreg [dreg:$0x3];
	s2 =	sand.u32 $0x400, s9  }
0xa1: {  	s1 =	sand.u32 $0x70, s12;
	s3 =	sadd.s32 s2, s3  }
0xa2: {  	s10 =	sadd.s32 s1, s3  }
0xa3: {  	v11 =	vld [tilespmem:s10+$0x0]  }
0xa4: {  	v10 =	vld [tilespmem:s10+$0x80]  }
0xa5: {  	v9 =	vld [tilespmem:s10+$0x100]  }
0xa6: {  	v8 =	vld [tilespmem:s10+$0x180]  }
0xa7: {  	v7 =	vld [tilespmem:s10+$0x200]  }
0xa8: {  	v6 =	vld [tilespmem:s10+$0x280]  }
0xa9: {  	v5 =	vld [tilespmem:s10+$0x300]  }
0xaa: {  	v4 =	vld [tilespmem:s10+$0x380]  }
0xab: {  	v2 =	vld [tilespmem:s10+$0x800]  }
0xac: {  	v3 =	vld [tilespmem:s10+$0x880]  }
0xad: {  	v12 =	vld [tilespmem:s10+$0x900]  }
0xae: {  	v13 =	vld [tilespmem:s10+$0x980]  }
0xaf: {  	v14 =	vld [tilespmem:s10+$0xA00]  }
0xb0: {  	v15 =	vld [tilespmem:s10+$0xA80]  }
0xb1: {  	v16 =	vld [tilespmem:s10+$0xB00]  }
0xb2: {  	v17 =	vld [tilespmem:s10+$0xB80]  }
0xb3: {  	v18 =	vld [tilespmem:s10+$0x1000]  }
0xb4: {  	v19 =	vld [tilespmem:s10+$0x1080]  }
0xb5: {  	v20 =	vld [tilespmem:s10+$0x1100]  }
0xb6: {  	v21 =	vld [tilespmem:s10+$0x1180]  }
0xb7: {  	v22 =	vld [tilespmem:s10+$0x1200]  }
0xb8: {  	v23 =	vld [tilespmem:s10+$0x1280]  }
0xb9: {  	v24 =	vld [tilespmem:s10+$0x1300]  }
0xba: {  	v25 =	vld [tilespmem:s10+$0x1380]  }
0xbb: {  	v26 =	vld [tilespmem:s10+$0x1800]  }
0xbc: {  	v27 =	vld [tilespmem:s10+$0x1880]  }
0xbd: {  	v28 =	vld [tilespmem:s10+$0x1900]  }
0xbe: {  	v29 =	vld [tilespmem:s10+$0x1980]  }
0xbf: {  	v30 =	vld [tilespmem:s10+$0x1A00]  }
0xc0: {  	v31 =	vld [tilespmem:s10+$0x1A80]  }
0xc1: {  	v32 =	vld [tilespmem:s10+$0x1B00]  }
0xc2: {  	v33 =	vld [tilespmem:s10+$0x1B80]  }
0xc3: {  	v34 =	vld [tilespmem:s10+$0x2000]  }
0xc4: {  	v35 =	vld [tilespmem:s10+$0x2080]  }
0xc5: {  	v36 =	vld [tilespmem:s10+$0x2100]  }
0xc6: {  	v37 =	vld [tilespmem:s10+$0x2180]  }
0xc7: {  	v38 =	vld [tilespmem:s10+$0x2200]  }
0xc8: {  	v39 =	vld [tilespmem:s10+$0x2280]  }
0xc9: {  	v40 =	vld [tilespmem:s10+$0x2300]  }
0xca: {  	v41 =	vld [tilespmem:s10+$0x2380]  }
0xcb: {  	v42 =	vld [tilespmem:s10+$0x2800]  }
0xcc: {  	v43 =	vld [tilespmem:s10+$0x2880]  }
0xcd: {  	v44 =	vld [tilespmem:s10+$0x2900]  }
0xce: {  	v45 =	vld [tilespmem:s10+$0x2980]  }
0xcf: {  	v46 =	vld [tilespmem:s10+$0x2A00]  }
0xd0: {  	v47 =	vld [tilespmem:s10+$0x2A80]  }
0xd1: {  	v48 =	vld [tilespmem:s10+$0x2B00];
	v51 =	vmul.f32 v11, v11  }
0xd2: {  	v49 =	vld [tilespmem:s10+$0x2B80];
	v52 =	vmul.f32 v10, v10;
	v54 =	vmul.f32 v9, v9  }
0xd3: {  	v50 =	vld [tilespmem:s10+$0x3000];
	v55 =	vmul.f32 v8, v8;
	v57 =	vmul.f32 v7, v7  }
0xd4: {  	v53 =	vld [tilespmem:s10+$0x3080];
	v58 =	vmul.f32 v6, v6;
	v60 =	vmul.f32 v5, v5  }
0xd5: {  	v56 =	vld [tilespmem:s10+$0x3100];
	v61 =	vmul.f32 v4, v4;
	v2 =	vmul.f32 v2, v2  }
0xd6: {  	v59 =	vld [tilespmem:s10+$0x3180];
	v3 =	vmul.f32 v3, v3;
	v12 =	vmul.f32 v12, v12  }
0xd7: {  	v62 =	vld [tilespmem:s10+$0x3200];
	v13 =	vmul.f32 v13, v13;
	v14 =	vmul.f32 v14, v14  }
0xd8: {  	v15 =	vmul.f32 v15, v15;
	v63 =	vmul.f32 v19, v19;
	v19 =	vld [tilespmem:s10+$0x3B00]  }
0xd9: {  	v16 =	vmul.f32 v16, v16;
	v32 =	vmul.f32 v32, v32;
	v51 =	vadd.f32 v57, v51;
	v57 =	vld [tilespmem:s10+$0x3280]  }
0xda: {  	v33 =	vmul.f32 v33, v33;
	v34 =	vmul.f32 v34, v34;
	v52 =	vadd.f32 v58, v52;
	v58 =	vld [tilespmem:s10+$0x3300]  }
0xdb: {  	v35 =	vmul.f32 v35, v35;
	v55 =	vadd.f32 v61, v55;
	v61 =	vmul.f32 v18, v18;
	v18 =	vld [tilespmem:s10+$0x3980]  }
0xdc: {  	v36 =	vmul.f32 v36, v36;
	v54 =	vadd.f32 v60, v54;
	v60 =	vmul.f32 v17, v17;
	v17 =	vld [tilespmem:s10+$0x3A80]  }
0xdd: {  	v37 =	vmul.f32 v37, v37;
	v38 =	vmul.f32 v38, v38;
	v2 =	vadd.f32 v2, v51;
	v51 =	vld [tilespmem:s10+$0x3380]  }
0xde: {  	v39 =	vmul.f32 v39, v39;
	v40 =	vmul.f32 v40, v40;
	v3 =	vadd.f32 v3, v52;
	v52 =	vld [tilespmem:s10+$0x3800]  }
0xdf: {  	v41 =	vmul.f32 v41, v41;
	v42 =	vmul.f32 v42, v42;
	v12 =	vadd.f32 v12, v54;
	v54 =	vld [tilespmem:s10+$0x3880]  }
0xe0: {  	v43 =	vmul.f32 v43, v43;
	v13 =	vadd.f32 v13, v55;
	v55 =	vmul.f32 v20, v20;
	v20 =	vld [tilespmem:s10+$0x3A00]  }
0xe1: {  	v44 =	vmul.f32 v44, v44;
	v2 =	vadd.f32 v14, v2;
	v3 =	vadd.f32 v15, v3;
	v15 =	vld [tilespmem:s10+$0x3900]  }
0xe2: {  	v12 =	vadd.f32 v16, v12;
	v13 =	vadd.f32 v60, v13;
	v60 =	vmul.f32 v21, v21;
	v21 =	vld [tilespmem:s10+$0x4080]  }
0xe3: {  	v16 =	vld [tilespmem:s10+$0x5880];
	v17 =	vmul.f32 v17, v17;
	v2 =	vadd.f32 v61, v2;
	v3 =	vadd.f32 v63, v3  }
0xe4: {  	v61 =	vmul.f32 v22, v22;
	v12 =	vadd.f32 v55, v12;
	v63 =	vmul.f32 v23, v23;
	v22 =	vld [tilespmem:s10+$0x3B80]  }
0xe5: {  	v13 =	vadd.f32 v60, v13;
	v55 =	vmul.f32 v24, v24;
	v60 =	vmul.f32 v25, v25;
	v24 =	vld [tilespmem:s10+$0x4000]  }
0xe6: {  	v23 =	vld [tilespmem:s10+$0x4100];
	v2 =	vadd.f32 v61, v2;
	v3 =	vadd.f32 v63, v3;
	v61 =	vmul.f32 v26, v26  }
0xe7: {  	v25 =	vld [tilespmem:s10+$0x4280];
	v63 =	vmul.f32 v27, v27;
	v12 =	vadd.f32 v55, v12;
	v55 =	vmul.f32 v28, v28  }
0xe8: {  	v13 =	vadd.f32 v60, v13;
	v60 =	vmul.f32 v29, v29;
	v26 =	vld [tilespmem:s10+$0x4180];
	v15 =	vmul.f32 v15, v15  }
0xe9: {  	v28 =	vld [tilespmem:s10+$0x4200];
	v16 =	vmul.f32 v16, v16;
	v2 =	vadd.f32 v61, v2;
	v3 =	vadd.f32 v63, v3  }
0xea: {  	v27 =	vld [tilespmem:s10+$0x4300];
	v12 =	vadd.f32 v55, v12;
	v61 =	vmul.f32 v30, v30;
	v63 =	vmul.f32 v31, v31  }
0xeb: {  	v29 =	vld [tilespmem:s10+$0x4880];
	v13 =	vadd.f32 v60, v13;
	v55 =	vmul.f32 v45, v45;
	v60 =	vmul.f32 v46, v46  }
0xec: {  	v30 =	vld [tilespmem:s10+$0x4380];
	v45 =	vmul.f32 v50, v50;
	v46 =	vmul.f32 v53, v53  }
0xed: {  	v31 =	vld [tilespmem:s10+$0x4900];
	v50 =	vmul.f32 v57, v57;
	v53 =	vmul.f32 v58, v58  }
0xee: {  	v57 =	vmul.f32 v54, v54;
	v58 =	vmul.f32 v18, v18;
	v18 =	vld [tilespmem:s10+$0x5380];
	v2 =	vadd.f32 v61, v2  }
0xef: {  	v3 =	vadd.f32 v63, v3;
	v12 =	vadd.f32 v32, v12;
	v32 =	vld [tilespmem:s10+$0x4800];
	v61 =	vmul.f32 v47, v47  }
0xf0: {  	v13 =	vadd.f32 v33, v13;
	v33 =	vld [tilespmem:s10+$0x4A80];
	v63 =	vmul.f32 v48, v48;
	v48 =	vmul.f32 v59, v59  }
0xf1: {  	v59 =	vmul.f32 v20, v20;
	v20 =	vld [tilespmem:s10+$0x5800];
	v2 =	vadd.f32 v34, v2;
	v3 =	vadd.f32 v35, v3  }
0xf2: {  	v47 =	vmul.f32 v56, v56;
	v12 =	vadd.f32 v36, v12;
	v13 =	vadd.f32 v37, v13;
	v34 =	vld [tilespmem:s10+$0x4980]  }
0xf3: {  	v56 =	vmul.f32 v52, v52;
	v36 =	vld [tilespmem:s10+$0x4A00];
	v2 =	vadd.f32 v38, v2;
	v3 =	vadd.f32 v39, v3  }
0xf4: {  	v26 =	vmul.f32 v26, v26;
	v35 =	vld [tilespmem:s10+$0x4B00];
	v12 =	vadd.f32 v40, v12;
	v13 =	vadd.f32 v41, v13  }
0xf5: {  	v37 =	vld [tilespmem:s10+$0x5080];
	v54 =	vmul.f32 v33, v33;
	v2 =	vadd.f32 v42, v2;
	v3 =	vadd.f32 v43, v3  }
0xf6: {  	v38 =	vld [tilespmem:s10+$0x4B80];
	v12 =	vadd.f32 v44, v12;
	v44 =	vmul.f32 v49, v49;
	v49 =	vmul.f32 v62, v62  }
0xf7: {  	v40 =	vld [tilespmem:s10+$0x5000];
	v13 =	vadd.f32 v55, v13;
	v55 =	vmul.f32 v51, v51;
	v62 =	vmul.f32 v24, v24  }
0xf8: {  	v39 =	vld [tilespmem:s10+$0x5100];
	v24 =	vmul.f32 v23, v23;
	v51 =	vmul.f32 v31, v31  }
0xf9: {  	v41 =	vld [tilespmem:s10+$0x5280];
	v52 =	vmul.f32 v34, v34;
	v2 =	vadd.f32 v60, v2;
	v3 =	vadd.f32 v61, v3  }
0xfa: {  	v33 =	vld [tilespmem:s10+$0x6380];
	v12 =	vadd.f32 v63, v12;
	v13 =	vadd.f32 v44, v13;
	v60 =	vmul.f32 v19, v19  }
0xfb: {  	v42 =	vld [tilespmem:s10+$0x5180];
	v61 =	vmul.f32 v22, v22;
	v63 =	vmul.f32 v21, v21;
	v2 =	vadd.f32 v45, v2  }
0xfc: {  	v43 =	vld [tilespmem:s10+$0x5300];
	v3 =	vadd.f32 v46, v3;
	v12 =	vadd.f32 v47, v12;
	v45 =	vmul.f32 v28, v28  }
0xfd: {  	v23 =	vld [tilespmem:s10+$0x5A00];
	v13 =	vadd.f32 v48, v13;
	v46 =	vmul.f32 v25, v25;
	v47 =	vmul.f32 v27, v27  }
0xfe: {  	v31 =	vld [tilespmem:s10+$0x6200];
	v48 =	vmul.f32 v30, v30;
	v2 =	vadd.f32 v49, v2;
	v3 =	vadd.f32 v50, v3  }
0xff: {  	v44 =	vld [tilespmem:s10+$0x5200];
	v12 =	vadd.f32 v53, v12;
	v13 =	vadd.f32 v55, v13;
	v49 =	vmul.f32 v32, v32  }
0x100: {  	v21 =	vld [tilespmem:s10+$0x5980];
	v50 =	vmul.f32 v29, v29;
	v53 =	vmul.f32 v36, v36;
	v2 =	vadd.f32 v56, v2  }
0x101: {  	v19 =	vld [tilespmem:s10+$0x5A80];
	v55 =	vmul.f32 v35, v35;
	v3 =	vadd.f32 v57, v3;
	v12 =	vadd.f32 v15, v12  }
0x102: {  	v22 =	vld [tilespmem:s10+$0x5B00];
	v13 =	vadd.f32 v58, v13;
	v56 =	vmul.f32 v38, v38;
	v57 =	vmul.f32 v40, v40  }
0x103: {  	v25 =	vld [tilespmem:s10+$0x5B80];
	v58 =	vmul.f32 v37, v37;
	v37 =	vmul.f32 v18, v18;
	v2 =	vadd.f32 v59, v2  }
0x104: {  	v27 =	vld [tilespmem:s10+$0x6000];
	v3 =	vadd.f32 v17, v3;
	v12 =	vadd.f32 v60, v12;
	v59 =	vmul.f32 v39, v39  }
0x105: {  	v28 =	vld [tilespmem:s10+$0x6280];
	v13 =	vadd.f32 v61, v13;
	v60 =	vmul.f32 v42, v42;
	v61 =	vmul.f32 v44, v44  }
0x106: {  	v30 =	vld [tilespmem:s10+$0x6300];
	v39 =	vmul.f32 v20, v20;
	v42 =	vmul.f32 v21, v21  }
0x107: {  	v17 =	vld [tilespmem:s10+$0x5900];
	v44 =	vmul.f32 v23, v23;
	v2 =	vadd.f32 v62, v2;
	v3 =	vadd.f32 v63, v3  }
0x108: {  	v29 =	vld [tilespmem:s10+$0x6180];
	v12 =	vadd.f32 v24, v12;
	v13 =	vadd.f32 v26, v13;
	v62 =	vmul.f32 v41, v41  }
0x109: {  	v24 =	vld [tilespmem:s10+$0x6080];
	v63 =	vmul.f32 v43, v43;
	v2 =	vadd.f32 v45, v2;
	v3 =	vadd.f32 v46, v3  }
0x10a: {  	v26 =	vld [tilespmem:s10+$0x6100];
	v12 =	vadd.f32 v47, v12;
	v13 =	vadd.f32 v48, v13;
	v46 =	vmul.f32 v19, v19  }
0x10b: {  	v35 =	vld [tilespmem:s10+$0x6800];
	v48 =	vmul.f32 v22, v22;
	v2 =	vadd.f32 v49, v2;
	v3 =	vadd.f32 v50, v3  }
0x10c: {  	v36 =	vld [tilespmem:s10+$0x6880];
	v41 =	vmul.f32 v17, v17;
	v12 =	vadd.f32 v51, v12;
	v13 =	vadd.f32 v52, v13  }
0x10d: {  	v38 =	vld [tilespmem:s10+$0x6900];
	v49 =	vmul.f32 v25, v25;
	v51 =	vmul.f32 v27, v27;
	v2 =	vadd.f32 v53, v2  }
0x10e: {  	v40 =	vld [tilespmem:s10+$0x6980];
	v52 =	vmul.f32 v24, v24;
	v3 =	vadd.f32 v54, v3;
	v12 =	vadd.f32 v55, v12  }
0x10f: {  	v43 =	vld [tilespmem:s10+$0x6A00];
	v13 =	vadd.f32 v56, v13;
	v54 =	vmul.f32 v26, v26;
	v2 =	vadd.f32 v57, v2  }
0x110: {  	v45 =	vld [tilespmem:s10+$0x6A80];
	v56 =	vmul.f32 v29, v29;
	v3 =	vadd.f32 v58, v3;
	v12 =	vadd.f32 v59, v12  }
0x111: {  	v47 =	vld [tilespmem:s10+$0x6B00];
	v13 =	vadd.f32 v60, v13;
	v58 =	vmul.f32 v31, v31;
	v59 =	vmul.f32 v28, v28  }
0x112: {  	v50 =	vld [tilespmem:s10+$0x6B80];
	v2 =	vadd.f32 v61, v2;
	v3 =	vadd.f32 v62, v3;
	v61 =	vmul.f32 v30, v30  }
0x113: {  	v55 =	vld [tilespmem:s10+$0x7080];
	v12 =	vadd.f32 v63, v12;
	v62 =	vmul.f32 v33, v33;
	v33 =	vmul.f32 v35, v35  }
0x114: {  	v53 =	vld [tilespmem:s10+$0x7000];
	v13 =	vadd.f32 v37, v13;
	v35 =	vmul.f32 v36, v36;
	v37 =	vmul.f32 v38, v38  }
0x115: {  	v57 =	vld [tilespmem:s10+$0x7100];
	v38 =	vmul.f32 v40, v40;
	v2 =	vadd.f32 v39, v2;
	v3 =	vadd.f32 v16, v3  }
0x116: {  	v60 =	vld [tilespmem:s10+$0x7180];
	v40 =	vmul.f32 v43, v43;
	v12 =	vadd.f32 v41, v12;
	v13 =	vadd.f32 v42, v13  }
0x117: {  	v43 =	vld [tilespmem:s10+$0x7880];
	v16 =	vmul.f32 v45, v45;
	v42 =	vmul.f32 v47, v47;
	v2 =	vadd.f32 v44, v2  }
0x118: {  	v63 =	vld [tilespmem:s10+$0x7200];
	v47 =	vmul.f32 v55, v55;
	v3 =	vadd.f32 v46, v3;
	v12 =	vadd.f32 v48, v12  }
0x119: {  	v34 =	vld [tilespmem:s10+$0x7280];
	v13 =	vadd.f32 v49, v13;
	v44 =	vmul.f32 v50, v50;
	v46 =	vmul.f32 v53, v53  }
0x11a: {  	v36 =	vld [tilespmem:s10+$0x7300];
	v49 =	vmul.f32 v57, v57;
	v2 =	vadd.f32 v51, v2;
	v3 =	vadd.f32 v52, v3  }
0x11b: {  	v39 =	vld [tilespmem:s10+$0x7380];
	v50 =	vmul.f32 v60, v60;
	v12 =	vadd.f32 v54, v12;
	v13 =	vadd.f32 v56, v13  }
0x11c: {  	v55 =	vld [tilespmem:s10+$0x7B00];
	v17 =	vmul.f32 v43, v43;
	v2 =	vadd.f32 v58, v2;
	v3 =	vadd.f32 v59, v3  }
0x11d: {  	v41 =	vld [tilespmem:s10+$0x7800];
	v52 =	vmul.f32 v63, v63;
	v12 =	vadd.f32 v61, v12;
	v13 =	vadd.f32 v62, v13  }
0x11e: {  	v45 =	vld [tilespmem:s10+$0x7900];
	v54 =	vmul.f32 v34, v34;
	v2 =	vadd.f32 v33, v2;
	v3 =	vadd.f32 v35, v3  }
0x11f: {  	v48 =	vld [tilespmem:s10+$0x7980];
	v56 =	vmul.f32 v36, v36;
	v12 =	vadd.f32 v37, v12;
	v13 =	vadd.f32 v38, v13  }
0x120: {  	v53 =	vld [tilespmem:s10+$0x7A80];
	v20 =	vmul.f32 v39, v39;
	v2 =	vadd.f32 v40, v2;
	v3 =	vadd.f32 v16, v3  }
0x121: {  	v51 =	vld [tilespmem:s10+$0x7A00];
	v63 =	vmul.f32 v55, v55;
	v12 =	vadd.f32 v42, v12;
	v13 =	vadd.f32 v44, v13  }
0x122: {  	v57 =	vld [tilespmem:s10+$0x7B80];
	v58 =	vmul.f32 v41, v41;
	v2 =	vadd.f32 v46, v2;
	v3 =	vadd.f32 v47, v3  }
0x123: {  	v59 =	vmul.f32 v45, v45;
	v12 =	vadd.f32 v49, v12;
	v13 =	vadd.f32 v50, v13  }
0x124: {  	v60 =	vmul.f32 v48, v48;
	v2 =	vadd.f32 v52, v2;
	v3 =	vadd.f32 v54, v3  }
0x125: {  	v62 =	vmul.f32 v53, v53;
	v12 =	vadd.f32 v56, v12;
	v13 =	vadd.f32 v20, v13  }
0x126: {  	v61 =	vmul.f32 v51, v51;
	v2 =	vadd.f32 v58, v2;
	v3 =	vadd.f32 v17, v3  }
0x127: {  	v20 =	vmul.f32 v57, v57;
	v12 =	vadd.f32 v59, v12;
	v13 =	vadd.f32 v60, v13  }
0x128: {  	v2 =	vadd.f32 v61, v2;
	v3 =	vadd.f32 v62, v3  }
0x129: {  	v12 =	vadd.f32 v63, v12;
	v13 =	vadd.f32 v20, v13;
	_ =	sdelay $0x1  }
0x12a: {  	v2 =	vadd.f32 v3, v2;
	v3 =	vadd.f32 v13, v12;
	_ =	sdelay $0x1  }
0x12b: {  	v2 =	vadd.f32 v3, v2;
	_ =	sdelay $0x1  }
0x12c: {  	v2 =	vmax.f32 v2, $1.000000020e-24  }
0x12d: {  	v3 =	vshrl.u32 v2, $0x1;
	v2 =	vmul.f32 $5.000000000e-01, v2  }
0x12e: {  	v3 =	vsub.s32 $0x5F3759DF, v3  }
0x12f: {  	v21 =	vmul.f32 v3, v2;
	_ =	sdelay $0x1  }
0x130: {  	v12 =	vmul.f32 v3, v21;
	_ =	sdelay $0x1  }
0x131: {  	v12 =	vsub.f32 $1.500000000e+00, v12;
	_ =	sdelay $0x1  }
0x132: {  	v3 =	vmul.f32 v3, v12;
	_ =	sdelay $0x1  }
0x133: {  	v12 =	vmul.f32 v3, v2;
	_ =	sdelay $0x1  }
0x134: {  	v12 =	vmul.f32 v12, v3;
	_ =	sdelay $0x1  }
0x135: {  	s7 =	rddreg [dreg:$0x2];
	s2 =	sshrl.u32 s2, $0x2;
	v12 =	vsub.f32 $1.500000000e+00, v12  }
0x136: {  	s2 =	sadd.s32 s2, s7  }
0x137: {  	s1 =	sadd.s32 s1, s2;
	v3 =	vmul.f32 v12, v3  }
0x138: {  	v22 =	vld [tilespmem:s1+$0x0]  }
0x139: {  	v2 =	vmul.f32 v3, v2;
	_ =	sdelay $0x1  }
0x13a: {  	v2 =	vmul.f32 v2, v3;
	_ =	sdelay $0x1  }
0x13b: {  	v23 =	vsub.f32 $1.500000000e+00, v2;
	v2 =	vshll.u32 v22, $0x4  }
0x13c: {  	v2 =	vor.u32 v1, v2  }
0x13d: {  	v3 =	vmul.f32 v23, v3;
	_ =	sdelay $0x1  }
0x13e: {  	v11 =	vmul.f32 v3, v11  }
0x13f: {  	v10 =	vmul.f32 v3, v10  }
0x140: {  	s2 =	rddreg [dreg:$0x4];
	v9 =	vmul.f32 v3, v9;
	[tilespmem:v2+s17+$0x0] =	vst.idx.add.f32.msk $0xffff, v11  }
0x141: {  	s3 =	rddreg [dreg:$0x5];
	v8 =	vmul.f32 v3, v8;
	[tilespmem:v2+s2+$0x0] =	vst.idx.add.f32.msk $0xffff, v10  }
0x142: {  	s5 =	rddreg [dreg:$0x6];
	v7 =	vmul.f32 v3, v7;
	[tilespmem:v2+s3+$0x0] =	vst.idx.add.f32.msk $0xffff, v9  }
0x143: {  	s7 =	rddreg [dreg:$0x7];
	v6 =	vmul.f32 v3, v6;
	[tilespmem:v2+s5+$0x0] =	vst.idx.add.f32.msk $0xffff, v8  }
0x144: {  	v5 =	vmul.f32 v3, v5;
	s2 =	rddreg [dreg:$0x8];
	[tilespmem:v2+s7+$0x0] =	vst.idx.add.f32.msk $0xffff, v7  }
0x145: {  	v4 =	vmul.f32 v3, v4;
	s5 =	rddreg [dreg:$0x9];
	[tilespmem:v2+s2+$0x0] =	vst.idx.add.f32.msk $0xffff, v6  }
0x146: {  	s7 =	rddreg [dreg:$0xa];
	[tilespmem:v2+s5+$0x0] =	vst.idx.add.f32.msk $0xffff, v5  }
0x147: {  	[tilespmem:v2+s7+$0x0] =	vst.idx.add.f32.msk $0xffff, v4  }
0x148: {  	v4 =	vld [tilespmem:s10+$0x800]  }
0x149: {  	v5 =	vld [tilespmem:s10+$0x880]  }
0x14a: {  	v6 =	vld [tilespmem:s10+$0x900]  }
0x14b: {  	v7 =	vld [tilespmem:s10+$0x980]  }
0x14c: {  	v8 =	vld [tilespmem:s10+$0xA00]  }
0x14d: {  	v9 =	vld [tilespmem:s10+$0xA80]  }
0x14e: {  	v10 =	vld [tilespmem:s10+$0xB00];
	v4 =	vmul.f32 v3, v4  }
0x14f: {  	s5 =	rddreg [dreg:$0xb];
	v11 =	vld [tilespmem:s10+$0xB80];
	v5 =	vmul.f32 v3, v5  }
0x150: {  	s7 =	rddreg [dreg:$0xc];
	v6 =	vmul.f32 v3, v6;
	[tilespmem:v2+s5+$0x0] =	vst.idx.add.f32.msk $0xffff, v4  }
0x151: {  	s3 =	rddreg [dreg:$0xd];
	v24 =	vmul.f32 v3, v7;
	[tilespmem:v2+s7+$0x0] =	vst.idx.add.f32.msk $0xffff, v5  }
0x152: {  	v25 =	vmul.f32 v3, v8;
	s5 =	rddreg [dreg:$0xe];
	[tilespmem:v2+s3+$0x0] =	vst.idx.add.f32.msk $0xffff, v6  }
0x153: {  	v26 =	vmul.f32 v3, v9;
	s7 =	rddreg [dreg:$0xf];
	[tilespmem:v2+s5+$0x0] =	vst.idx.add.f32.msk $0xffff, v24  }
0x154: {  	v27 =	vmul.f32 v3, v10;
	s3 =	rddreg [dreg:$0x10];
	[tilespmem:v2+s7+$0x0] =	vst.idx.add.f32.msk $0xffff, v25  }
0x155: {  	v28 =	vmul.f32 v3, v11;
	s5 =	rddreg [dreg:$0x11];
	[tilespmem:v2+s3+$0x0] =	vst.idx.add.f32.msk $0xffff, v26  }
0x156: {  	s7 =	rddreg [dreg:$0x12];
	[tilespmem:v2+s5+$0x0] =	vst.idx.add.f32.msk $0xffff, v27  }
0x157: {  	[tilespmem:v2+s7+$0x0] =	vst.idx.add.f32.msk $0xffff, v28  }
0x158: {  	v4 =	vld [tilespmem:s10+$0x1000]  }
0x159: {  	v5 =	vld [tilespmem:s10+$0x1080]  }
0x15a: {  	v6 =	vld [tilespmem:s10+$0x1100]  }
0x15b: {  	v29 =	vld [tilespmem:s10+$0x1180]  }
0x15c: {  	v30 =	vld [tilespmem:s10+$0x1200]  }
0x15d: {  	v31 =	vld [tilespmem:s10+$0x1280]  }
0x15e: {  	v32 =	vld [tilespmem:s10+$0x1300];
	v4 =	vmul.f32 v4, v3  }
0x15f: {  	s5 =	rddreg [dreg:$0x13];
	v33 =	vld [tilespmem:s10+$0x1380];
	v5 =	vmul.f32 v5, v3  }
0x160: {  	s7 =	rddreg [dreg:$0x14];
	v6 =	vmul.f32 v6, v3;
	[tilespmem:v2+s5+$0x0] =	vst.idx.add.f32.msk $0xffff, v4  }
0x161: {  	s3 =	rddreg [dreg:$0x15];
	v34 =	vmul.f32 v29, v3;
	[tilespmem:v2+s7+$0x0] =	vst.idx.add.f32.msk $0xffff, v5  }
0x162: {  	v35 =	vmul.f32 v30, v3;
	s5 =	rddreg [dreg:$0x16];
	[tilespmem:v2+s3+$0x0] =	vst.idx.add.f32.msk $0xffff, v6  }
0x163: {  	v36 =	vmul.f32 v31, v3;
	s7 =	rddreg [dreg:$0x17];
	[tilespmem:v2+s5+$0x0] =	vst.idx.add.f32.msk $0xffff, v34  }
0x164: {  	v37 =	vmul.f32 v32, v3;
	s3 =	rddreg [dreg:$0x18];
	[tilespmem:v2+s7+$0x0] =	vst.idx.add.f32.msk $0xffff, v35  }
0x165: {  	v38 =	vmul.f32 v33, v3;
	s5 =	rddreg [dreg:$0x19];
	[tilespmem:v2+s3+$0x0] =	vst.idx.add.f32.msk $0xffff, v36  }
0x166: {  	s7 =	rddreg [dreg:$0x1a];
	[tilespmem:v2+s5+$0x0] =	vst.idx.add.f32.msk $0xffff, v37  }
0x167: {  	[tilespmem:v2+s7+$0x0] =	vst.idx.add.f32.msk $0xffff, v38  }
0x168: {  	v4 =	vld [tilespmem:s10+$0x1800]  }
0x169: {  	v5 =	vld [tilespmem:s10+$0x1880]  }
0x16a: {  	v6 =	vld [tilespmem:s10+$0x1900]  }
0x16b: {  	v39 =	vld [tilespmem:s10+$0x1980]  }
0x16c: {  	v40 =	vld [tilespmem:s10+$0x1A00]  }
0x16d: {  	s3 =	rddreg [dreg:$0x1d];
	v41 =	vld [tilespmem:s10+$0x1A80]  }
0x16e: {  	s5 =	rddreg [dreg:$0x1b];
	v42 =	vld [tilespmem:s10+$0x1B00];
	v4 =	vmul.f32 v4, v3  }
0x16f: {  	s7 =	rddreg [dreg:$0x1c];
	v43 =	vld [tilespmem:s10+$0x1B80];
	v5 =	vmul.f32 v5, v3  }
0x170: {  	v6 =	vmul.f32 v6, v3;
	[tilespmem:v2+s5+$0x0] =	vst.idx.add.f32.msk $0xffff, v4;
	s5 =	rddreg [dreg:$0x1e]  }
0x171: {  	v44 =	vmul.f32 v39, v3;
	[tilespmem:v2+s7+$0x0] =	vst.idx.add.f32.msk $0xffff, v5;
	s7 =	rddreg [dreg:$0x1f]  }
0x172: {  	v45 =	vmul.f32 v40, v3;
	[tilespmem:v2+s3+$0x0] =	vst.idx.add.f32.msk $0xffff, v6;
	s3 =	sld [smem:$0x7A6]  }
0x173: {  	v46 =	vmul.f32 v41, v3;
	[tilespmem:v2+s5+$0x0] =	vst.idx.add.f32.msk $0xffff, v44;
	s5 =	sld [smem:$0x7A7]  }
0x174: {  	v47 =	vmul.f32 v42, v3;
	[tilespmem:v2+s7+$0x0] =	vst.idx.add.f32.msk $0xffff, v45;
	s7 =	sld [smem:$0x7A8]  }
0x175: {  	v48 =	vmul.f32 v43, v3;
	[tilespmem:v2+s3+$0x0] =	vst.idx.add.f32.msk $0xffff, v46  }
0x176: {  	[tilespmem:v2+s5+$0x0] =	vst.idx.add.f32.msk $0xffff, v47  }
0x177: {  	[tilespmem:v2+s7+$0x0] =	vst.idx.add.f32.msk $0xffff, v48  }
0x178: {  	v4 =	vld [tilespmem:s10+$0x2000]  }
0x179: {  	v5 =	vld [tilespmem:s10+$0x2080]  }
0x17a: {  	v6 =	vld [tilespmem:s10+$0x2100]  }
0x17b: {  	v49 =	vld [tilespmem:s10+$0x2180]  }
0x17c: {  	v50 =	vld [tilespmem:s10+$0x2200]  }
0x17d: {  	s5 =	sld [smem:$0x7A9];
	v51 =	vld [tilespmem:s10+$0x2280]  }
0x17e: {  	s7 =	sld [smem:$0x7AA];
	v52 =	vld [tilespmem:s10+$0x2300];
	v4 =	vmul.f32 v4, v3  }
0x17f: {  	s3 =	sld [smem:$0x7AB];
	v53 =	vld [tilespmem:s10+$0x2380];
	v5 =	vmul.f32 v5, v3  }
0x180: {  	v6 =	vmul.f32 v6, v3;
	[tilespmem:v2+s5+$0x0] =	vst.idx.add.f32.msk $0xffff, v4;
	s5 =	sld [smem:$0x7AC]  }
0x181: {  	v54 =	vmul.f32 v49, v3;
	[tilespmem:v2+s7+$0x0] =	vst.idx.add.f32.msk $0xffff, v5;
	s7 =	sld [smem:$0x7AD]  }
0x182: {  	v55 =	vmul.f32 v50, v3;
	[tilespmem:v2+s3+$0x0] =	vst.idx.add.f32.msk $0xffff, v6;
	s3 =	sld [smem:$0x7AE]  }
0x183: {  	v56 =	vmul.f32 v51, v3;
	[tilespmem:v2+s5+$0x0] =	vst.idx.add.f32.msk $0xffff, v54;
	s5 =	sld [smem:$0x7AF]  }
0x184: {  	v57 =	vmul.f32 v52, v3;
	[tilespmem:v2+s7+$0x0] =	vst.idx.add.f32.msk $0xffff, v55;
	s7 =	sld [smem:$0x7B0]  }
0x185: {  	v58 =	vmul.f32 v53, v3;
	[tilespmem:v2+s3+$0x0] =	vst.idx.add.f32.msk $0xffff, v56  }
0x186: {  	[tilespmem:v2+s5+$0x0] =	vst.idx.add.f32.msk $0xffff, v57  }
0x187: {  	[tilespmem:v2+s7+$0x0] =	vst.idx.add.f32.msk $0xffff, v58  }
0x188: {  	v4 =	vld [tilespmem:s10+$0x2800]  }
0x189: {  	v5 =	vld [tilespmem:s10+$0x2880]  }
0x18a: {  	v6 =	vld [tilespmem:s10+$0x2900]  }
0x18b: {  	v59 =	vld [tilespmem:s10+$0x2980]  }
0x18c: {  	v60 =	vld [tilespmem:s10+$0x2A00]  }
0x18d: {  	s5 =	sld [smem:$0x7B1];
	v61 =	vld [tilespmem:s10+$0x2A80]  }
0x18e: {  	s7 =	sld [smem:$0x7B2];
	v62 =	vld [tilespmem:s10+$0x2B00];
	v4 =	vmul.f32 v4, v3  }
0x18f: {  	s3 =	sld [smem:$0x7B3];
	v63 =	vld [tilespmem:s10+$0x2B80];
	v5 =	vmul.f32 v5, v3  }
0x190: {  	v6 =	vmul.f32 v6, v3;
	[tilespmem:v2+s5+$0x0] =	vst.idx.add.f32.msk $0xffff, v4;
	s5 =	sld [smem:$0x7B4]  }
0x191: {  	v12 =	vmul.f32 v59, v3;
	[tilespmem:v2+s7+$0x0] =	vst.idx.add.f32.msk $0xffff, v5;
	s7 =	sld [smem:$0x7B5]  }
0x192: {  	v13 =	vmul.f32 v60, v3;
	[tilespmem:v2+s3+$0x0] =	vst.idx.add.f32.msk $0xffff, v6;
	s3 =	sld [smem:$0x7B6]  }
0x193: {  	v14 =	vmul.f32 v61, v3;
	[tilespmem:v2+s5+$0x0] =	vst.idx.add.f32.msk $0xffff, v12;
	s5 =	sld [smem:$0x7B7]  }
0x194: {  	v15 =	vmul.f32 v62, v3;
	[tilespmem:v2+s7+$0x0] =	vst.idx.add.f32.msk $0xffff, v13;
	s7 =	sld [smem:$0x7B8]  }
0x195: {  	v16 =	vmul.f32 v63, v3;
	[tilespmem:v2+s3+$0x0] =	vst.idx.add.f32.msk $0xffff, v14  }
0x196: {  	[tilespmem:v2+s5+$0x0] =	vst.idx.add.f32.msk $0xffff, v15  }
0x197: {  	[tilespmem:v2+s7+$0x0] =	vst.idx.add.f32.msk $0xffff, v16  }
0x198: {  	v4 =	vld [tilespmem:s10+$0x3000]  }
0x199: {  	v5 =	vld [tilespmem:s10+$0x3080]  }
0x19a: {  	v6 =	vld [tilespmem:s10+$0x3100]  }
0x19b: {  	v17 =	vld [tilespmem:s10+$0x3180]  }
0x19c: {  	v18 =	vld [tilespmem:s10+$0x3200]  }
0x19d: {  	s5 =	sld [smem:$0x7B9];
	v19 =	vld [tilespmem:s10+$0x3280]  }
0x19e: {  	s7 =	sld [smem:$0x7BA];
	v20 =	vld [tilespmem:s10+$0x3300];
	v4 =	vmul.f32 v4, v3  }
0x19f: {  	s3 =	sld [smem:$0x7BB];
	v21 =	vld [tilespmem:s10+$0x3380];
	v5 =	vmul.f32 v5, v3  }
0x1a0: {  	v6 =	vmul.f32 v6, v3;
	[tilespmem:v2+s5+$0x0] =	vst.idx.add.f32.msk $0xffff, v4;
	s5 =	sld [smem:$0x7BC]  }
0x1a1: {  	v22 =	vmul.f32 v17, v3;
	[tilespmem:v2+s7+$0x0] =	vst.idx.add.f32.msk $0xffff, v5;
	s7 =	sld [smem:$0x7BD]  }
0x1a2: {  	v23 =	vmul.f32 v18, v3;
	[tilespmem:v2+s3+$0x0] =	vst.idx.add.f32.msk $0xffff, v6;
	s3 =	sld [smem:$0x7BE]  }
0x1a3: {  	v24 =	vmul.f32 v19, v3;
	[tilespmem:v2+s5+$0x0] =	vst.idx.add.f32.msk $0xffff, v22;
	s5 =	sld [smem:$0x7BF]  }
0x1a4: {  	v25 =	vmul.f32 v20, v3;
	[tilespmem:v2+s7+$0x0] =	vst.idx.add.f32.msk $0xffff, v23;
	s7 =	sld [smem:$0x7C0]  }
0x1a5: {  	v26 =	vmul.f32 v21, v3;
	[tilespmem:v2+s3+$0x0] =	vst.idx.add.f32.msk $0xffff, v24  }
0x1a6: {  	[tilespmem:v2+s5+$0x0] =	vst.idx.add.f32.msk $0xffff, v25  }
0x1a7: {  	[tilespmem:v2+s7+$0x0] =	vst.idx.add.f32.msk $0xffff, v26  }
0x1a8: {  	v4 =	vld [tilespmem:s10+$0x3800]  }
0x1a9: {  	v5 =	vld [tilespmem:s10+$0x3880]  }
0x1aa: {  	v6 =	vld [tilespmem:s10+$0x3900]  }
0x1ab: {  	v27 =	vld [tilespmem:s10+$0x3980]  }
0x1ac: {  	v28 =	vld [tilespmem:s10+$0x3A00]  }
0x1ad: {  	s5 =	sld [smem:$0x7C1];
	v29 =	vld [tilespmem:s10+$0x3A80]  }
0x1ae: {  	s7 =	sld [smem:$0x7C2];
	v30 =	vld [tilespmem:s10+$0x3B00];
	v4 =	vmul.f32 v4, v3  }
0x1af: {  	s3 =	sld [smem:$0x7C3];
	v31 =	vld [tilespmem:s10+$0x3B80];
	v5 =	vmul.f32 v5, v3  }
0x1b0: {  	v6 =	vmul.f32 v6, v3;
	[tilespmem:v2+s5+$0x0] =	vst.idx.add.f32.msk $0xffff, v4;
	s5 =	sld [smem:$0x7C4]  }
0x1b1: {  	v32 =	vmul.f32 v27, v3;
	[tilespmem:v2+s7+$0x0] =	vst.idx.add.f32.msk $0xffff, v5;
	s7 =	sld [smem:$0x7C5]  }
0x1b2: {  	v33 =	vmul.f32 v28, v3;
	[tilespmem:v2+s3+$0x0] =	vst.idx.add.f32.msk $0xffff, v6;
	s3 =	sld [smem:$0x7C6]  }
0x1b3: {  	v34 =	vmul.f32 v29, v3;
	[tilespmem:v2+s5+$0x0] =	vst.idx.add.f32.msk $0xffff, v32;
	s5 =	sld [smem:$0x7C7]  }
0x1b4: {  	v35 =	vmul.f32 v30, v3;
	[tilespmem:v2+s7+$0x0] =	vst.idx.add.f32.msk $0xffff, v33;
	s7 =	sld [smem:$0x7C8]  }
0x1b5: {  	v36 =	vmul.f32 v31, v3;
	[tilespmem:v2+s3+$0x0] =	vst.idx.add.f32.msk $0xffff, v34  }
0x1b6: {  	[tilespmem:v2+s5+$0x0] =	vst.idx.add.f32.msk $0xffff, v35  }
0x1b7: {  	[tilespmem:v2+s7+$0x0] =	vst.idx.add.f32.msk $0xffff, v36  }
0x1b8: {  	v4 =	vld [tilespmem:s10+$0x4000]  }
0x1b9: {  	v5 =	vld [tilespmem:s10+$0x4080]  }
0x1ba: {  	v6 =	vld [tilespmem:s10+$0x4100]  }
0x1bb: {  	v37 =	vld [tilespmem:s10+$0x4180]  }
0x1bc: {  	v38 =	vld [tilespmem:s10+$0x4200]  }
0x1bd: {  	s5 =	sld [smem:$0x7C9];
	v39 =	vld [tilespmem:s10+$0x4280]  }
0x1be: {  	s7 =	sld [smem:$0x7CA];
	v40 =	vld [tilespmem:s10+$0x4300];
	v4 =	vmul.f32 v4, v3  }
0x1bf: {  	s3 =	sld [smem:$0x7CB];
	v41 =	vld [tilespmem:s10+$0x4380];
	v5 =	vmul.f32 v5, v3  }
0x1c0: {  	v6 =	vmul.f32 v6, v3;
	[tilespmem:v2+s5+$0x0] =	vst.idx.add.f32.msk $0xffff, v4;
	s5 =	sld [smem:$0x7CC]  }
0x1c1: {  	v42 =	vmul.f32 v37, v3;
	[tilespmem:v2+s7+$0x0] =	vst.idx.add.f32.msk $0xffff, v5;
	s7 =	sld [smem:$0x7CD]  }
0x1c2: {  	v43 =	vmul.f32 v38, v3;
	[tilespmem:v2+s3+$0x0] =	vst.idx.add.f32.msk $0xffff, v6;
	s3 =	sld [smem:$0x7CE]  }
0x1c3: {  	v44 =	vmul.f32 v39, v3;
	[tilespmem:v2+s5+$0x0] =	vst.idx.add.f32.msk $0xffff, v42;
	s5 =	sld [smem:$0x7CF]  }
0x1c4: {  	v45 =	vmul.f32 v40, v3;
	[tilespmem:v2+s7+$0x0] =	vst.idx.add.f32.msk $0xffff, v43;
	s7 =	sld [smem:$0x7D0]  }
0x1c5: {  	v46 =	vmul.f32 v41, v3;
	[tilespmem:v2+s3+$0x0] =	vst.idx.add.f32.msk $0xffff, v44  }
0x1c6: {  	[tilespmem:v2+s5+$0x0] =	vst.idx.add.f32.msk $0xffff, v45  }
0x1c7: {  	[tilespmem:v2+s7+$0x0] =	vst.idx.add.f32.msk $0xffff, v46  }
0x1c8: {  	v4 =	vld [tilespmem:s10+$0x4800]  }
0x1c9: {  	v5 =	vld [tilespmem:s10+$0x4880]  }
0x1ca: {  	v6 =	vld [tilespmem:s10+$0x4900]  }
0x1cb: {  	v47 =	vld [tilespmem:s10+$0x4980]  }
0x1cc: {  	v48 =	vld [tilespmem:s10+$0x4A00]  }
0x1cd: {  	s5 =	sld [smem:$0x7D1];
	v49 =	vld [tilespmem:s10+$0x4A80]  }
0x1ce: {  	s7 =	sld [smem:$0x7D2];
	v50 =	vld [tilespmem:s10+$0x4B00];
	v4 =	vmul.f32 v4, v3  }
0x1cf: {  	s3 =	sld [smem:$0x7D3];
	v51 =	vld [tilespmem:s10+$0x4B80];
	v5 =	vmul.f32 v5, v3  }
0x1d0: {  	v6 =	vmul.f32 v6, v3;
	[tilespmem:v2+s5+$0x0] =	vst.idx.add.f32.msk $0xffff, v4;
	s5 =	sld [smem:$0x7D4]  }
0x1d1: {  	v52 =	vmul.f32 v47, v3;
	[tilespmem:v2+s7+$0x0] =	vst.idx.add.f32.msk $0xffff, v5;
	s7 =	sld [smem:$0x7D5]  }
0x1d2: {  	v53 =	vmul.f32 v48, v3;
	[tilespmem:v2+s3+$0x0] =	vst.idx.add.f32.msk $0xffff, v6;
	s3 =	sld [smem:$0x7D6]  }
0x1d3: {  	v54 =	vmul.f32 v49, v3;
	[tilespmem:v2+s5+$0x0] =	vst.idx.add.f32.msk $0xffff, v52;
	s5 =	sld [smem:$0x7D7]  }
0x1d4: {  	v55 =	vmul.f32 v50, v3;
	[tilespmem:v2+s7+$0x0] =	vst.idx.add.f32.msk $0xffff, v53;
	s7 =	sld [smem:$0x7D8]  }
0x1d5: {  	v56 =	vmul.f32 v51, v3;
	[tilespmem:v2+s3+$0x0] =	vst.idx.add.f32.msk $0xffff, v54  }
0x1d6: {  	[tilespmem:v2+s5+$0x0] =	vst.idx.add.f32.msk $0xffff, v55  }
0x1d7: {  	[tilespmem:v2+s7+$0x0] =	vst.idx.add.f32.msk $0xffff, v56  }
0x1d8: {  	v4 =	vld [tilespmem:s10+$0x5000]  }
0x1d9: {  	v5 =	vld [tilespmem:s10+$0x5080]  }
0x1da: {  	v6 =	vld [tilespmem:s10+$0x5100]  }
0x1db: {  	v57 =	vld [tilespmem:s10+$0x5180]  }
0x1dc: {  	v58 =	vld [tilespmem:s10+$0x5200]  }
0x1dd: {  	s5 =	sld [smem:$0x7D9];
	v59 =	vld [tilespmem:s10+$0x5280]  }
0x1de: {  	s7 =	sld [smem:$0x7DA];
	v60 =	vld [tilespmem:s10+$0x5300];
	v4 =	vmul.f32 v4, v3  }
0x1df: {  	s3 =	sld [smem:$0x7DB];
	v61 =	vld [tilespmem:s10+$0x5380];
	v5 =	vmul.f32 v5, v3  }
0x1e0: {  	v6 =	vmul.f32 v6, v3;
	[tilespmem:v2+s5+$0x0] =	vst.idx.add.f32.msk $0xffff, v4;
	s5 =	sld [smem:$0x7DC]  }
0x1e1: {  	v62 =	vmul.f32 v57, v3;
	[tilespmem:v2+s7+$0x0] =	vst.idx.add.f32.msk $0xffff, v5;
	s7 =	sld [smem:$0x7DD]  }
0x1e2: {  	v63 =	vmul.f32 v58, v3;
	[tilespmem:v2+s3+$0x0] =	vst.idx.add.f32.msk $0xffff, v6;
	s3 =	sld [smem:$0x7DE]  }
0x1e3: {  	v12 =	vmul.f32 v59, v3;
	[tilespmem:v2+s5+$0x0] =	vst.idx.add.f32.msk $0xffff, v62;
	s5 =	sld [smem:$0x7DF]  }
0x1e4: {  	v13 =	vmul.f32 v60, v3;
	[tilespmem:v2+s7+$0x0] =	vst.idx.add.f32.msk $0xffff, v63;
	s7 =	sld [smem:$0x7E1]  }
0x1e5: {  	v14 =	vmul.f32 v61, v3;
	[tilespmem:v2+s3+$0x0] =	vst.idx.add.f32.msk $0xffff, v12  }
0x1e6: {  	[tilespmem:v2+s5+$0x0] =	vst.idx.add.f32.msk $0xffff, v13  }
0x1e7: {  	[tilespmem:v2+s7+$0x0] =	vst.idx.add.f32.msk $0xffff, v14  }
0x1e8: {  	v4 =	vld [tilespmem:s10+$0x5800]  }
0x1e9: {  	v5 =	vld [tilespmem:s10+$0x5880]  }
0x1ea: {  	v6 =	vld [tilespmem:s10+$0x5900]  }
0x1eb: {  	v15 =	vld [tilespmem:s10+$0x5980]  }
0x1ec: {  	v16 =	vld [tilespmem:s10+$0x5A00]  }
0x1ed: {  	s5 =	sld [smem:$0x7E3];
	v17 =	vld [tilespmem:s10+$0x5A80]  }
0x1ee: {  	s7 =	sld [smem:$0x7E5];
	v18 =	vld [tilespmem:s10+$0x5B00];
	v4 =	vmul.f32 v4, v3  }
0x1ef: {  	s3 =	sld [smem:$0x7E6];
	v19 =	vld [tilespmem:s10+$0x5B80];
	v5 =	vmul.f32 v5, v3  }
0x1f0: {  	v6 =	vmul.f32 v6, v3;
	[tilespmem:v2+s5+$0x0] =	vst.idx.add.f32.msk $0xffff, v4;
	s5 =	sld [smem:$0x7E7]  }
0x1f1: {  	v20 =	vmul.f32 v15, v3;
	[tilespmem:v2+s7+$0x0] =	vst.idx.add.f32.msk $0xffff, v5;
	s7 =	sld [smem:$0x7E8]  }
0x1f2: {  	v21 =	vmul.f32 v16, v3;
	[tilespmem:v2+s3+$0x0] =	vst.idx.add.f32.msk $0xffff, v6;
	s3 =	sld [smem:$0x7E9]  }
0x1f3: {  	v22 =	vmul.f32 v17, v3;
	[tilespmem:v2+s5+$0x0] =	vst.idx.add.f32.msk $0xffff, v20;
	s5 =	sld [smem:$0x7EA]  }
0x1f4: {  	v23 =	vmul.f32 v18, v3;
	[tilespmem:v2+s7+$0x0] =	vst.idx.add.f32.msk $0xffff, v21;
	s7 =	sld [smem:$0x7EB]  }
0x1f5: {  	v24 =	vmul.f32 v19, v3;
	[tilespmem:v2+s3+$0x0] =	vst.idx.add.f32.msk $0xffff, v22  }
0x1f6: {  	[tilespmem:v2+s5+$0x0] =	vst.idx.add.f32.msk $0xffff, v23  }
0x1f7: {  	[tilespmem:v2+s7+$0x0] =	vst.idx.add.f32.msk $0xffff, v24  }
0x1f8: {  	v4 =	vld [tilespmem:s10+$0x6000]  }
0x1f9: {  	v5 =	vld [tilespmem:s10+$0x6080]  }
0x1fa: {  	v6 =	vld [tilespmem:s10+$0x6100]  }
0x1fb: {  	v25 =	vld [tilespmem:s10+$0x6180]  }
0x1fc: {  	v26 =	vld [tilespmem:s10+$0x6200]  }
0x1fd: {  	s5 =	sld [smem:$0x7EE];
	v27 =	vld [tilespmem:s10+$0x6280]  }
0x1fe: {  	s7 =	sld [smem:$0x7EF];
	v28 =	vld [tilespmem:s10+$0x6300];
	v4 =	vmul.f32 v4, v3  }
0x1ff: {  	s3 =	sld [smem:$0x7F0];
	v29 =	vld [tilespmem:s10+$0x6380];
	v5 =	vmul.f32 v5, v3  }
0x200: {  	v6 =	vmul.f32 v6, v3;
	[tilespmem:v2+s5+$0x0] =	vst.idx.add.f32.msk $0xffff, v4;
	s5 =	sld [smem:$0x7F2]  }
0x201: {  	v30 =	vmul.f32 v25, v3;
	[tilespmem:v2+s7+$0x0] =	vst.idx.add.f32.msk $0xffff, v5;
	s7 =	sld [smem:$0x7F4]  }
0x202: {  	v31 =	vmul.f32 v26, v3;
	[tilespmem:v2+s3+$0x0] =	vst.idx.add.f32.msk $0xffff, v6;
	s3 =	sld [smem:$0x7F7]  }
0x203: {  	v32 =	vmul.f32 v27, v3;
	[tilespmem:v2+s5+$0x0] =	vst.idx.add.f32.msk $0xffff, v30;
	s5 =	sld [smem:$0x7F8]  }
0x204: {  	v33 =	vmul.f32 v28, v3;
	[tilespmem:v2+s7+$0x0] =	vst.idx.add.f32.msk $0xffff, v31;
	s7 =	sld [smem:$0x7F9]  }
0x205: {  	v34 =	vmul.f32 v29, v3;
	[tilespmem:v2+s3+$0x0] =	vst.idx.add.f32.msk $0xffff, v32  }
0x206: {  	[tilespmem:v2+s5+$0x0] =	vst.idx.add.f32.msk $0xffff, v33  }
0x207: {  	[tilespmem:v2+s7+$0x0] =	vst.idx.add.f32.msk $0xffff, v34  }
0x208: {  	v4 =	vld [tilespmem:s10+$0x6800]  }
0x209: {  	v5 =	vld [tilespmem:s10+$0x6880]  }
0x20a: {  	v6 =	vld [tilespmem:s10+$0x6900]  }
0x20b: {  	v35 =	vld [tilespmem:s10+$0x6980]  }
0x20c: {  	v36 =	vld [tilespmem:s10+$0x6A00]  }
0x20d: {  	s2 =	sld [smem:$0x7FA];
	v37 =	vld [tilespmem:s10+$0x6A80]  }
0x20e: {  	s3 =	sld [smem:$0x7FB];
	v38 =	vld [tilespmem:s10+$0x6B00];
	v4 =	vmul.f32 v4, v3  }
0x20f: {  	s5 =	sld [smem:$0x7FC];
	v39 =	vld [tilespmem:s10+$0x6B80];
	v5 =	vmul.f32 v5, v3  }
0x210: {  	s7 =	sld [smem:$0x7FD];
	v6 =	vmul.f32 v6, v3;
	[tilespmem:v2+s2+$0x0] =	vst.idx.add.f32.msk $0xffff, v4  }
0x211: {  	v40 =	vmul.f32 v35, v3;
	[tilespmem:v2+s3+$0x0] =	vst.idx.add.f32.msk $0xffff, v5  }
0x212: {  	v41 =	vmul.f32 v36, v3;
	[tilespmem:v2+s5+$0x0] =	vst.idx.add.f32.msk $0xffff, v6  }
0x213: {  	v42 =	vmul.f32 v37, v3;
	[tilespmem:v2+s7+$0x0] =	vst.idx.add.f32.msk $0xffff, v40  }
0x214: {  	v43 =	vmul.f32 v38, v3;
	[tilespmem:v2+s18+$0x0] =	vst.idx.add.f32.msk $0xffff, v41  }
0x215: {  	v44 =	vmul.f32 v39, v3;
	[tilespmem:v2+s19+$0x0] =	vst.idx.add.f32.msk $0xffff, v42  }
0x216: {  	[tilespmem:v2+s20+$0x0] =	vst.idx.add.f32.msk $0xffff, v43  }
0x217: {  	[tilespmem:v2+s21+$0x0] =	vst.idx.add.f32.msk $0xffff, v44  }
0x218: {  	v4 =	vld [tilespmem:s10+$0x7000]  }
0x219: {  	v5 =	vld [tilespmem:s10+$0x7080]  }
0x21a: {  	v6 =	vld [tilespmem:s10+$0x7100]  }
0x21b: {  	v45 =	vld [tilespmem:s10+$0x7180]  }
0x21c: {  	v46 =	vld [tilespmem:s10+$0x7200]  }
0x21d: {  	v47 =	vld [tilespmem:s10+$0x7280]  }
0x21e: {  	v48 =	vld [tilespmem:s10+$0x7300];
	v4 =	vmul.f32 v4, v3  }
0x21f: {  	v49 =	vld [tilespmem:s10+$0x7380];
	v5 =	vmul.f32 v5, v3  }
0x220: {  	v6 =	vmul.f32 v6, v3;
	[tilespmem:v2+s22+$0x0] =	vst.idx.add.f32.msk $0xffff, v4  }
0x221: {  	v50 =	vmul.f32 v45, v3;
	[tilespmem:v2+s23+$0x0] =	vst.idx.add.f32.msk $0xffff, v5  }
0x222: {  	v51 =	vmul.f32 v46, v3;
	[tilespmem:v2+s24+$0x0] =	vst.idx.add.f32.msk $0xffff, v6  }
0x223: {  	v52 =	vmul.f32 v47, v3;
	[tilespmem:v2+s25+$0x0] =	vst.idx.add.f32.msk $0xffff, v50  }
0x224: {  	v53 =	vmul.f32 v48, v3;
	[tilespmem:v2+s26+$0x0] =	vst.idx.add.f32.msk $0xffff, v51  }
0x225: {  	v54 =	vmul.f32 v49, v3;
	[tilespmem:v2+s28+$0x0] =	vst.idx.add.f32.msk $0xffff, v52  }
0x226: {  	[tilespmem:v2+s29+$0x0] =	vst.idx.add.f32.msk $0xffff, v53  }
0x227: {  	[tilespmem:v2+s30+$0x0] =	vst.idx.add.f32.msk $0xffff, v54  }
0x228: {  	v4 =	vld [tilespmem:s10+$0x7800]  }
0x229: {  	v5 =	vld [tilespmem:s10+$0x7880]  }
0x22a: {  	v6 =	vld [tilespmem:s10+$0x7900]  }
0x22b: {  	v55 =	vld [tilespmem:s10+$0x7980]  }
0x22c: {  	v56 =	vld [tilespmem:s10+$0x7A00]  }
0x22d: {  	v57 =	vld [tilespmem:s10+$0x7A80]  }
0x22e: {  	v58 =	vld [tilespmem:s10+$0x7B00];
	v4 =	vmul.f32 v4, v3  }
0x22f: {  	v59 =	vld [tilespmem:s10+$0x7B80];
	v5 =	vmul.f32 v5, v3  }
0x230: {  	v6 =	vmul.f32 v6, v3;
	[tilespmem:v2+s31+$0x0] =	vst.idx.add.f32.msk $0xffff, v4  }
0x231: {  	v60 =	vmul.f32 v55, v3;
	[tilespmem:v2+s0+$0x0] =	vst.idx.add.f32.msk $0xffff, v5  }
0x232: {  	p0 =	seq.s32 s9, $0x780;
	v61 =	vmul.f32 v56, v3;
	[tilespmem:v2+s4+$0x0] =	vst.idx.add.f32.msk $0xffff, v6  }
.Ltmp1:
0x233: {  	v62 =	vmul.f32 v57, v3;
	[tilespmem:v2+s13+$0x0] =	vst.idx.add.f32.msk $0xffff, v60;
	(pc) =	sbr.rel @!p0 .LBB2_6-.Ltmp1, $4  }
0x234: {  	v63 =	vmul.f32 v58, v3;
	[tilespmem:v2+s14+$0x0] =	vst.idx.add.f32.msk $0xffff, v61  }
0x235: {  	v3 =	vmul.f32 v59, v3;
	[tilespmem:v2+s15+$0x0] =	vst.idx.add.f32.msk $0xffff, v62  }
0x236: {  	[tilespmem:v2+s16+$0x0] =	vst.idx.add.f32.msk $0xffff, v63  }
0x237: {  	s12 =	sadd.s32 $0x10, s12;
	s9 =	sadd.s32 $0x80, s9;
	[tilespmem:v2+s6+$0x0] =	vst.idx.add.f32.msk $0xffff, v3  }
0x238: {  	p0 =	seq.s32 s11, $0x20  }
.Ltmp2:
0x239: {  	_ = 	snop;
	(pc) =	sbr.rel @!p0 .LBB2_5-.Ltmp2, $1  }
0x23a: {  	_ =	sdelay $0x3  }
0x23b: {  	s1 =	sld [smem:$0x7F1];
	_ =	sdelay $0x1  }
0x23c: {  	s2 =	simm.s32 $0x80;
	s3 =	simm.s32 $0x400;
	s10 =	simm.s32 $0x5  }
0x23d: {  	[hbm4b:s1+s2] =	stream.strided.scatter [tilespmem:s17], [sflag:$0x5], $0xA000, s3, s2, $0x38;
	[tilespmem:$0x1A200] =	vst v63  }
0x23e: {  	_ =	swait.ge [sflag:s10], $0xA000  }
0x23f: {  	s11 =	sld [smem:$0x7A5]  }
0x240: {  	s12 =	sld [smem:$0x7F3];
	_ =	sdelay $0x1  }
0x241: {  	s3 =	sadd.s32 $0x1, s11  }
0x242: {  	p0 =	sne.s32 s3, s12  }
.Ltmp3:
0x243: {  	_ = 	snop;
	(pc) =	sbr.rel @p0 .LBB2_1-.Ltmp3, $3  }
0x244: {  	_ =	sdelay $0x1  }
0x245: {  	[sflag:s10] =	ssyncset.done $0x0  }
0x246: {  	[sflag:s10] =	ssyncadd.s32 $0xFFFF6000  }
0x247: {  	_ =	sfence.sel $0x180000  }
0x248: {  	[bflag:$0x0] =	sbarrier.arrive $0xFFFF  }
0x249: {  	_ =	strace $0x90000047  }
0x24a: {  	s0 =	stileid.u32;
	[bflag:$0x2] =	sbarrier.arrive $0xFFFF  }
0x24b: {  	p0 =	sne.s32 s0, $0x0;
	s0 =	rddreg [dreg:$0x1]  }
0x24c: {  	s0 =	sadd.s32 @!p0 $0x100000, s0  }
0x24d: {  	[sflag:s0] =	ssyncadd.tile.s32 @!p0 $0x1;
	_ =	shalt  }
.Lfunc_end2:
_tile_overlayer_lowered:
.L_overlay_start_2:
0x24e: {  	(tag) =	ssettag $0x2  }
0x24f: {  	s0 =	rddreg [dreg:$0x0];
	s2 =	stileid.u32  }
0x250: {  	s1 =	rddreg [dreg:$0x1];
	p0 =	sne.s32 s2, $0x0  }
0x251: {  	s3 =	rddreg [dreg:$0x2];
	[bflag:$0x3] =	sbarrier.arrive $0xFFFF;
	s2 =	simm.s32 @!p0 $0x1C05  }
0x252: {  	[timem:s3], [sflag:s2] =	dma.local @!p0 [hbm:s0], s1  }
0x253: {  	s0 =	simm.s32 @!p0 $0x5  }
0x254: {  	_ =	swait.ge @!p0 [sflag:s0], s1  }
0x255: {  	s1 =	ssub.s32 @!p0 $0x0, s1;
	[sflag:s0] =	ssyncset.done @!p0 $0x0  }
0x256: {  	[sflag:s0] =	ssyncadd.s32 @!p0 s1  }
0x257: {  	[bflag:$0x3] =	sbarrier.arrive $0xFFFF  }
0x258: {  	_ =	shalt  }

</sc_bundles>
